<compile_context>
chip_gen: v7x
topology: tpu7x:2x2x1
jax: 0.10.2.dev20260603
libtpu: 0.0.44.dev20260713+nightly
codegen_flags: <defaults>
</compile_context>

<pallas_src>
import functools

import jax
import jax.numpy as jnp
from jax import lax
from jax.experimental import pallas as pl
from jax.experimental.pallas import tpu as pltpu
from jax.experimental.pallas import tpu_sc as plsc

N = 2048
E = 65536
F_IN = 256
NEURONS = 64
HEADS = 4
EMB = 16
HID = HEADS * NEURONS

NE = E + N
NSUB = 16
EPT = NE // NSUB
CHUNK = 128
NCHUNK = EPT // CHUNK
ROWS = 512
TRASH = ROWS * N
SLICE = ROWS * N // NSUB
ZBUF = 16384
NCMAX = EPT // CHUNK + 1


def _count_body(src_hbm, dst_hbm, c_hbm, src_v, dst_v, idx_v, ones_v,
                zeros_v, shared, sem):
    c = lax.axis_index("c")
    s = lax.axis_index("s")

    def _fill(i, _):
        zeros_v[pl.ds(i * 16, 16)] = jnp.zeros((16,), jnp.float32)
        return 0
    lax.fori_loop(0, ZBUF // 16, _fill, 0)

    def _fill1(i, _):
        ones_v[pl.ds(i * 16, 16)] = jnp.ones((16,), jnp.float32)
        return 0
    lax.fori_loop(0, CHUNK // 16, _fill1, 0)

    pltpu.sync_copy(src_hbm.at[pl.ds(s * EPT, EPT)], src_v)
    pltpu.sync_copy(dst_hbm.at[pl.ds(s * EPT, EPT)], dst_v)

    for rnd in range(2):
        base = (rnd * 2) * ROWS + c * ROWS

        zcopies = [
            pltpu.async_copy(
                zeros_v, shared.at[pl.ds(s * SLICE + i * ZBUF, ZBUF)], sem)
            for i in range(SLICE // ZBUF)
        ]
        def _grp(k, _):
            off = k * 16
            d = dst_v[pl.ds(off, 16)]
            sv = src_v[pl.ds(off, 16)]
            rel = d - base
            inr = (rel >= 0) & (rel < ROWS)
            flat = rel * N + sv
            idx_v[off // CHUNK, pl.ds(off % CHUNK, 16)] = \
                jnp.where(inr, flat, TRASH + (sv & 1023))
            return 0
        lax.fori_loop(0, EPT // 16, _grp, 0)
        for zc in zcopies:
            zc.wait()
        plsc.subcore_barrier()

        scopies = [
            pltpu.async_copy(ones_v, shared.at[idx_v.at[j]], sem,
                             add=True)
            for j in range(NCHUNK)
        ]
        for sc_ in scopies:
            sc_.wait()
        plsc.subcore_barrier()

        pltpu.sync_copy(shared.at[pl.ds(s * SLICE, SLICE)],
                        c_hbm.at[pl.ds(base * N + s * SLICE, SLICE)])
        plsc.subcore_barrier()


def _build_counts(src, dst):
    mesh = plsc.VectorSubcoreMesh(core_axis_name="c", subcore_axis_name="s")
    f = pl.kernel(
        _count_body,
        out_type=jax.ShapeDtypeStruct((N * N,), jnp.float32),
        mesh=mesh,
        scratch_types=[
            pltpu.VMEM((EPT,), jnp.int32),
            pltpu.VMEM((EPT,), jnp.int32),
            pltpu.VMEM((NCHUNK, CHUNK), jnp.int32),
            pltpu.VMEM((CHUNK,), jnp.float32),
            pltpu.VMEM((ZBUF,), jnp.float32),
            pltpu.VMEM_SHARED((ROWS * N + 2048,), jnp.float32),
            pltpu.SemaphoreType.DMA,
        ],
    )
    return f(src, dst)


BD = 256


def _proj1_body(x_ref, w1_ref, asrc_ref, adst_ref, xl_ref, asrcT_ref,
                adst_out_ref):
    xl = jnp.dot(x_ref[...], w1_ref[...], preferred_element_type=jnp.float32)
    xl_ref[...] = xl
    asrcT_ref[...] = lax.dot_general(
        asrc_ref[...], xl, (((1,), (1,)), ((), ())),
        preferred_element_type=jnp.float32)
    adst_out_ref[...] = jnp.dot(xl, adst_ref[...],
                                preferred_element_type=jnp.float32)


def _proj1(x, W1, AsrcM, AdstT):
    return pl.pallas_call(
        _proj1_body,
        grid=(N // BD,),
        in_specs=[
            pl.BlockSpec((BD, F_IN), lambda i: (i, 0)),
            pl.BlockSpec((F_IN, HID), lambda i: (0, 0)),
            pl.BlockSpec((HEADS, HID), lambda i: (0, 0)),
            pl.BlockSpec((HID, HEADS), lambda i: (0, 0)),
        ],
        out_specs=[
            pl.BlockSpec((BD, HID), lambda i: (i, 0)),
            pl.BlockSpec((HEADS, BD), lambda i: (0, i)),
            pl.BlockSpec((BD, HEADS), lambda i: (i, 0)),
        ],
        out_shape=[
            jax.ShapeDtypeStruct((N, HID), jnp.float32),
            jax.ShapeDtypeStruct((HEADS, N), jnp.float32),
            jax.ShapeDtypeStruct((N, HEADS), jnp.float32),
        ],
    )(x, W1, AsrcM, AdstT)


def _leaky(v):
    return jnp.where(v >= 0, v, 0.2 * v)


def _layer1_body(c_ref, asrcT_ref, adst_ref, xl_ref, w2_ref, a2s_ref,
                 a2d_ref, b1_ref, hl_ref, asrc2T_ref, adst2_ref):
    i = pl.program_id(0)
    m1 = _leaky(jnp.max(asrcT_ref[...], axis=1) +
                jnp.max(adst_ref[...], axis=0))
    adst_blk = adst_ref[pl.ds(i * BD, BD), :]
    cblk = c_ref[...].astype(jnp.float32)
    cols = []
    for h in range(HEADS):
        alpha = asrcT_ref[h:h + 1, :] + adst_blk[:, h:h + 1]
        p = cblk * jnp.exp(_leaky(alpha) - m1[h])
        den = jnp.sum(p, axis=1, keepdims=True)
        num = jnp.dot(p, xl_ref[:, h * NEURONS:(h + 1) * NEURONS],
                      preferred_element_type=jnp.float32)
        cols.append(jnp.maximum(
            num / den + b1_ref[0:1, h * NEURONS:(h + 1) * NEURONS], 0.0))
    hidden = jnp.concatenate(cols, axis=1)
    hl = jnp.dot(hidden, w2_ref[...], preferred_element_type=jnp.float32)
    hl_ref[...] = hl
    asrc2T_ref[...] = lax.dot_general(
        a2s_ref[...], hl, (((1,), (1,)), ((), ())),
        preferred_element_type=jnp.float32)
    adst2_ref[...] = jnp.dot(hl, a2d_ref[...],
                             preferred_element_type=jnp.float32)


def _layer1(C, a_srcT, a_dst, x_l, W2, att2s, att2dT, b1):
    return pl.pallas_call(
        _layer1_body,
        grid=(N // BD,),
        in_specs=[
            pl.BlockSpec((BD, N), lambda i: (i, 0)),
            pl.BlockSpec((HEADS, N), lambda i: (0, 0)),
            pl.BlockSpec((N, HEADS), lambda i: (0, 0)),
            pl.BlockSpec((N, HID), lambda i: (0, 0)),
            pl.BlockSpec((HID, EMB), lambda i: (0, 0)),
            pl.BlockSpec((1, EMB), lambda i: (0, 0)),
            pl.BlockSpec((EMB, 1), lambda i: (0, 0)),
            pl.BlockSpec((1, HID), lambda i: (0, 0)),
        ],
        out_specs=[
            pl.BlockSpec((BD, EMB), lambda i: (i, 0)),
            pl.BlockSpec((1, BD), lambda i: (0, i)),
            pl.BlockSpec((BD, 1), lambda i: (i, 0)),
        ],
        out_shape=[
            jax.ShapeDtypeStruct((N, EMB), jnp.float32),
            jax.ShapeDtypeStruct((1, N), jnp.float32),
            jax.ShapeDtypeStruct((N, 1), jnp.float32),
        ],
    )(C, a_srcT, a_dst, x_l, W2, att2s, att2dT, b1)


def _layer2_body(c_ref, hl_ref, asrc2T_ref, adst2_ref, b2_ref, emb_ref):
    i = pl.program_id(0)
    m2 = _leaky(jnp.max(asrc2T_ref[...]) + jnp.max(adst2_ref[...]))
    alpha = asrc2T_ref[...] + adst2_ref[pl.ds(i * BD, BD), :]
    p = c_ref[...].astype(jnp.float32) * jnp.exp(_leaky(alpha) - m2)
    den = jnp.sum(p, axis=1, keepdims=True)
    num = jnp.dot(p, hl_ref[...], preferred_element_type=jnp.float32)
    emb_ref[...] = num / den + b2_ref[...]


def _layer2(C, h_l, a_src2T, a_dst2, b2):
    return pl.pallas_call(
        _layer2_body,
        grid=(N // BD,),
        in_specs=[
            pl.BlockSpec((BD, N), lambda i: (i, 0)),
            pl.BlockSpec((N, EMB), lambda i: (0, 0)),
            pl.BlockSpec((1, N), lambda i: (0, 0)),
            pl.BlockSpec((N, 1), lambda i: (0, 0)),
            pl.BlockSpec((1, EMB), lambda i: (0, 0)),
        ],
        out_specs=pl.BlockSpec((BD, EMB), lambda i: (i, 0)),
        out_shape=jax.ShapeDtypeStruct((N, EMB), jnp.float32),
    )(C, h_l, a_src2T, a_dst2, b2)


def _vae_body(emb_ref, muw_ref, mub_ref, lvw_ref, lvb_ref, eps_ref, zm_ref):
    emb = emb_ref[...]
    mu = jnp.dot(emb, muw_ref[...], preferred_element_type=jnp.float32) \
        + mub_ref[...]
    lv = jnp.dot(emb, lvw_ref[...], preferred_element_type=jnp.float32) \
        + lvb_ref[...]
    z = mu + eps_ref[...] * jnp.exp(0.5 * lv)
    zm_ref[...] = jnp.mean(z, axis=0, keepdims=True)


def _vae(emb, mu_W, mu_b, lv_W, lv_b, eps):
    return pl.pallas_call(
        _vae_body,
        out_shape=jax.ShapeDtypeStruct((1, EMB), jnp.float32),
    )(emb, mu_W, mu_b, lv_W, lv_b, eps)


BR = 64


def _decode_body(zm_ref, w_ref, b_ref, out_ref):
    y = jnp.dot(zm_ref[...], w_ref[...], preferred_element_type=jnp.float32)
    y2 = y.reshape(BR, N) + b_ref[...]
    out_ref[...] = 1.0 / (1.0 + jnp.exp(-y2))


def _decode(zm, dec_W, dec_b2):
    return pl.pallas_call(
        _decode_body,
        grid=(N // BR,),
        in_specs=[
            pl.BlockSpec((1, EMB), lambda i: (0, 0)),
            pl.BlockSpec((EMB, BR * N), lambda i: (0, i)),
            pl.BlockSpec((BR, N), lambda i: (i, 0)),
        ],
        out_specs=pl.BlockSpec((BR, N), lambda i: (i, 0)),
        out_shape=jax.ShapeDtypeStruct((N, N), jnp.float32),
    )(zm, dec_W, dec_b2)


def kernel(edge_index, x, W1, att_src1, att_dst1, b1, W2, att_src2,
           att_dst2, b2, mu_W, mu_b, lv_W, lv_b, dec_W, dec_b):
    loops = jnp.arange(N, dtype=edge_index.dtype)
    src = jnp.concatenate([edge_index[0], loops])
    dst = jnp.concatenate([edge_index[1], loops])
    C = _build_counts(src, dst).reshape(N, N)

    AsrcM = (jnp.eye(HEADS, dtype=jnp.float32)[:, :, None]
             * att_src1[0][:, None, :]).reshape(HEADS, HID)
    AdstM = (jnp.eye(HEADS, dtype=jnp.float32)[:, :, None]
             * att_dst1[0][:, None, :]).reshape(HEADS, HID)
    x_l, a_srcT, a_dst = _proj1(x, W1, AsrcM, AdstM.T)

    h_l, a_src2T, a_dst2 = _layer1(
        C, a_srcT, a_dst, x_l, W2,
        att_src2.reshape(1, EMB), att_dst2.reshape(1, EMB).T,
        b1.reshape(1, HID))

    emb = _layer2(C, h_l, a_src2T, a_dst2, b2.reshape(1, EMB))

    eps = jax.random.normal(jax.random.key(42), (N, EMB), jnp.float32)
    zm = _vae(emb, mu_W, mu_b.reshape(1, EMB), lv_W, lv_b.reshape(1, EMB),
              eps)

    return _decode(zm, dec_W, dec_b.reshape(N, N))

# --- scband reference (transcript-rebuilt; emitter-appended) ---
"""Pipeline reference for scband-gat-vgae-2869038153804 (READ-ONLY COPY).

The authoritative reference and input builder live on the scoring server;
editing this copy changes nothing except your own understanding.
"""

import jax, jax.numpy as jnp
import numpy as np

N = 2048
E = 65536
F_IN = 256
NEURONS = 64
HEADS = 4
EMB = 16


def _gat_conv(x, edge_index, W, att_src, att_dst, bias, heads, concat):
    n = x.shape[0]
    x_l = (x @ W).reshape(n, heads, -1)
    loops = jnp.arange(n, dtype=edge_index.dtype)
    src = jnp.concatenate([edge_index[0], loops])
    dst = jnp.concatenate([edge_index[1], loops])
    a_src = (x_l * att_src).sum(-1)  # [n, H]
    a_dst = (x_l * att_dst).sum(-1)  # [n, H]
    alpha = a_src[src] + a_dst[dst]  # [E+n, H]
    alpha = jax.nn.leaky_relu(alpha, 0.2)
    m = jax.ops.segment_max(alpha, dst, num_segments=n)
    m = jnp.where(jnp.isfinite(m), m, 0.0)
    e = jnp.exp(alpha - m[dst])
    denom = jax.ops.segment_sum(e, dst, num_segments=n)
    a = e / (denom[dst] + 1e-16)
    msg = x_l[src] * a[:, :, None]
    out = jax.ops.segment_sum(msg, dst, num_segments=n)
    if concat:
        out = out.reshape(n, heads * out.shape[-1])
    else:
        out = out.mean(axis=1)
    return out + bias


def setup_inputs(seed: int = 0) -> dict:
    key = jax.random.key(seed)
    ks = jax.random.split(key, 20)
    x = jax.random.normal(ks[0], (N, F_IN), dtype=jnp.float32)
    edge_index = jax.random.randint(ks[1], (2, E), 0, N, dtype=jnp.int32)
    W1 = jax.random.normal(ks[2], (F_IN, HEADS * NEURONS), dtype=jnp.float32) * 0.05
    att_src1 = jax.random.normal(ks[3], (1, HEADS, NEURONS), dtype=jnp.float32) * 0.05
    att_dst1 = jax.random.normal(ks[4], (1, HEADS, NEURONS), dtype=jnp.float32) * 0.05
    b1 = jnp.zeros((HEADS * NEURONS,), dtype=jnp.float32)
    W2 = jax.random.normal(ks[5], (HEADS * NEURONS, EMB), dtype=jnp.float32) * 0.05
    att_src2 = jax.random.normal(ks[6], (1, 1, EMB), dtype=jnp.float32) * 0.05
    att_dst2 = jax.random.normal(ks[7], (1, 1, EMB), dtype=jnp.float32) * 0.05
    b2 = jnp.zeros((EMB,), dtype=jnp.float32)
    mu_W = jax.random.normal(ks[8], (EMB, EMB), dtype=jnp.float32) * 0.1
    mu_b = jnp.zeros((EMB,), dtype=jnp.float32)
    lv_W = jax.random.normal(ks[9], (EMB, EMB), dtype=jnp.float32) * 0.1
    lv_b = jnp.zeros((EMB,), dtype=jnp.float32)
    dec_W = jax.random.normal(ks[10], (EMB, N * N), dtype=jnp.float32) * 0.05
    dec_b = jnp.zeros((N * N,), dtype=jnp.float32)
    return {"edge_index": edge_index, "x": x, "W1": W1, "att_src1": att_src1,
            "att_dst1": att_dst1, "b1": b1, "W2": W2, "att_src2": att_src2,
            "att_dst2": att_dst2, "b2": b2, "mu_W": mu_W, "mu_b": mu_b,
            "lv_W": lv_W, "lv_b": lv_b, "dec_W": dec_W, "dec_b": dec_b}


def reference(edge_index, x, W1, att_src1, att_dst1, b1, W2, att_src2, att_dst2, b2,
              mu_W, mu_b, lv_W, lv_b, dec_W, dec_b):
    # encode
    hidden = jax.nn.relu(_gat_conv(x, edge_index, W1, att_src1, att_dst1, b1, HEADS, True))
    embedding = _gat_conv(hidden, edge_index, W2, att_src2, att_dst2, b2, 1, False)
    mu = embedding @ mu_W + mu_b
    log_var = embedding @ lv_W + lv_b
    # reparameterize (fixed eps key; dropout off / eval mode)
    std = jnp.exp(0.5 * log_var)
    eps = jax.random.normal(jax.random.key(42), std.shape, dtype=std.dtype)
    z = mu + eps * std
    # decode
    zm = z.mean(axis=0)
    decoded = jax.nn.sigmoid(zm @ dec_W + dec_b).reshape(N, N)
    return decoded

if __name__ == "__main__":
    import jax
    _d = setup_inputs()
    print(jax.jit(kernel)(*tuple(_d.values())))

</pallas_src>

<mosaic_0001>
#map = affine_map<(d0, d1) -> (0)>
module attributes {stable_mosaic.version = 14 : i64} {
  func.func @_count_body(%arg0: i32, %arg1: i32, %arg2: memref<67584xi32, #tpu.memory_space<hbm>>, %arg3: memref<67584xi32, #tpu.memory_space<hbm>>, %arg4: memref<4194304xf32, #tpu.memory_space<hbm>>, %arg5: memref<4224xi32, #tpu.memory_space<vmem>>, %arg6: memref<4224xi32, #tpu.memory_space<vmem>>, %arg7: memref<33x128xi32, #tpu.memory_space<vmem>>, %arg8: memref<128xf32, #tpu.memory_space<vmem>>, %arg9: memref<16384xf32, #tpu.memory_space<vmem>>, %arg10: memref<1050624xf32, #tpu.memory_space<vmem_shared>>, %arg11: memref<!tpu.dma_semaphore, #tpu.memory_space<semaphore_mem>>) attributes {dimension_semantics = [#tpu.dimension_semantics<core_parallel>, #tpu.dimension_semantics<subcore_parallel>], iteration_bounds = array<i64: 2, 16>, scalar_prefetch = 0 : i64, scratch_operands = 7 : i64, tpu.core_type = #tpu.core_type<sc_vector_subcore>, window_params = [{transform_indices = #map}, {transform_indices = #map}, {transform_indices = #map}]} {
    %scan3A = arith.constant 0 : i32
    %scan3A_0 = arith.constant 0 : i32
    %scan3A_1 = arith.constant 1024 : i32
    %scan3A_2 = arith.addi %scan3A_0, %scan3A_1 : i32
    %scan3A_3 = arith.constant 1 : i32
    %scan3A_4 = scf.for %scan3A_910 = %scan3A_0 to %scan3A_2 step %scan3A_3 iter_args(%scan3A_911 = %scan3A) -> (i32)  : i32 {
      %broadcast_in_dim3A = arith.constant 0.000000e+00 : f32
      %broadcast_in_dim3A_912 = vector.broadcast %broadcast_in_dim3A : f32 to vector<16xf32>
      %mul3A_913 = arith.constant 16 : i32
      %mul3A_914 = arith.muli %scan3A_910, %mul3A_913 : i32
      %swap3A = arith.index_cast %mul3A_914 : i32 to index
      %swap3A_915 = tpu.vector_load %arg9[%swap3A] {strides = array<i32>} : memref<16384xf32, #tpu.memory_space<vmem>>, vector<16xf32>,
      %swap3A_916 = vector.shape_cast %swap3A_915 : vector<16xf32> to vector<16xf32>
      %swap3A_917 = vector.shape_cast %broadcast_in_dim3A_912 : vector<16xf32> to vector<16xf32>
      tpu.vector_store %arg9[%swap3A], %swap3A_917 {strides = array<i32>} : memref<16384xf32, #tpu.memory_space<vmem>>, vector<16xf32>,
      %scan3A_918 = arith.constant 0 : i32
      scf.yield %scan3A_918 : i32
    }
    %scan3A_5 = arith.constant 1024 : i32
    %scan3A_6 = arith.constant 0 : i32
    %scan3A_7 = arith.constant 0 : i32
    %scan3A_8 = arith.constant 8 : i32
    %scan3A_9 = arith.addi %scan3A_7, %scan3A_8 : i32
    %scan3A_10 = arith.constant 1 : i32
    %scan3A_11 = scf.for %scan3A_910 = %scan3A_7 to %scan3A_9 step %scan3A_10 iter_args(%scan3A_911 = %scan3A_6) -> (i32)  : i32 {
      %broadcast_in_dim3A = arith.constant 1.000000e+00 : f32
      %broadcast_in_dim3A_912 = vector.broadcast %broadcast_in_dim3A : f32 to vector<16xf32>
      %mul3A_913 = arith.constant 16 : i32
      %mul3A_914 = arith.muli %scan3A_910, %mul3A_913 : i32
      %swap3A = arith.index_cast %mul3A_914 : i32 to index
      %swap3A_915 = tpu.vector_load %arg8[%swap3A] {strides = array<i32>} : memref<128xf32, #tpu.memory_space<vmem>>, vector<16xf32>,
      %swap3A_916 = vector.shape_cast %swap3A_915 : vector<16xf32> to vector<16xf32>
      %swap3A_917 = vector.shape_cast %broadcast_in_dim3A_912 : vector<16xf32> to vector<16xf32>
      tpu.vector_store %arg8[%swap3A], %swap3A_917 {strides = array<i32>} : memref<128xf32, #tpu.memory_space<vmem>>, vector<16xf32>,
      %scan3A_918 = arith.constant 0 : i32
      scf.yield %scan3A_918 : i32
    }
    %scan3A_12 = arith.constant 8 : i32
    %mul3A = arith.constant 4224 : i32
    %mul3A_13 = arith.muli %arg1, %mul3A : i32
    "tpu.region"() ({
      %run_scoped3A = tpu.sem_alloc : memref<!tpu.dma_semaphore, #tpu.memory_space<semaphore_mem>>
      %dma_start3A_910 = tpu.memref_slice %arg2[%mul3A_13] : memref<67584xi32, #tpu.memory_space<hbm>> -> memref<4224xi32, #tpu.memory_space<hbm>>
      %dma_start3A_911 = tpu.memref_slice %arg2[%mul3A_13] : memref<67584xi32, #tpu.memory_space<hbm>> -> memref<4224xi32, #tpu.memory_space<hbm>>
      tpu.enqueue_dma source(%dma_start3A_911 : memref<4224xi32, #tpu.memory_space<hbm>>) target(%arg5 : memref<4224xi32, #tpu.memory_space<vmem>>) target_semaphore(%run_scoped3A : memref<!tpu.dma_semaphore, #tpu.memory_space<semaphore_mem>>)
      %dma_wait3A_912 = tpu.memref_slice %arg2[%mul3A_13] : memref<67584xi32, #tpu.memory_space<hbm>> -> memref<4224xi32, #tpu.memory_space<hbm>>
      %dma_wait3A_913 = tpu.memref_slice %arg2[%mul3A_13] : memref<67584xi32, #tpu.memory_space<hbm>> -> memref<4224xi32, #tpu.memory_space<hbm>>
      tpu.wait_dma2 semaphore(%run_scoped3A : memref<!tpu.dma_semaphore, #tpu.memory_space<semaphore_mem>>) src(%dma_wait3A_913 : memref<4224xi32, #tpu.memory_space<hbm>>) dst(%arg5 : memref<4224xi32, #tpu.memory_space<vmem>>)
      tpu.yield
    }) : () -> ()
    %mul3A_14 = arith.constant 4224 : i32
    %mul3A_15 = arith.muli %arg1, %mul3A_14 : i32
    "tpu.region"() ({
      %run_scoped3A = tpu.sem_alloc : memref<!tpu.dma_semaphore, #tpu.memory_space<semaphore_mem>>
      %dma_start3A_910 = tpu.memref_slice %arg3[%mul3A_15] : memref<67584xi32, #tpu.memory_space<hbm>> -> memref<4224xi32, #tpu.memory_space<hbm>>
      %dma_start3A_911 = tpu.memref_slice %arg3[%mul3A_15] : memref<67584xi32, #tpu.memory_space<hbm>> -> memref<4224xi32, #tpu.memory_space<hbm>>
      tpu.enqueue_dma source(%dma_start3A_911 : memref<4224xi32, #tpu.memory_space<hbm>>) target(%arg6 : memref<4224xi32, #tpu.memory_space<vmem>>) target_semaphore(%run_scoped3A : memref<!tpu.dma_semaphore, #tpu.memory_space<semaphore_mem>>)
      %dma_wait3A_912 = tpu.memref_slice %arg3[%mul3A_15] : memref<67584xi32, #tpu.memory_space<hbm>> -> memref<4224xi32, #tpu.memory_space<hbm>>
      %dma_wait3A_913 = tpu.memref_slice %arg3[%mul3A_15] : memref<67584xi32, #tpu.memory_space<hbm>> -> memref<4224xi32, #tpu.memory_space<hbm>>
      tpu.wait_dma2 semaphore(%run_scoped3A : memref<!tpu.dma_semaphore, #tpu.memory_space<semaphore_mem>>) src(%dma_wait3A_913 : memref<4224xi32, #tpu.memory_space<hbm>>) dst(%arg6 : memref<4224xi32, #tpu.memory_space<vmem>>)
      tpu.yield
    }) : () -> ()
    %mul3A_16 = arith.constant 512 : i32
    %mul3A_17 = arith.muli %arg0, %mul3A_16 : i32
    %add3A = arith.constant 0 : i32
    %add3A_18 = arith.addi %add3A, %mul3A_17 : i32
    %mul3A_19 = arith.constant 65536 : i32
    %mul3A_20 = arith.muli %arg1, %mul3A_19 : i32
    %add3A_21 = arith.constant 0 : i32
    %add3A_22 = arith.addi %mul3A_20, %add3A_21 : i32
    %dma_start3A = tpu.memref_slice %arg10[%add3A_22] : memref<1050624xf32, #tpu.memory_space<vmem_shared>> -> memref<16384xf32, #tpu.memory_space<vmem_shared>>
    %dma_start3A_23 = tpu.memref_slice %arg10[%add3A_22] : memref<1050624xf32, #tpu.memory_space<vmem_shared>> -> memref<16384xf32, #tpu.memory_space<vmem_shared>>
    tpu.enqueue_dma source(%arg9 : memref<16384xf32, #tpu.memory_space<vmem>>) target(%dma_start3A_23 : memref<16384xf32, #tpu.memory_space<vmem_shared>>) target_semaphore(%arg11 : memref<!tpu.dma_semaphore, #tpu.memory_space<semaphore_mem>>)
    %mul3A_24 = arith.constant 65536 : i32
    %mul3A_25 = arith.muli %arg1, %mul3A_24 : i32
    %add3A_26 = arith.constant 16384 : i32
    %add3A_27 = arith.addi %mul3A_25, %add3A_26 : i32
    %dma_start3A_28 = tpu.memref_slice %arg10[%add3A_27] : memref<1050624xf32, #tpu.memory_space<vmem_shared>> -> memref<16384xf32, #tpu.memory_space<vmem_shared>>
    %dma_start3A_29 = tpu.memref_slice %arg10[%add3A_27] : memref<1050624xf32, #tpu.memory_space<vmem_shared>> -> memref<16384xf32, #tpu.memory_space<vmem_shared>>
    tpu.enqueue_dma source(%arg9 : memref<16384xf32, #tpu.memory_space<vmem>>) target(%dma_start3A_29 : memref<16384xf32, #tpu.memory_space<vmem_shared>>) target_semaphore(%arg11 : memref<!tpu.dma_semaphore, #tpu.memory_space<semaphore_mem>>)
    %mul3A_30 = arith.constant 65536 : i32
    %mul3A_31 = arith.muli %arg1, %mul3A_30 : i32
    %add3A_32 = arith.constant 32768 : i32
    %add3A_33 = arith.addi %mul3A_31, %add3A_32 : i32
    %dma_start3A_34 = tpu.memref_slice %arg10[%add3A_33] : memref<1050624xf32, #tpu.memory_space<vmem_shared>> -> memref<16384xf32, #tpu.memory_space<vmem_shared>>
    %dma_start3A_35 = tpu.memref_slice %arg10[%add3A_33] : memref<1050624xf32, #tpu.memory_space<vmem_shared>> -> memref<16384xf32, #tpu.memory_space<vmem_shared>>
    tpu.enqueue_dma source(%arg9 : memref<16384xf32, #tpu.memory_space<vmem>>) target(%dma_start3A_35 : memref<16384xf32, #tpu.memory_space<vmem_shared>>) target_semaphore(%arg11 : memref<!tpu.dma_semaphore, #tpu.memory_space<semaphore_mem>>)
    %mul3A_36 = arith.constant 65536 : i32
    %mul3A_37 = arith.muli %arg1, %mul3A_36 : i32
    %add3A_38 = arith.constant 49152 : i32
    %add3A_39 = arith.addi %mul3A_37, %add3A_38 : i32
    %dma_start3A_40 = tpu.memref_slice %arg10[%add3A_39] : memref<1050624xf32, #tpu.memory_space<vmem_shared>> -> memref<16384xf32, #tpu.memory_space<vmem_shared>>
    %dma_start3A_41 = tpu.memref_slice %arg10[%add3A_39] : memref<1050624xf32, #tpu.memory_space<vmem_shared>> -> memref<16384xf32, #tpu.memory_space<vmem_shared>>
    tpu.enqueue_dma source(%arg9 : memref<16384xf32, #tpu.memory_space<vmem>>) target(%dma_start3A_41 : memref<16384xf32, #tpu.memory_space<vmem_shared>>) target_semaphore(%arg11 : memref<!tpu.dma_semaphore, #tpu.memory_space<semaphore_mem>>)
    %scan3A_42 = arith.constant 0 : i32
    %scan3A_43 = arith.constant 0 : i32
    %scan3A_44 = arith.constant 264 : i32
    %scan3A_45 = arith.addi %scan3A_43, %scan3A_44 : i32
    %scan3A_46 = arith.constant 1 : i32
    %scan3A_47 = scf.for %scan3A_910 = %scan3A_43 to %scan3A_45 step %scan3A_46 iter_args(%scan3A_911 = %scan3A_42) -> (i32)  : i32 {
      %mul3A_912 = arith.constant 16 : i32
      %mul3A_913 = arith.muli %scan3A_910, %mul3A_912 : i32
      %get3A = arith.index_cast %mul3A_913 : i32 to index
      %get3A_914 = tpu.vector_load %arg6[%get3A] {strides = array<i32>} : memref<4224xi32, #tpu.memory_space<vmem>>, vector<16xi32>,
      %get3A_915 = vector.shape_cast %get3A_914 : vector<16xi32> to vector<16xi32>
      %get3A_916 = arith.index_cast %mul3A_913 : i32 to index
      %get3A_917 = tpu.vector_load %arg5[%get3A_916] {strides = array<i32>} : memref<4224xi32, #tpu.memory_space<vmem>>, vector<16xi32>,
      %get3A_918 = vector.shape_cast %get3A_917 : vector<16xi32> to vector<16xi32>
      %sub3A = vector.broadcast %add3A_18 : i32 to vector<16xi32>
      %sub3A_919 = arith.subi %get3A_915, %sub3A : vector<16xi32>
      %ge3A = arith.constant 0 : i32
      %ge3A_920 = vector.broadcast %ge3A : i32 to vector<16xi32>
      %ge3A_921 = arith.cmpi sge, %sub3A_919, %ge3A_920 : vector<16xi32>
      %lt3A = arith.constant 512 : i32
      %lt3A_922 = vector.broadcast %lt3A : i32 to vector<16xi32>
      %lt3A_923 = arith.cmpi slt, %sub3A_919, %lt3A_922 : vector<16xi32>
      %and3A = arith.andi %ge3A_921, %lt3A_923 : vector<16xi1>
      %mul3A_924 = arith.constant 2048 : i32
      %mul3A_925 = vector.broadcast %mul3A_924 : i32 to vector<16xi32>
      %mul3A_926 = arith.muli %sub3A_919, %mul3A_925 : vector<16xi32>
      %add3A_927 = arith.addi %mul3A_926, %get3A_918 : vector<16xi32>
      %and3A_928 = arith.constant 1023 : i32
      %and3A_929 = vector.broadcast %and3A_928 : i32 to vector<16xi32>
      %and3A_930 = arith.andi %get3A_918, %and3A_929 : vector<16xi32>
      %add3A_931 = arith.constant 1048576 : i32
      %add3A_932 = vector.broadcast %add3A_931 : i32 to vector<16xi32>
      %add3A_933 = arith.addi %add3A_932, %and3A_930 : vector<16xi32>
      %select_n3A = arith.select %and3A, %add3A_927, %add3A_933 : vector<16xi1>, vector<16xi32>
      %jit3A = arith.constant 128 : i32
      %div3A = arith.divsi %mul3A_913, %jit3A : i32
      %sign3A = arith.constant 0 : i32
      %sign3A_934 = arith.cmpi sgt, %mul3A_913, %sign3A : i32
      %sign3A_935 = arith.extui %sign3A_934 : i1 to i32
      %sign3A_936 = arith.constant 0 : i32
      %sign3A_937 = arith.cmpi slt, %mul3A_913, %sign3A_936 : i32
      %sign3A_938 = arith.extui %sign3A_937 : i1 to i32
      %sign3A_939 = arith.subi %sign3A_935, %sign3A_938 : i32
      %sign3A_940 = arith.constant 0 : i32
      %sign3A_941 = arith.cmpi sgt, %jit3A, %sign3A_940 : i32
      %sign3A_942 = arith.extui %sign3A_941 : i1 to i32
      %sign3A_943 = arith.constant 0 : i32
      %sign3A_944 = arith.cmpi slt, %jit3A, %sign3A_943 : i32
      %sign3A_945 = arith.extui %sign3A_944 : i1 to i32
      %sign3A_946 = arith.subi %sign3A_942, %sign3A_945 : i32
      %ne3A = arith.cmpi ne, %sign3A_939, %sign3A_946 : i32
      %rem3A = arith.remsi %mul3A_913, %jit3A : i32
      %ne3A_947 = arith.constant 0 : i32
      %ne3A_948 = arith.cmpi ne, %rem3A, %ne3A_947 : i32
      %and3A_949 = arith.andi %ne3A, %ne3A_948 : i1
      %sub3A_950 = arith.constant 1 : i32
      %sub3A_951 = arith.subi %div3A, %sub3A_950 : i32
      %select_n3A_952 = arith.select %and3A_949, %sub3A_951, %div3A : i32
      %jit3A_953 = arith.constant 128 : i32
      %eq3A = arith.constant 0 : i32
      %eq3A_954 = arith.cmpi eq, %jit3A_953, %eq3A : i32
      %jit3A_955 = arith.constant 1 : i32
      %select_n3A_956 = arith.select %eq3A_954, %jit3A_955, %jit3A_953 : i32
      %rem3A_957 = arith.remsi %mul3A_913, %select_n3A_956 : i32
      %ne3A_958 = arith.constant 0 : i32
      %ne3A_959 = arith.cmpi ne, %rem3A_957, %ne3A_958 : i32
      %lt3A_960 = arith.constant 0 : i32
      %lt3A_961 = arith.cmpi slt, %rem3A_957, %lt3A_960 : i32
      %lt3A_962 = arith.constant 0 : i32
      %lt3A_963 = arith.cmpi slt, %select_n3A_956, %lt3A_962 : i32
      %ne3A_964 = arith.xori %lt3A_961, %lt3A_963 : i1
      %and3A_965 = arith.andi %ne3A_964, %ne3A_959 : i1
      %add3A_966 = arith.addi %rem3A_957, %select_n3A_956 : i32
      %select_n3A_967 = arith.select %and3A_965, %add3A_966, %rem3A_957 : i32
      %swap3A = arith.index_cast %select_n3A_952 : i32 to index
      %swap3A_968 = arith.index_cast %select_n3A_967 : i32 to index
      %swap3A_969 = tpu.vector_load %arg7[%swap3A, %swap3A_968] {strides = array<i32>} : memref<33x128xi32, #tpu.memory_space<vmem>>, vector<1x16xi32>,
      %swap3A_970 = vector.shape_cast %swap3A_969 : vector<1x16xi32> to vector<16xi32>
      %swap3A_971 = vector.shape_cast %select_n3A : vector<16xi32> to vector<1x16xi32>
      tpu.vector_store %arg7[%swap3A, %swap3A_968], %swap3A_971 {strides = array<i32>} : memref<33x128xi32, #tpu.memory_space<vmem>>, vector<1x16xi32>,
      %scan3A_972 = arith.constant 0 : i32
      scf.yield %scan3A_972 : i32
    }
    %scan3A_48 = arith.constant 264 : i32
    %dma_wait3A = tpu.memref_slice %arg10[%add3A_22] : memref<1050624xf32, #tpu.memory_space<vmem_shared>> -> memref<16384xf32, #tpu.memory_space<vmem_shared>>
    %dma_wait3A_49 = tpu.memref_slice %arg10[%add3A_22] : memref<1050624xf32, #tpu.memory_space<vmem_shared>> -> memref<16384xf32, #tpu.memory_space<vmem_shared>>
    tpu.wait_dma2 semaphore(%arg11 : memref<!tpu.dma_semaphore, #tpu.memory_space<semaphore_mem>>) src(%arg9 : memref<16384xf32, #tpu.memory_space<vmem>>) dst(%dma_wait3A_49 : memref<16384xf32, #tpu.memory_space<vmem_shared>>)
    %dma_wait3A_50 = tpu.memref_slice %arg10[%add3A_27] : memref<1050624xf32, #tpu.memory_space<vmem_shared>> -> memref<16384xf32, #tpu.memory_space<vmem_shared>>
    %dma_wait3A_51 = tpu.memref_slice %arg10[%add3A_27] : memref<1050624xf32, #tpu.memory_space<vmem_shared>> -> memref<16384xf32, #tpu.memory_space<vmem_shared>>
    tpu.wait_dma2 semaphore(%arg11 : memref<!tpu.dma_semaphore, #tpu.memory_space<semaphore_mem>>) src(%arg9 : memref<16384xf32, #tpu.memory_space<vmem>>) dst(%dma_wait3A_51 : memref<16384xf32, #tpu.memory_space<vmem_shared>>)
    %dma_wait3A_52 = tpu.memref_slice %arg10[%add3A_33] : memref<1050624xf32, #tpu.memory_space<vmem_shared>> -> memref<16384xf32, #tpu.memory_space<vmem_shared>>
    %dma_wait3A_53 = tpu.memref_slice %arg10[%add3A_33] : memref<1050624xf32, #tpu.memory_space<vmem_shared>> -> memref<16384xf32, #tpu.memory_space<vmem_shared>>
    tpu.wait_dma2 semaphore(%arg11 : memref<!tpu.dma_semaphore, #tpu.memory_space<semaphore_mem>>) src(%arg9 : memref<16384xf32, #tpu.memory_space<vmem>>) dst(%dma_wait3A_53 : memref<16384xf32, #tpu.memory_space<vmem_shared>>)
    %dma_wait3A_54 = tpu.memref_slice %arg10[%add3A_39] : memref<1050624xf32, #tpu.memory_space<vmem_shared>> -> memref<16384xf32, #tpu.memory_space<vmem_shared>>
    %dma_wait3A_55 = tpu.memref_slice %arg10[%add3A_39] : memref<1050624xf32, #tpu.memory_space<vmem_shared>> -> memref<16384xf32, #tpu.memory_space<vmem_shared>>
    tpu.wait_dma2 semaphore(%arg11 : memref<!tpu.dma_semaphore, #tpu.memory_space<semaphore_mem>>) src(%arg9 : memref<16384xf32, #tpu.memory_space<vmem>>) dst(%dma_wait3A_55 : memref<16384xf32, #tpu.memory_space<vmem_shared>>)
    %barrier3A = arith.constant 0 : index
    tpu.barrier barrier_id(%barrier3A)
    %dma_start3A_56 = arith.constant 0 : i32
    %dma_start3A_57 = arith.constant 0 : i32
    %dma_start3A_58 = tpu.memref_slice %arg7[%dma_start3A_56, %dma_start3A_57] : memref<33x128xi32, #tpu.memory_space<vmem>> -> memref<1x128xi32, #tpu.memory_space<vmem>>
    %dma_start3A_59 = tpu.memref_squeeze %dma_start3A_58 : memref<1x128xi32, #tpu.memory_space<vmem>> -> memref<128xi32, #tpu.memory_space<vmem>>
    %dma_start3A_60 = arith.constant 0 : i32
    %dma_start3A_61 = tpu.memref_slice %arg10[%dma_start3A_60] : memref<1050624xf32, #tpu.memory_space<vmem_shared>> -> memref<1050624xf32, #tpu.memory_space<vmem_shared>>
    tpu.enqueue_indirect_dma source(%arg8 : memref<128xf32, #tpu.memory_space<vmem>>) target(%dma_start3A_61 : memref<1050624xf32, #tpu.memory_space<vmem_shared>>) offsets(%dma_start3A_59 : memref<128xi32, #tpu.memory_space<vmem>>) semaphore(%arg11 : memref<!tpu.dma_semaphore, #tpu.memory_space<semaphore_mem>>) {add = true}
    %dma_start3A_62 = arith.constant 1 : i32
    %dma_start3A_63 = arith.constant 0 : i32
    %dma_start3A_64 = tpu.memref_slice %arg7[%dma_start3A_62, %dma_start3A_63] : memref<33x128xi32, #tpu.memory_space<vmem>> -> memref<1x128xi32, #tpu.memory_space<vmem>>
    %dma_start3A_65 = tpu.memref_squeeze %dma_start3A_64 : memref<1x128xi32, #tpu.memory_space<vmem>> -> memref<128xi32, #tpu.memory_space<vmem>>
    %dma_start3A_66 = arith.constant 0 : i32
    %dma_start3A_67 = tpu.memref_slice %arg10[%dma_start3A_66] : memref<1050624xf32, #tpu.memory_space<vmem_shared>> -> memref<1050624xf32, #tpu.memory_space<vmem_shared>>
    tpu.enqueue_indirect_dma source(%arg8 : memref<128xf32, #tpu.memory_space<vmem>>) target(%dma_start3A_67 : memref<1050624xf32, #tpu.memory_space<vmem_shared>>) offsets(%dma_start3A_65 : memref<128xi32, #tpu.memory_space<vmem>>) semaphore(%arg11 : memref<!tpu.dma_semaphore, #tpu.memory_space<semaphore_mem>>) {add = true}
    %dma_start3A_68 = arith.constant 2 : i32
    %dma_start3A_69 = arith.constant 0 : i32
    %dma_start3A_70 = tpu.memref_slice %arg7[%dma_start3A_68, %dma_start3A_69] : memref<33x128xi32, #tpu.memory_space<vmem>> -> memref<1x128xi32, #tpu.memory_space<vmem>>
    %dma_start3A_71 = tpu.memref_squeeze %dma_start3A_70 : memref<1x128xi32, #tpu.memory_space<vmem>> -> memref<128xi32, #tpu.memory_space<vmem>>
    %dma_start3A_72 = arith.constant 0 : i32
    %dma_start3A_73 = tpu.memref_slice %arg10[%dma_start3A_72] : memref<1050624xf32, #tpu.memory_space<vmem_shared>> -> memref<1050624xf32, #tpu.memory_space<vmem_shared>>
    tpu.enqueue_indirect_dma source(%arg8 : memref<128xf32, #tpu.memory_space<vmem>>) target(%dma_start3A_73 : memref<1050624xf32, #tpu.memory_space<vmem_shared>>) offsets(%dma_start3A_71 : memref<128xi32, #tpu.memory_space<vmem>>) semaphore(%arg11 : memref<!tpu.dma_semaphore, #tpu.memory_space<semaphore_mem>>) {add = true}
    %dma_start3A_74 = arith.constant 3 : i32
    %dma_start3A_75 = arith.constant 0 : i32
    %dma_start3A_76 = tpu.memref_slice %arg7[%dma_start3A_74, %dma_start3A_75] : memref<33x128xi32, #tpu.memory_space<vmem>> -> memref<1x128xi32, #tpu.memory_space<vmem>>
    %dma_start3A_77 = tpu.memref_squeeze %dma_start3A_76 : memref<1x128xi32, #tpu.memory_space<vmem>> -> memref<128xi32, #tpu.memory_space<vmem>>
    %dma_start3A_78 = arith.constant 0 : i32
    %dma_start3A_79 = tpu.memref_slice %arg10[%dma_start3A_78] : memref<1050624xf32, #tpu.memory_space<vmem_shared>> -> memref<1050624xf32, #tpu.memory_space<vmem_shared>>
    tpu.enqueue_indirect_dma source(%arg8 : memref<128xf32, #tpu.memory_space<vmem>>) target(%dma_start3A_79 : memref<1050624xf32, #tpu.memory_space<vmem_shared>>) offsets(%dma_start3A_77 : memref<128xi32, #tpu.memory_space<vmem>>) semaphore(%arg11 : memref<!tpu.dma_semaphore, #tpu.memory_space<semaphore_mem>>) {add = true}
    %dma_start3A_80 = arith.constant 4 : i32
    %dma_start3A_81 = arith.constant 0 : i32
    %dma_start3A_82 = tpu.memref_slice %arg7[%dma_start3A_80, %dma_start3A_81] : memref<33x128xi32, #tpu.memory_space<vmem>> -> memref<1x128xi32, #tpu.memory_space<vmem>>
    %dma_start3A_83 = tpu.memref_squeeze %dma_start3A_82 : memref<1x128xi32, #tpu.memory_space<vmem>> -> memref<128xi32, #tpu.memory_space<vmem>>
    %dma_start3A_84 = arith.constant 0 : i32
    %dma_start3A_85 = tpu.memref_slice %arg10[%dma_start3A_84] : memref<1050624xf32, #tpu.memory_space<vmem_shared>> -> memref<1050624xf32, #tpu.memory_space<vmem_shared>>
    tpu.enqueue_indirect_dma source(%arg8 : memref<128xf32, #tpu.memory_space<vmem>>) target(%dma_start3A_85 : memref<1050624xf32, #tpu.memory_space<vmem_shared>>) offsets(%dma_start3A_83 : memref<128xi32, #tpu.memory_space<vmem>>) semaphore(%arg11 : memref<!tpu.dma_semaphore, #tpu.memory_space<semaphore_mem>>) {add = true}
    %dma_start3A_86 = arith.constant 5 : i32
    %dma_start3A_87 = arith.constant 0 : i32
    %dma_start3A_88 = tpu.memref_slice %arg7[%dma_start3A_86, %dma_start3A_87] : memref<33x128xi32, #tpu.memory_space<vmem>> -> memref<1x128xi32, #tpu.memory_space<vmem>>
    %dma_start3A_89 = tpu.memref_squeeze %dma_start3A_88 : memref<1x128xi32, #tpu.memory_space<vmem>> -> memref<128xi32, #tpu.memory_space<vmem>>
    %dma_start3A_90 = arith.constant 0 : i32
    %dma_start3A_91 = tpu.memref_slice %arg10[%dma_start3A_90] : memref<1050624xf32, #tpu.memory_space<vmem_shared>> -> memref<1050624xf32, #tpu.memory_space<vmem_shared>>
    tpu.enqueue_indirect_dma source(%arg8 : memref<128xf32, #tpu.memory_space<vmem>>) target(%dma_start3A_91 : memref<1050624xf32, #tpu.memory_space<vmem_shared>>) offsets(%dma_start3A_89 : memref<128xi32, #tpu.memory_space<vmem>>) semaphore(%arg11 : memref<!tpu.dma_semaphore, #tpu.memory_space<semaphore_mem>>) {add = true}
    %dma_start3A_92 = arith.constant 6 : i32
    %dma_start3A_93 = arith.constant 0 : i32
    %dma_start3A_94 = tpu.memref_slice %arg7[%dma_start3A_92, %dma_start3A_93] : memref<33x128xi32, #tpu.memory_space<vmem>> -> memref<1x128xi32, #tpu.memory_space<vmem>>
    %dma_start3A_95 = tpu.memref_squeeze %dma_start3A_94 : memref<1x128xi32, #tpu.memory_space<vmem>> -> memref<128xi32, #tpu.memory_space<vmem>>
    %dma_start3A_96 = arith.constant 0 : i32
    %dma_start3A_97 = tpu.memref_slice %arg10[%dma_start3A_96] : memref<1050624xf32, #tpu.memory_space<vmem_shared>> -> memref<1050624xf32, #tpu.memory_space<vmem_shared>>
    tpu.enqueue_indirect_dma source(%arg8 : memref<128xf32, #tpu.memory_space<vmem>>) target(%dma_start3A_97 : memref<1050624xf32, #tpu.memory_space<vmem_shared>>) offsets(%dma_start3A_95 : memref<128xi32, #tpu.memory_space<vmem>>) semaphore(%arg11 : memref<!tpu.dma_semaphore, #tpu.memory_space<semaphore_mem>>) {add = true}
    %dma_start3A_98 = arith.constant 7 : i32
    %dma_start3A_99 = arith.constant 0 : i32
    %dma_start3A_100 = tpu.memref_slice %arg7[%dma_start3A_98, %dma_start3A_99] : memref<33x128xi32, #tpu.memory_space<vmem>> -> memref<1x128xi32, #tpu.memory_space<vmem>>
    %dma_start3A_101 = tpu.memref_squeeze %dma_start3A_100 : memref<1x128xi32, #tpu.memory_space<vmem>> -> memref<128xi32, #tpu.memory_space<vmem>>
    %dma_start3A_102 = arith.constant 0 : i32
    %dma_start3A_103 = tpu.memref_slice %arg10[%dma_start3A_102] : memref<1050624xf32, #tpu.memory_space<vmem_shared>> -> memref<1050624xf32, #tpu.memory_space<vmem_shared>>
    tpu.enqueue_indirect_dma source(%arg8 : memref<128xf32, #tpu.memory_space<vmem>>) target(%dma_start3A_103 : memref<1050624xf32, #tpu.memory_space<vmem_shared>>) offsets(%dma_start3A_101 : memref<128xi32, #tpu.memory_space<vmem>>) semaphore(%arg11 : memref<!tpu.dma_semaphore, #tpu.memory_space<semaphore_mem>>) {add = true}
    %dma_start3A_104 = arith.constant 8 : i32
    %dma_start3A_105 = arith.constant 0 : i32
    %dma_start3A_106 = tpu.memref_slice %arg7[%dma_start3A_104, %dma_start3A_105] : memref<33x128xi32, #tpu.memory_space<vmem>> -> memref<1x128xi32, #tpu.memory_space<vmem>>
    %dma_start3A_107 = tpu.memref_squeeze %dma_start3A_106 : memref<1x128xi32, #tpu.memory_space<vmem>> -> memref<128xi32, #tpu.memory_space<vmem>>
    %dma_start3A_108 = arith.constant 0 : i32
    %dma_start3A_109 = tpu.memref_slice %arg10[%dma_start3A_108] : memref<1050624xf32, #tpu.memory_space<vmem_shared>> -> memref<1050624xf32, #tpu.memory_space<vmem_shared>>
    tpu.enqueue_indirect_dma source(%arg8 : memref<128xf32, #tpu.memory_space<vmem>>) target(%dma_start3A_109 : memref<1050624xf32, #tpu.memory_space<vmem_shared>>) offsets(%dma_start3A_107 : memref<128xi32, #tpu.memory_space<vmem>>) semaphore(%arg11 : memref<!tpu.dma_semaphore, #tpu.memory_space<semaphore_mem>>) {add = true}
    %dma_start3A_110 = arith.constant 9 : i32
    %dma_start3A_111 = arith.constant 0 : i32
    %dma_start3A_112 = tpu.memref_slice %arg7[%dma_start3A_110, %dma_start3A_111] : memref<33x128xi32, #tpu.memory_space<vmem>> -> memref<1x128xi32, #tpu.memory_space<vmem>>
    %dma_start3A_113 = tpu.memref_squeeze %dma_start3A_112 : memref<1x128xi32, #tpu.memory_space<vmem>> -> memref<128xi32, #tpu.memory_space<vmem>>
    %dma_start3A_114 = arith.constant 0 : i32
    %dma_start3A_115 = tpu.memref_slice %arg10[%dma_start3A_114] : memref<1050624xf32, #tpu.memory_space<vmem_shared>> -> memref<1050624xf32, #tpu.memory_space<vmem_shared>>
    tpu.enqueue_indirect_dma source(%arg8 : memref<128xf32, #tpu.memory_space<vmem>>) target(%dma_start3A_115 : memref<1050624xf32, #tpu.memory_space<vmem_shared>>) offsets(%dma_start3A_113 : memref<128xi32, #tpu.memory_space<vmem>>) semaphore(%arg11 : memref<!tpu.dma_semaphore, #tpu.memory_space<semaphore_mem>>) {add = true}
    %dma_start3A_116 = arith.constant 10 : i32
    %dma_start3A_117 = arith.constant 0 : i32
    %dma_start3A_118 = tpu.memref_slice %arg7[%dma_start3A_116, %dma_start3A_117] : memref<33x128xi32, #tpu.memory_space<vmem>> -> memref<1x128xi32, #tpu.memory_space<vmem>>
    %dma_start3A_119 = tpu.memref_squeeze %dma_start3A_118 : memref<1x128xi32, #tpu.memory_space<vmem>> -> memref<128xi32, #tpu.memory_space<vmem>>
    %dma_start3A_120 = arith.constant 0 : i32
    %dma_start3A_121 = tpu.memref_slice %arg10[%dma_start3A_120] : memref<1050624xf32, #tpu.memory_space<vmem_shared>> -> memref<1050624xf32, #tpu.memory_space<vmem_shared>>
    tpu.enqueue_indirect_dma source(%arg8 : memref<128xf32, #tpu.memory_space<vmem>>) target(%dma_start3A_121 : memref<1050624xf32, #tpu.memory_space<vmem_shared>>) offsets(%dma_start3A_119 : memref<128xi32, #tpu.memory_space<vmem>>) semaphore(%arg11 : memref<!tpu.dma_semaphore, #tpu.memory_space<semaphore_mem>>) {add = true}
    %dma_start3A_122 = arith.constant 11 : i32
    %dma_start3A_123 = arith.constant 0 : i32
    %dma_start3A_124 = tpu.memref_slice %arg7[%dma_start3A_122, %dma_start3A_123] : memref<33x128xi32, #tpu.memory_space<vmem>> -> memref<1x128xi32, #tpu.memory_space<vmem>>
    %dma_start3A_125 = tpu.memref_squeeze %dma_start3A_124 : memref<1x128xi32, #tpu.memory_space<vmem>> -> memref<128xi32, #tpu.memory_space<vmem>>
    %dma_start3A_126 = arith.constant 0 : i32
    %dma_start3A_127 = tpu.memref_slice %arg10[%dma_start3A_126] : memref<1050624xf32, #tpu.memory_space<vmem_shared>> -> memref<1050624xf32, #tpu.memory_space<vmem_shared>>
    tpu.enqueue_indirect_dma source(%arg8 : memref<128xf32, #tpu.memory_space<vmem>>) target(%dma_start3A_127 : memref<1050624xf32, #tpu.memory_space<vmem_shared>>) offsets(%dma_start3A_125 : memref<128xi32, #tpu.memory_space<vmem>>) semaphore(%arg11 : memref<!tpu.dma_semaphore, #tpu.memory_space<semaphore_mem>>) {add = true}
    %dma_start3A_128 = arith.constant 12 : i32
    %dma_start3A_129 = arith.constant 0 : i32
    %dma_start3A_130 = tpu.memref_slice %arg7[%dma_start3A_128, %dma_start3A_129] : memref<33x128xi32, #tpu.memory_space<vmem>> -> memref<1x128xi32, #tpu.memory_space<vmem>>
    %dma_start3A_131 = tpu.memref_squeeze %dma_start3A_130 : memref<1x128xi32, #tpu.memory_space<vmem>> -> memref<128xi32, #tpu.memory_space<vmem>>
    %dma_start3A_132 = arith.constant 0 : i32
    %dma_start3A_133 = tpu.memref_slice %arg10[%dma_start3A_132] : memref<1050624xf32, #tpu.memory_space<vmem_shared>> -> memref<1050624xf32, #tpu.memory_space<vmem_shared>>
    tpu.enqueue_indirect_dma source(%arg8 : memref<128xf32, #tpu.memory_space<vmem>>) target(%dma_start3A_133 : memref<1050624xf32, #tpu.memory_space<vmem_shared>>) offsets(%dma_start3A_131 : memref<128xi32, #tpu.memory_space<vmem>>) semaphore(%arg11 : memref<!tpu.dma_semaphore, #tpu.memory_space<semaphore_mem>>) {add = true}
    %dma_start3A_134 = arith.constant 13 : i32
    %dma_start3A_135 = arith.constant 0 : i32
    %dma_start3A_136 = tpu.memref_slice %arg7[%dma_start3A_134, %dma_start3A_135] : memref<33x128xi32, #tpu.memory_space<vmem>> -> memref<1x128xi32, #tpu.memory_space<vmem>>
    %dma_start3A_137 = tpu.memref_squeeze %dma_start3A_136 : memref<1x128xi32, #tpu.memory_space<vmem>> -> memref<128xi32, #tpu.memory_space<vmem>>
    %dma_start3A_138 = arith.constant 0 : i32
    %dma_start3A_139 = tpu.memref_slice %arg10[%dma_start3A_138] : memref<1050624xf32, #tpu.memory_space<vmem_shared>> -> memref<1050624xf32, #tpu.memory_space<vmem_shared>>
    tpu.enqueue_indirect_dma source(%arg8 : memref<128xf32, #tpu.memory_space<vmem>>) target(%dma_start3A_139 : memref<1050624xf32, #tpu.memory_space<vmem_shared>>) offsets(%dma_start3A_137 : memref<128xi32, #tpu.memory_space<vmem>>) semaphore(%arg11 : memref<!tpu.dma_semaphore, #tpu.memory_space<semaphore_mem>>) {add = true}
    %dma_start3A_140 = arith.constant 14 : i32
    %dma_start3A_141 = arith.constant 0 : i32
    %dma_start3A_142 = tpu.memref_slice %arg7[%dma_start3A_140, %dma_start3A_141] : memref<33x128xi32, #tpu.memory_space<vmem>> -> memref<1x128xi32, #tpu.memory_space<vmem>>
    %dma_start3A_143 = tpu.memref_squeeze %dma_start3A_142 : memref<1x128xi32, #tpu.memory_space<vmem>> -> memref<128xi32, #tpu.memory_space<vmem>>
    %dma_start3A_144 = arith.constant 0 : i32
    %dma_start3A_145 = tpu.memref_slice %arg10[%dma_start3A_144] : memref<1050624xf32, #tpu.memory_space<vmem_shared>> -> memref<1050624xf32, #tpu.memory_space<vmem_shared>>
    tpu.enqueue_indirect_dma source(%arg8 : memref<128xf32, #tpu.memory_space<vmem>>) target(%dma_start3A_145 : memref<1050624xf32, #tpu.memory_space<vmem_shared>>) offsets(%dma_start3A_143 : memref<128xi32, #tpu.memory_space<vmem>>) semaphore(%arg11 : memref<!tpu.dma_semaphore, #tpu.memory_space<semaphore_mem>>) {add = true}
    %dma_start3A_146 = arith.constant 15 : i32
    %dma_start3A_147 = arith.constant 0 : i32
    %dma_start3A_148 = tpu.memref_slice %arg7[%dma_start3A_146, %dma_start3A_147] : memref<33x128xi32, #tpu.memory_space<vmem>> -> memref<1x128xi32, #tpu.memory_space<vmem>>
    %dma_start3A_149 = tpu.memref_squeeze %dma_start3A_148 : memref<1x128xi32, #tpu.memory_space<vmem>> -> memref<128xi32, #tpu.memory_space<vmem>>
    %dma_start3A_150 = arith.constant 0 : i32
    %dma_start3A_151 = tpu.memref_slice %arg10[%dma_start3A_150] : memref<1050624xf32, #tpu.memory_space<vmem_shared>> -> memref<1050624xf32, #tpu.memory_space<vmem_shared>>
    tpu.enqueue_indirect_dma source(%arg8 : memref<128xf32, #tpu.memory_space<vmem>>) target(%dma_start3A_151 : memref<1050624xf32, #tpu.memory_space<vmem_shared>>) offsets(%dma_start3A_149 : memref<128xi32, #tpu.memory_space<vmem>>) semaphore(%arg11 : memref<!tpu.dma_semaphore, #tpu.memory_space<semaphore_mem>>) {add = true}
    %dma_start3A_152 = arith.constant 16 : i32
    %dma_start3A_153 = arith.constant 0 : i32
    %dma_start3A_154 = tpu.memref_slice %arg7[%dma_start3A_152, %dma_start3A_153] : memref<33x128xi32, #tpu.memory_space<vmem>> -> memref<1x128xi32, #tpu.memory_space<vmem>>
    %dma_start3A_155 = tpu.memref_squeeze %dma_start3A_154 : memref<1x128xi32, #tpu.memory_space<vmem>> -> memref<128xi32, #tpu.memory_space<vmem>>
    %dma_start3A_156 = arith.constant 0 : i32
    %dma_start3A_157 = tpu.memref_slice %arg10[%dma_start3A_156] : memref<1050624xf32, #tpu.memory_space<vmem_shared>> -> memref<1050624xf32, #tpu.memory_space<vmem_shared>>
    tpu.enqueue_indirect_dma source(%arg8 : memref<128xf32, #tpu.memory_space<vmem>>) target(%dma_start3A_157 : memref<1050624xf32, #tpu.memory_space<vmem_shared>>) offsets(%dma_start3A_155 : memref<128xi32, #tpu.memory_space<vmem>>) semaphore(%arg11 : memref<!tpu.dma_semaphore, #tpu.memory_space<semaphore_mem>>) {add = true}
    %dma_start3A_158 = arith.constant 17 : i32
    %dma_start3A_159 = arith.constant 0 : i32
    %dma_start3A_160 = tpu.memref_slice %arg7[%dma_start3A_158, %dma_start3A_159] : memref<33x128xi32, #tpu.memory_space<vmem>> -> memref<1x128xi32, #tpu.memory_space<vmem>>
    %dma_start3A_161 = tpu.memref_squeeze %dma_start3A_160 : memref<1x128xi32, #tpu.memory_space<vmem>> -> memref<128xi32, #tpu.memory_space<vmem>>
    %dma_start3A_162 = arith.constant 0 : i32
    %dma_start3A_163 = tpu.memref_slice %arg10[%dma_start3A_162] : memref<1050624xf32, #tpu.memory_space<vmem_shared>> -> memref<1050624xf32, #tpu.memory_space<vmem_shared>>
    tpu.enqueue_indirect_dma source(%arg8 : memref<128xf32, #tpu.memory_space<vmem>>) target(%dma_start3A_163 : memref<1050624xf32, #tpu.memory_space<vmem_shared>>) offsets(%dma_start3A_161 : memref<128xi32, #tpu.memory_space<vmem>>) semaphore(%arg11 : memref<!tpu.dma_semaphore, #tpu.memory_space<semaphore_mem>>) {add = true}
    %dma_start3A_164 = arith.constant 18 : i32
    %dma_start3A_165 = arith.constant 0 : i32
    %dma_start3A_166 = tpu.memref_slice %arg7[%dma_start3A_164, %dma_start3A_165] : memref<33x128xi32, #tpu.memory_space<vmem>> -> memref<1x128xi32, #tpu.memory_space<vmem>>
    %dma_start3A_167 = tpu.memref_squeeze %dma_start3A_166 : memref<1x128xi32, #tpu.memory_space<vmem>> -> memref<128xi32, #tpu.memory_space<vmem>>
    %dma_start3A_168 = arith.constant 0 : i32
    %dma_start3A_169 = tpu.memref_slice %arg10[%dma_start3A_168] : memref<1050624xf32, #tpu.memory_space<vmem_shared>> -> memref<1050624xf32, #tpu.memory_space<vmem_shared>>
    tpu.enqueue_indirect_dma source(%arg8 : memref<128xf32, #tpu.memory_space<vmem>>) target(%dma_start3A_169 : memref<1050624xf32, #tpu.memory_space<vmem_shared>>) offsets(%dma_start3A_167 : memref<128xi32, #tpu.memory_space<vmem>>) semaphore(%arg11 : memref<!tpu.dma_semaphore, #tpu.memory_space<semaphore_mem>>) {add = true}
    %dma_start3A_170 = arith.constant 19 : i32
    %dma_start3A_171 = arith.constant 0 : i32
    %dma_start3A_172 = tpu.memref_slice %arg7[%dma_start3A_170, %dma_start3A_171] : memref<33x128xi32, #tpu.memory_space<vmem>> -> memref<1x128xi32, #tpu.memory_space<vmem>>
    %dma_start3A_173 = tpu.memref_squeeze %dma_start3A_172 : memref<1x128xi32, #tpu.memory_space<vmem>> -> memref<128xi32, #tpu.memory_space<vmem>>
    %dma_start3A_174 = arith.constant 0 : i32
    %dma_start3A_175 = tpu.memref_slice %arg10[%dma_start3A_174] : memref<1050624xf32, #tpu.memory_space<vmem_shared>> -> memref<1050624xf32, #tpu.memory_space<vmem_shared>>
    tpu.enqueue_indirect_dma source(%arg8 : memref<128xf32, #tpu.memory_space<vmem>>) target(%dma_start3A_175 : memref<1050624xf32, #tpu.memory_space<vmem_shared>>) offsets(%dma_start3A_173 : memref<128xi32, #tpu.memory_space<vmem>>) semaphore(%arg11 : memref<!tpu.dma_semaphore, #tpu.memory_space<semaphore_mem>>) {add = true}
    %dma_start3A_176 = arith.constant 20 : i32
    %dma_start3A_177 = arith.constant 0 : i32
    %dma_start3A_178 = tpu.memref_slice %arg7[%dma_start3A_176, %dma_start3A_177] : memref<33x128xi32, #tpu.memory_space<vmem>> -> memref<1x128xi32, #tpu.memory_space<vmem>>
    %dma_start3A_179 = tpu.memref_squeeze %dma_start3A_178 : memref<1x128xi32, #tpu.memory_space<vmem>> -> memref<128xi32, #tpu.memory_space<vmem>>
    %dma_start3A_180 = arith.constant 0 : i32
    %dma_start3A_181 = tpu.memref_slice %arg10[%dma_start3A_180] : memref<1050624xf32, #tpu.memory_space<vmem_shared>> -> memref<1050624xf32, #tpu.memory_space<vmem_shared>>
    tpu.enqueue_indirect_dma source(%arg8 : memref<128xf32, #tpu.memory_space<vmem>>) target(%dma_start3A_181 : memref<1050624xf32, #tpu.memory_space<vmem_shared>>) offsets(%dma_start3A_179 : memref<128xi32, #tpu.memory_space<vmem>>) semaphore(%arg11 : memref<!tpu.dma_semaphore, #tpu.memory_space<semaphore_mem>>) {add = true}
    %dma_start3A_182 = arith.constant 21 : i32
    %dma_start3A_183 = arith.constant 0 : i32
    %dma_start3A_184 = tpu.memref_slice %arg7[%dma_start3A_182, %dma_start3A_183] : memref<33x128xi32, #tpu.memory_space<vmem>> -> memref<1x128xi32, #tpu.memory_space<vmem>>
    %dma_start3A_185 = tpu.memref_squeeze %dma_start3A_184 : memref<1x128xi32, #tpu.memory_space<vmem>> -> memref<128xi32, #tpu.memory_space<vmem>>
    %dma_start3A_186 = arith.constant 0 : i32
    %dma_start3A_187 = tpu.memref_slice %arg10[%dma_start3A_186] : memref<1050624xf32, #tpu.memory_space<vmem_shared>> -> memref<1050624xf32, #tpu.memory_space<vmem_shared>>
    tpu.enqueue_indirect_dma source(%arg8 : memref<128xf32, #tpu.memory_space<vmem>>) target(%dma_start3A_187 : memref<1050624xf32, #tpu.memory_space<vmem_shared>>) offsets(%dma_start3A_185 : memref<128xi32, #tpu.memory_space<vmem>>) semaphore(%arg11 : memref<!tpu.dma_semaphore, #tpu.memory_space<semaphore_mem>>) {add = true}
    %dma_start3A_188 = arith.constant 22 : i32
    %dma_start3A_189 = arith.constant 0 : i32
    %dma_start3A_190 = tpu.memref_slice %arg7[%dma_start3A_188, %dma_start3A_189] : memref<33x128xi32, #tpu.memory_space<vmem>> -> memref<1x128xi32, #tpu.memory_space<vmem>>
    %dma_start3A_191 = tpu.memref_squeeze %dma_start3A_190 : memref<1x128xi32, #tpu.memory_space<vmem>> -> memref<128xi32, #tpu.memory_space<vmem>>
    %dma_start3A_192 = arith.constant 0 : i32
    %dma_start3A_193 = tpu.memref_slice %arg10[%dma_start3A_192] : memref<1050624xf32, #tpu.memory_space<vmem_shared>> -> memref<1050624xf32, #tpu.memory_space<vmem_shared>>
    tpu.enqueue_indirect_dma source(%arg8 : memref<128xf32, #tpu.memory_space<vmem>>) target(%dma_start3A_193 : memref<1050624xf32, #tpu.memory_space<vmem_shared>>) offsets(%dma_start3A_191 : memref<128xi32, #tpu.memory_space<vmem>>) semaphore(%arg11 : memref<!tpu.dma_semaphore, #tpu.memory_space<semaphore_mem>>) {add = true}
    %dma_start3A_194 = arith.constant 23 : i32
    %dma_start3A_195 = arith.constant 0 : i32
    %dma_start3A_196 = tpu.memref_slice %arg7[%dma_start3A_194, %dma_start3A_195] : memref<33x128xi32, #tpu.memory_space<vmem>> -> memref<1x128xi32, #tpu.memory_space<vmem>>
    %dma_start3A_197 = tpu.memref_squeeze %dma_start3A_196 : memref<1x128xi32, #tpu.memory_space<vmem>> -> memref<128xi32, #tpu.memory_space<vmem>>
    %dma_start3A_198 = arith.constant 0 : i32
    %dma_start3A_199 = tpu.memref_slice %arg10[%dma_start3A_198] : memref<1050624xf32, #tpu.memory_space<vmem_shared>> -> memref<1050624xf32, #tpu.memory_space<vmem_shared>>
    tpu.enqueue_indirect_dma source(%arg8 : memref<128xf32, #tpu.memory_space<vmem>>) target(%dma_start3A_199 : memref<1050624xf32, #tpu.memory_space<vmem_shared>>) offsets(%dma_start3A_197 : memref<128xi32, #tpu.memory_space<vmem>>) semaphore(%arg11 : memref<!tpu.dma_semaphore, #tpu.memory_space<semaphore_mem>>) {add = true}
    %dma_start3A_200 = arith.constant 24 : i32
    %dma_start3A_201 = arith.constant 0 : i32
    %dma_start3A_202 = tpu.memref_slice %arg7[%dma_start3A_200, %dma_start3A_201] : memref<33x128xi32, #tpu.memory_space<vmem>> -> memref<1x128xi32, #tpu.memory_space<vmem>>
    %dma_start3A_203 = tpu.memref_squeeze %dma_start3A_202 : memref<1x128xi32, #tpu.memory_space<vmem>> -> memref<128xi32, #tpu.memory_space<vmem>>
    %dma_start3A_204 = arith.constant 0 : i32
    %dma_start3A_205 = tpu.memref_slice %arg10[%dma_start3A_204] : memref<1050624xf32, #tpu.memory_space<vmem_shared>> -> memref<1050624xf32, #tpu.memory_space<vmem_shared>>
    tpu.enqueue_indirect_dma source(%arg8 : memref<128xf32, #tpu.memory_space<vmem>>) target(%dma_start3A_205 : memref<1050624xf32, #tpu.memory_space<vmem_shared>>) offsets(%dma_start3A_203 : memref<128xi32, #tpu.memory_space<vmem>>) semaphore(%arg11 : memref<!tpu.dma_semaphore, #tpu.memory_space<semaphore_mem>>) {add = true}
    %dma_start3A_206 = arith.constant 25 : i32
    %dma_start3A_207 = arith.constant 0 : i32
    %dma_start3A_208 = tpu.memref_slice %arg7[%dma_start3A_206, %dma_start3A_207] : memref<33x128xi32, #tpu.memory_space<vmem>> -> memref<1x128xi32, #tpu.memory_space<vmem>>
    %dma_start3A_209 = tpu.memref_squeeze %dma_start3A_208 : memref<1x128xi32, #tpu.memory_space<vmem>> -> memref<128xi32, #tpu.memory_space<vmem>>
    %dma_start3A_210 = arith.constant 0 : i32
    %dma_start3A_211 = tpu.memref_slice %arg10[%dma_start3A_210] : memref<1050624xf32, #tpu.memory_space<vmem_shared>> -> memref<1050624xf32, #tpu.memory_space<vmem_shared>>
    tpu.enqueue_indirect_dma source(%arg8 : memref<128xf32, #tpu.memory_space<vmem>>) target(%dma_start3A_211 : memref<1050624xf32, #tpu.memory_space<vmem_shared>>) offsets(%dma_start3A_209 : memref<128xi32, #tpu.memory_space<vmem>>) semaphore(%arg11 : memref<!tpu.dma_semaphore, #tpu.memory_space<semaphore_mem>>) {add = true}
    %dma_start3A_212 = arith.constant 26 : i32
    %dma_start3A_213 = arith.constant 0 : i32
    %dma_start3A_214 = tpu.memref_slice %arg7[%dma_start3A_212, %dma_start3A_213] : memref<33x128xi32, #tpu.memory_space<vmem>> -> memref<1x128xi32, #tpu.memory_space<vmem>>
    %dma_start3A_215 = tpu.memref_squeeze %dma_start3A_214 : memref<1x128xi32, #tpu.memory_space<vmem>> -> memref<128xi32, #tpu.memory_space<vmem>>
    %dma_start3A_216 = arith.constant 0 : i32
    %dma_start3A_217 = tpu.memref_slice %arg10[%dma_start3A_216] : memref<1050624xf32, #tpu.memory_space<vmem_shared>> -> memref<1050624xf32, #tpu.memory_space<vmem_shared>>
    tpu.enqueue_indirect_dma source(%arg8 : memref<128xf32, #tpu.memory_space<vmem>>) target(%dma_start3A_217 : memref<1050624xf32, #tpu.memory_space<vmem_shared>>) offsets(%dma_start3A_215 : memref<128xi32, #tpu.memory_space<vmem>>) semaphore(%arg11 : memref<!tpu.dma_semaphore, #tpu.memory_space<semaphore_mem>>) {add = true}
    %dma_start3A_218 = arith.constant 27 : i32
    %dma_start3A_219 = arith.constant 0 : i32
    %dma_start3A_220 = tpu.memref_slice %arg7[%dma_start3A_218, %dma_start3A_219] : memref<33x128xi32, #tpu.memory_space<vmem>> -> memref<1x128xi32, #tpu.memory_space<vmem>>
    %dma_start3A_221 = tpu.memref_squeeze %dma_start3A_220 : memref<1x128xi32, #tpu.memory_space<vmem>> -> memref<128xi32, #tpu.memory_space<vmem>>
    %dma_start3A_222 = arith.constant 0 : i32
    %dma_start3A_223 = tpu.memref_slice %arg10[%dma_start3A_222] : memref<1050624xf32, #tpu.memory_space<vmem_shared>> -> memref<1050624xf32, #tpu.memory_space<vmem_shared>>
    tpu.enqueue_indirect_dma source(%arg8 : memref<128xf32, #tpu.memory_space<vmem>>) target(%dma_start3A_223 : memref<1050624xf32, #tpu.memory_space<vmem_shared>>) offsets(%dma_start3A_221 : memref<128xi32, #tpu.memory_space<vmem>>) semaphore(%arg11 : memref<!tpu.dma_semaphore, #tpu.memory_space<semaphore_mem>>) {add = true}
    %dma_start3A_224 = arith.constant 28 : i32
    %dma_start3A_225 = arith.constant 0 : i32
    %dma_start3A_226 = tpu.memref_slice %arg7[%dma_start3A_224, %dma_start3A_225] : memref<33x128xi32, #tpu.memory_space<vmem>> -> memref<1x128xi32, #tpu.memory_space<vmem>>
    %dma_start3A_227 = tpu.memref_squeeze %dma_start3A_226 : memref<1x128xi32, #tpu.memory_space<vmem>> -> memref<128xi32, #tpu.memory_space<vmem>>
    %dma_start3A_228 = arith.constant 0 : i32
    %dma_start3A_229 = tpu.memref_slice %arg10[%dma_start3A_228] : memref<1050624xf32, #tpu.memory_space<vmem_shared>> -> memref<1050624xf32, #tpu.memory_space<vmem_shared>>
    tpu.enqueue_indirect_dma source(%arg8 : memref<128xf32, #tpu.memory_space<vmem>>) target(%dma_start3A_229 : memref<1050624xf32, #tpu.memory_space<vmem_shared>>) offsets(%dma_start3A_227 : memref<128xi32, #tpu.memory_space<vmem>>) semaphore(%arg11 : memref<!tpu.dma_semaphore, #tpu.memory_space<semaphore_mem>>) {add = true}
    %dma_start3A_230 = arith.constant 29 : i32
    %dma_start3A_231 = arith.constant 0 : i32
    %dma_start3A_232 = tpu.memref_slice %arg7[%dma_start3A_230, %dma_start3A_231] : memref<33x128xi32, #tpu.memory_space<vmem>> -> memref<1x128xi32, #tpu.memory_space<vmem>>
    %dma_start3A_233 = tpu.memref_squeeze %dma_start3A_232 : memref<1x128xi32, #tpu.memory_space<vmem>> -> memref<128xi32, #tpu.memory_space<vmem>>
    %dma_start3A_234 = arith.constant 0 : i32
    %dma_start3A_235 = tpu.memref_slice %arg10[%dma_start3A_234] : memref<1050624xf32, #tpu.memory_space<vmem_shared>> -> memref<1050624xf32, #tpu.memory_space<vmem_shared>>
    tpu.enqueue_indirect_dma source(%arg8 : memref<128xf32, #tpu.memory_space<vmem>>) target(%dma_start3A_235 : memref<1050624xf32, #tpu.memory_space<vmem_shared>>) offsets(%dma_start3A_233 : memref<128xi32, #tpu.memory_space<vmem>>) semaphore(%arg11 : memref<!tpu.dma_semaphore, #tpu.memory_space<semaphore_mem>>) {add = true}
    %dma_start3A_236 = arith.constant 30 : i32
    %dma_start3A_237 = arith.constant 0 : i32
    %dma_start3A_238 = tpu.memref_slice %arg7[%dma_start3A_236, %dma_start3A_237] : memref<33x128xi32, #tpu.memory_space<vmem>> -> memref<1x128xi32, #tpu.memory_space<vmem>>
    %dma_start3A_239 = tpu.memref_squeeze %dma_start3A_238 : memref<1x128xi32, #tpu.memory_space<vmem>> -> memref<128xi32, #tpu.memory_space<vmem>>
    %dma_start3A_240 = arith.constant 0 : i32
    %dma_start3A_241 = tpu.memref_slice %arg10[%dma_start3A_240] : memref<1050624xf32, #tpu.memory_space<vmem_shared>> -> memref<1050624xf32, #tpu.memory_space<vmem_shared>>
    tpu.enqueue_indirect_dma source(%arg8 : memref<128xf32, #tpu.memory_space<vmem>>) target(%dma_start3A_241 : memref<1050624xf32, #tpu.memory_space<vmem_shared>>) offsets(%dma_start3A_239 : memref<128xi32, #tpu.memory_space<vmem>>) semaphore(%arg11 : memref<!tpu.dma_semaphore, #tpu.memory_space<semaphore_mem>>) {add = true}
    %dma_start3A_242 = arith.constant 31 : i32
    %dma_start3A_243 = arith.constant 0 : i32
    %dma_start3A_244 = tpu.memref_slice %arg7[%dma_start3A_242, %dma_start3A_243] : memref<33x128xi32, #tpu.memory_space<vmem>> -> memref<1x128xi32, #tpu.memory_space<vmem>>
    %dma_start3A_245 = tpu.memref_squeeze %dma_start3A_244 : memref<1x128xi32, #tpu.memory_space<vmem>> -> memref<128xi32, #tpu.memory_space<vmem>>
    %dma_start3A_246 = arith.constant 0 : i32
    %dma_start3A_247 = tpu.memref_slice %arg10[%dma_start3A_246] : memref<1050624xf32, #tpu.memory_space<vmem_shared>> -> memref<1050624xf32, #tpu.memory_space<vmem_shared>>
    tpu.enqueue_indirect_dma source(%arg8 : memref<128xf32, #tpu.memory_space<vmem>>) target(%dma_start3A_247 : memref<1050624xf32, #tpu.memory_space<vmem_shared>>) offsets(%dma_start3A_245 : memref<128xi32, #tpu.memory_space<vmem>>) semaphore(%arg11 : memref<!tpu.dma_semaphore, #tpu.memory_space<semaphore_mem>>) {add = true}
    %dma_start3A_248 = arith.constant 32 : i32
    %dma_start3A_249 = arith.constant 0 : i32
    %dma_start3A_250 = tpu.memref_slice %arg7[%dma_start3A_248, %dma_start3A_249] : memref<33x128xi32, #tpu.memory_space<vmem>> -> memref<1x128xi32, #tpu.memory_space<vmem>>
    %dma_start3A_251 = tpu.memref_squeeze %dma_start3A_250 : memref<1x128xi32, #tpu.memory_space<vmem>> -> memref<128xi32, #tpu.memory_space<vmem>>
    %dma_start3A_252 = arith.constant 0 : i32
    %dma_start3A_253 = tpu.memref_slice %arg10[%dma_start3A_252] : memref<1050624xf32, #tpu.memory_space<vmem_shared>> -> memref<1050624xf32, #tpu.memory_space<vmem_shared>>
    tpu.enqueue_indirect_dma source(%arg8 : memref<128xf32, #tpu.memory_space<vmem>>) target(%dma_start3A_253 : memref<1050624xf32, #tpu.memory_space<vmem_shared>>) offsets(%dma_start3A_251 : memref<128xi32, #tpu.memory_space<vmem>>) semaphore(%arg11 : memref<!tpu.dma_semaphore, #tpu.memory_space<semaphore_mem>>) {add = true}
    %dma_wait3A_254 = arith.constant 0 : i32
    %dma_wait3A_255 = arith.constant 0 : i32
    %dma_wait3A_256 = tpu.memref_slice %arg7[%dma_wait3A_254, %dma_wait3A_255] : memref<33x128xi32, #tpu.memory_space<vmem>> -> memref<1x128xi32, #tpu.memory_space<vmem>>
    %dma_wait3A_257 = tpu.memref_squeeze %dma_wait3A_256 : memref<1x128xi32, #tpu.memory_space<vmem>> -> memref<128xi32, #tpu.memory_space<vmem>>
    %dma_wait3A_258 = arith.constant 0 : i32
    %dma_wait3A_259 = tpu.memref_slice %arg10[%dma_wait3A_258] : memref<1050624xf32, #tpu.memory_space<vmem_shared>> -> memref<1050624xf32, #tpu.memory_space<vmem_shared>>
    tpu.wait_indirect_dma semaphore(%arg11 : memref<!tpu.dma_semaphore, #tpu.memory_space<semaphore_mem>>) src(%arg8 : memref<128xf32, #tpu.memory_space<vmem>>) dst(%dma_wait3A_259 : memref<1050624xf32, #tpu.memory_space<vmem_shared>>)
    %dma_wait3A_260 = arith.constant 1 : i32
    %dma_wait3A_261 = arith.constant 0 : i32
    %dma_wait3A_262 = tpu.memref_slice %arg7[%dma_wait3A_260, %dma_wait3A_261] : memref<33x128xi32, #tpu.memory_space<vmem>> -> memref<1x128xi32, #tpu.memory_space<vmem>>
    %dma_wait3A_263 = tpu.memref_squeeze %dma_wait3A_262 : memref<1x128xi32, #tpu.memory_space<vmem>> -> memref<128xi32, #tpu.memory_space<vmem>>
    %dma_wait3A_264 = arith.constant 0 : i32
    %dma_wait3A_265 = tpu.memref_slice %arg10[%dma_wait3A_264] : memref<1050624xf32, #tpu.memory_space<vmem_shared>> -> memref<1050624xf32, #tpu.memory_space<vmem_shared>>
    tpu.wait_indirect_dma semaphore(%arg11 : memref<!tpu.dma_semaphore, #tpu.memory_space<semaphore_mem>>) src(%arg8 : memref<128xf32, #tpu.memory_space<vmem>>) dst(%dma_wait3A_265 : memref<1050624xf32, #tpu.memory_space<vmem_shared>>)
    %dma_wait3A_266 = arith.constant 2 : i32
    %dma_wait3A_267 = arith.constant 0 : i32
    %dma_wait3A_268 = tpu.memref_slice %arg7[%dma_wait3A_266, %dma_wait3A_267] : memref<33x128xi32, #tpu.memory_space<vmem>> -> memref<1x128xi32, #tpu.memory_space<vmem>>
    %dma_wait3A_269 = tpu.memref_squeeze %dma_wait3A_268 : memref<1x128xi32, #tpu.memory_space<vmem>> -> memref<128xi32, #tpu.memory_space<vmem>>
    %dma_wait3A_270 = arith.constant 0 : i32
    %dma_wait3A_271 = tpu.memref_slice %arg10[%dma_wait3A_270] : memref<1050624xf32, #tpu.memory_space<vmem_shared>> -> memref<1050624xf32, #tpu.memory_space<vmem_shared>>
    tpu.wait_indirect_dma semaphore(%arg11 : memref<!tpu.dma_semaphore, #tpu.memory_space<semaphore_mem>>) src(%arg8 : memref<128xf32, #tpu.memory_space<vmem>>) dst(%dma_wait3A_271 : memref<1050624xf32, #tpu.memory_space<vmem_shared>>)
    %dma_wait3A_272 = arith.constant 3 : i32
    %dma_wait3A_273 = arith.constant 0 : i32
    %dma_wait3A_274 = tpu.memref_slice %arg7[%dma_wait3A_272, %dma_wait3A_273] : memref<33x128xi32, #tpu.memory_space<vmem>> -> memref<1x128xi32, #tpu.memory_space<vmem>>
    %dma_wait3A_275 = tpu.memref_squeeze %dma_wait3A_274 : memref<1x128xi32, #tpu.memory_space<vmem>> -> memref<128xi32, #tpu.memory_space<vmem>>
    %dma_wait3A_276 = arith.constant 0 : i32
    %dma_wait3A_277 = tpu.memref_slice %arg10[%dma_wait3A_276] : memref<1050624xf32, #tpu.memory_space<vmem_shared>> -> memref<1050624xf32, #tpu.memory_space<vmem_shared>>
    tpu.wait_indirect_dma semaphore(%arg11 : memref<!tpu.dma_semaphore, #tpu.memory_space<semaphore_mem>>) src(%arg8 : memref<128xf32, #tpu.memory_space<vmem>>) dst(%dma_wait3A_277 : memref<1050624xf32, #tpu.memory_space<vmem_shared>>)
    %dma_wait3A_278 = arith.constant 4 : i32
    %dma_wait3A_279 = arith.constant 0 : i32
    %dma_wait3A_280 = tpu.memref_slice %arg7[%dma_wait3A_278, %dma_wait3A_279] : memref<33x128xi32, #tpu.memory_space<vmem>> -> memref<1x128xi32, #tpu.memory_space<vmem>>
    %dma_wait3A_281 = tpu.memref_squeeze %dma_wait3A_280 : memref<1x128xi32, #tpu.memory_space<vmem>> -> memref<128xi32, #tpu.memory_space<vmem>>
    %dma_wait3A_282 = arith.constant 0 : i32
    %dma_wait3A_283 = tpu.memref_slice %arg10[%dma_wait3A_282] : memref<1050624xf32, #tpu.memory_space<vmem_shared>> -> memref<1050624xf32, #tpu.memory_space<vmem_shared>>
    tpu.wait_indirect_dma semaphore(%arg11 : memref<!tpu.dma_semaphore, #tpu.memory_space<semaphore_mem>>) src(%arg8 : memref<128xf32, #tpu.memory_space<vmem>>) dst(%dma_wait3A_283 : memref<1050624xf32, #tpu.memory_space<vmem_shared>>)
    %dma_wait3A_284 = arith.constant 5 : i32
    %dma_wait3A_285 = arith.constant 0 : i32
    %dma_wait3A_286 = tpu.memref_slice %arg7[%dma_wait3A_284, %dma_wait3A_285] : memref<33x128xi32, #tpu.memory_space<vmem>> -> memref<1x128xi32, #tpu.memory_space<vmem>>
    %dma_wait3A_287 = tpu.memref_squeeze %dma_wait3A_286 : memref<1x128xi32, #tpu.memory_space<vmem>> -> memref<128xi32, #tpu.memory_space<vmem>>
    %dma_wait3A_288 = arith.constant 0 : i32
    %dma_wait3A_289 = tpu.memref_slice %arg10[%dma_wait3A_288] : memref<1050624xf32, #tpu.memory_space<vmem_shared>> -> memref<1050624xf32, #tpu.memory_space<vmem_shared>>
    tpu.wait_indirect_dma semaphore(%arg11 : memref<!tpu.dma_semaphore, #tpu.memory_space<semaphore_mem>>) src(%arg8 : memref<128xf32, #tpu.memory_space<vmem>>) dst(%dma_wait3A_289 : memref<1050624xf32, #tpu.memory_space<vmem_shared>>)
    %dma_wait3A_290 = arith.constant 6 : i32
    %dma_wait3A_291 = arith.constant 0 : i32
    %dma_wait3A_292 = tpu.memref_slice %arg7[%dma_wait3A_290, %dma_wait3A_291] : memref<33x128xi32, #tpu.memory_space<vmem>> -> memref<1x128xi32, #tpu.memory_space<vmem>>
    %dma_wait3A_293 = tpu.memref_squeeze %dma_wait3A_292 : memref<1x128xi32, #tpu.memory_space<vmem>> -> memref<128xi32, #tpu.memory_space<vmem>>
    %dma_wait3A_294 = arith.constant 0 : i32
    %dma_wait3A_295 = tpu.memref_slice %arg10[%dma_wait3A_294] : memref<1050624xf32, #tpu.memory_space<vmem_shared>> -> memref<1050624xf32, #tpu.memory_space<vmem_shared>>
    tpu.wait_indirect_dma semaphore(%arg11 : memref<!tpu.dma_semaphore, #tpu.memory_space<semaphore_mem>>) src(%arg8 : memref<128xf32, #tpu.memory_space<vmem>>) dst(%dma_wait3A_295 : memref<1050624xf32, #tpu.memory_space<vmem_shared>>)
    %dma_wait3A_296 = arith.constant 7 : i32
    %dma_wait3A_297 = arith.constant 0 : i32
    %dma_wait3A_298 = tpu.memref_slice %arg7[%dma_wait3A_296, %dma_wait3A_297] : memref<33x128xi32, #tpu.memory_space<vmem>> -> memref<1x128xi32, #tpu.memory_space<vmem>>
    %dma_wait3A_299 = tpu.memref_squeeze %dma_wait3A_298 : memref<1x128xi32, #tpu.memory_space<vmem>> -> memref<128xi32, #tpu.memory_space<vmem>>
    %dma_wait3A_300 = arith.constant 0 : i32
    %dma_wait3A_301 = tpu.memref_slice %arg10[%dma_wait3A_300] : memref<1050624xf32, #tpu.memory_space<vmem_shared>> -> memref<1050624xf32, #tpu.memory_space<vmem_shared>>
    tpu.wait_indirect_dma semaphore(%arg11 : memref<!tpu.dma_semaphore, #tpu.memory_space<semaphore_mem>>) src(%arg8 : memref<128xf32, #tpu.memory_space<vmem>>) dst(%dma_wait3A_301 : memref<1050624xf32, #tpu.memory_space<vmem_shared>>)
    %dma_wait3A_302 = arith.constant 8 : i32
    %dma_wait3A_303 = arith.constant 0 : i32
    %dma_wait3A_304 = tpu.memref_slice %arg7[%dma_wait3A_302, %dma_wait3A_303] : memref<33x128xi32, #tpu.memory_space<vmem>> -> memref<1x128xi32, #tpu.memory_space<vmem>>
    %dma_wait3A_305 = tpu.memref_squeeze %dma_wait3A_304 : memref<1x128xi32, #tpu.memory_space<vmem>> -> memref<128xi32, #tpu.memory_space<vmem>>
    %dma_wait3A_306 = arith.constant 0 : i32
    %dma_wait3A_307 = tpu.memref_slice %arg10[%dma_wait3A_306] : memref<1050624xf32, #tpu.memory_space<vmem_shared>> -> memref<1050624xf32, #tpu.memory_space<vmem_shared>>
    tpu.wait_indirect_dma semaphore(%arg11 : memref<!tpu.dma_semaphore, #tpu.memory_space<semaphore_mem>>) src(%arg8 : memref<128xf32, #tpu.memory_space<vmem>>) dst(%dma_wait3A_307 : memref<1050624xf32, #tpu.memory_space<vmem_shared>>)
    %dma_wait3A_308 = arith.constant 9 : i32
    %dma_wait3A_309 = arith.constant 0 : i32
    %dma_wait3A_310 = tpu.memref_slice %arg7[%dma_wait3A_308, %dma_wait3A_309] : memref<33x128xi32, #tpu.memory_space<vmem>> -> memref<1x128xi32, #tpu.memory_space<vmem>>
    %dma_wait3A_311 = tpu.memref_squeeze %dma_wait3A_310 : memref<1x128xi32, #tpu.memory_space<vmem>> -> memref<128xi32, #tpu.memory_space<vmem>>
    %dma_wait3A_312 = arith.constant 0 : i32
    %dma_wait3A_313 = tpu.memref_slice %arg10[%dma_wait3A_312] : memref<1050624xf32, #tpu.memory_space<vmem_shared>> -> memref<1050624xf32, #tpu.memory_space<vmem_shared>>
    tpu.wait_indirect_dma semaphore(%arg11 : memref<!tpu.dma_semaphore, #tpu.memory_space<semaphore_mem>>) src(%arg8 : memref<128xf32, #tpu.memory_space<vmem>>) dst(%dma_wait3A_313 : memref<1050624xf32, #tpu.memory_space<vmem_shared>>)
    %dma_wait3A_314 = arith.constant 10 : i32
    %dma_wait3A_315 = arith.constant 0 : i32
    %dma_wait3A_316 = tpu.memref_slice %arg7[%dma_wait3A_314, %dma_wait3A_315] : memref<33x128xi32, #tpu.memory_space<vmem>> -> memref<1x128xi32, #tpu.memory_space<vmem>>
    %dma_wait3A_317 = tpu.memref_squeeze %dma_wait3A_316 : memref<1x128xi32, #tpu.memory_space<vmem>> -> memref<128xi32, #tpu.memory_space<vmem>>
    %dma_wait3A_318 = arith.constant 0 : i32
    %dma_wait3A_319 = tpu.memref_slice %arg10[%dma_wait3A_318] : memref<1050624xf32, #tpu.memory_space<vmem_shared>> -> memref<1050624xf32, #tpu.memory_space<vmem_shared>>
    tpu.wait_indirect_dma semaphore(%arg11 : memref<!tpu.dma_semaphore, #tpu.memory_space<semaphore_mem>>) src(%arg8 : memref<128xf32, #tpu.memory_space<vmem>>) dst(%dma_wait3A_319 : memref<1050624xf32, #tpu.memory_space<vmem_shared>>)
    %dma_wait3A_320 = arith.constant 11 : i32
    %dma_wait3A_321 = arith.constant 0 : i32
    %dma_wait3A_322 = tpu.memref_slice %arg7[%dma_wait3A_320, %dma_wait3A_321] : memref<33x128xi32, #tpu.memory_space<vmem>> -> memref<1x128xi32, #tpu.memory_space<vmem>>
    %dma_wait3A_323 = tpu.memref_squeeze %dma_wait3A_322 : memref<1x128xi32, #tpu.memory_space<vmem>> -> memref<128xi32, #tpu.memory_space<vmem>>
    %dma_wait3A_324 = arith.constant 0 : i32
    %dma_wait3A_325 = tpu.memref_slice %arg10[%dma_wait3A_324] : memref<1050624xf32, #tpu.memory_space<vmem_shared>> -> memref<1050624xf32, #tpu.memory_space<vmem_shared>>
    tpu.wait_indirect_dma semaphore(%arg11 : memref<!tpu.dma_semaphore, #tpu.memory_space<semaphore_mem>>) src(%arg8 : memref<128xf32, #tpu.memory_space<vmem>>) dst(%dma_wait3A_325 : memref<1050624xf32, #tpu.memory_space<vmem_shared>>)
    %dma_wait3A_326 = arith.constant 12 : i32
    %dma_wait3A_327 = arith.constant 0 : i32
    %dma_wait3A_328 = tpu.memref_slice %arg7[%dma_wait3A_326, %dma_wait3A_327] : memref<33x128xi32, #tpu.memory_space<vmem>> -> memref<1x128xi32, #tpu.memory_space<vmem>>
    %dma_wait3A_329 = tpu.memref_squeeze %dma_wait3A_328 : memref<1x128xi32, #tpu.memory_space<vmem>> -> memref<128xi32, #tpu.memory_space<vmem>>
    %dma_wait3A_330 = arith.constant 0 : i32
    %dma_wait3A_331 = tpu.memref_slice %arg10[%dma_wait3A_330] : memref<1050624xf32, #tpu.memory_space<vmem_shared>> -> memref<1050624xf32, #tpu.memory_space<vmem_shared>>
    tpu.wait_indirect_dma semaphore(%arg11 : memref<!tpu.dma_semaphore, #tpu.memory_space<semaphore_mem>>) src(%arg8 : memref<128xf32, #tpu.memory_space<vmem>>) dst(%dma_wait3A_331 : memref<1050624xf32, #tpu.memory_space<vmem_shared>>)
    %dma_wait3A_332 = arith.constant 13 : i32
    %dma_wait3A_333 = arith.constant 0 : i32
    %dma_wait3A_334 = tpu.memref_slice %arg7[%dma_wait3A_332, %dma_wait3A_333] : memref<33x128xi32, #tpu.memory_space<vmem>> -> memref<1x128xi32, #tpu.memory_space<vmem>>
    %dma_wait3A_335 = tpu.memref_squeeze %dma_wait3A_334 : memref<1x128xi32, #tpu.memory_space<vmem>> -> memref<128xi32, #tpu.memory_space<vmem>>
    %dma_wait3A_336 = arith.constant 0 : i32
    %dma_wait3A_337 = tpu.memref_slice %arg10[%dma_wait3A_336] : memref<1050624xf32, #tpu.memory_space<vmem_shared>> -> memref<1050624xf32, #tpu.memory_space<vmem_shared>>
    tpu.wait_indirect_dma semaphore(%arg11 : memref<!tpu.dma_semaphore, #tpu.memory_space<semaphore_mem>>) src(%arg8 : memref<128xf32, #tpu.memory_space<vmem>>) dst(%dma_wait3A_337 : memref<1050624xf32, #tpu.memory_space<vmem_shared>>)
    %dma_wait3A_338 = arith.constant 14 : i32
    %dma_wait3A_339 = arith.constant 0 : i32
    %dma_wait3A_340 = tpu.memref_slice %arg7[%dma_wait3A_338, %dma_wait3A_339] : memref<33x128xi32, #tpu.memory_space<vmem>> -> memref<1x128xi32, #tpu.memory_space<vmem>>
    %dma_wait3A_341 = tpu.memref_squeeze %dma_wait3A_340 : memref<1x128xi32, #tpu.memory_space<vmem>> -> memref<128xi32, #tpu.memory_space<vmem>>
    %dma_wait3A_342 = arith.constant 0 : i32
    %dma_wait3A_343 = tpu.memref_slice %arg10[%dma_wait3A_342] : memref<1050624xf32, #tpu.memory_space<vmem_shared>> -> memref<1050624xf32, #tpu.memory_space<vmem_shared>>
    tpu.wait_indirect_dma semaphore(%arg11 : memref<!tpu.dma_semaphore, #tpu.memory_space<semaphore_mem>>) src(%arg8 : memref<128xf32, #tpu.memory_space<vmem>>) dst(%dma_wait3A_343 : memref<1050624xf32, #tpu.memory_space<vmem_shared>>)
    %dma_wait3A_344 = arith.constant 15 : i32
    %dma_wait3A_345 = arith.constant 0 : i32
    %dma_wait3A_346 = tpu.memref_slice %arg7[%dma_wait3A_344, %dma_wait3A_345] : memref<33x128xi32, #tpu.memory_space<vmem>> -> memref<1x128xi32, #tpu.memory_space<vmem>>
    %dma_wait3A_347 = tpu.memref_squeeze %dma_wait3A_346 : memref<1x128xi32, #tpu.memory_space<vmem>> -> memref<128xi32, #tpu.memory_space<vmem>>
    %dma_wait3A_348 = arith.constant 0 : i32
    %dma_wait3A_349 = tpu.memref_slice %arg10[%dma_wait3A_348] : memref<1050624xf32, #tpu.memory_space<vmem_shared>> -> memref<1050624xf32, #tpu.memory_space<vmem_shared>>
    tpu.wait_indirect_dma semaphore(%arg11 : memref<!tpu.dma_semaphore, #tpu.memory_space<semaphore_mem>>) src(%arg8 : memref<128xf32, #tpu.memory_space<vmem>>) dst(%dma_wait3A_349 : memref<1050624xf32, #tpu.memory_space<vmem_shared>>)
    %dma_wait3A_350 = arith.constant 16 : i32
    %dma_wait3A_351 = arith.constant 0 : i32
    %dma_wait3A_352 = tpu.memref_slice %arg7[%dma_wait3A_350, %dma_wait3A_351] : memref<33x128xi32, #tpu.memory_space<vmem>> -> memref<1x128xi32, #tpu.memory_space<vmem>>
    %dma_wait3A_353 = tpu.memref_squeeze %dma_wait3A_352 : memref<1x128xi32, #tpu.memory_space<vmem>> -> memref<128xi32, #tpu.memory_space<vmem>>
    %dma_wait3A_354 = arith.constant 0 : i32
    %dma_wait3A_355 = tpu.memref_slice %arg10[%dma_wait3A_354] : memref<1050624xf32, #tpu.memory_space<vmem_shared>> -> memref<1050624xf32, #tpu.memory_space<vmem_shared>>
    tpu.wait_indirect_dma semaphore(%arg11 : memref<!tpu.dma_semaphore, #tpu.memory_space<semaphore_mem>>) src(%arg8 : memref<128xf32, #tpu.memory_space<vmem>>) dst(%dma_wait3A_355 : memref<1050624xf32, #tpu.memory_space<vmem_shared>>)
    %dma_wait3A_356 = arith.constant 17 : i32
    %dma_wait3A_357 = arith.constant 0 : i32
    %dma_wait3A_358 = tpu.memref_slice %arg7[%dma_wait3A_356, %dma_wait3A_357] : memref<33x128xi32, #tpu.memory_space<vmem>> -> memref<1x128xi32, #tpu.memory_space<vmem>>
    %dma_wait3A_359 = tpu.memref_squeeze %dma_wait3A_358 : memref<1x128xi32, #tpu.memory_space<vmem>> -> memref<128xi32, #tpu.memory_space<vmem>>
    %dma_wait3A_360 = arith.constant 0 : i32
    %dma_wait3A_361 = tpu.memref_slice %arg10[%dma_wait3A_360] : memref<1050624xf32, #tpu.memory_space<vmem_shared>> -> memref<1050624xf32, #tpu.memory_space<vmem_shared>>
    tpu.wait_indirect_dma semaphore(%arg11 : memref<!tpu.dma_semaphore, #tpu.memory_space<semaphore_mem>>) src(%arg8 : memref<128xf32, #tpu.memory_space<vmem>>) dst(%dma_wait3A_361 : memref<1050624xf32, #tpu.memory_space<vmem_shared>>)
    %dma_wait3A_362 = arith.constant 18 : i32
    %dma_wait3A_363 = arith.constant 0 : i32
    %dma_wait3A_364 = tpu.memref_slice %arg7[%dma_wait3A_362, %dma_wait3A_363] : memref<33x128xi32, #tpu.memory_space<vmem>> -> memref<1x128xi32, #tpu.memory_space<vmem>>
    %dma_wait3A_365 = tpu.memref_squeeze %dma_wait3A_364 : memref<1x128xi32, #tpu.memory_space<vmem>> -> memref<128xi32, #tpu.memory_space<vmem>>
    %dma_wait3A_366 = arith.constant 0 : i32
    %dma_wait3A_367 = tpu.memref_slice %arg10[%dma_wait3A_366] : memref<1050624xf32, #tpu.memory_space<vmem_shared>> -> memref<1050624xf32, #tpu.memory_space<vmem_shared>>
    tpu.wait_indirect_dma semaphore(%arg11 : memref<!tpu.dma_semaphore, #tpu.memory_space<semaphore_mem>>) src(%arg8 : memref<128xf32, #tpu.memory_space<vmem>>) dst(%dma_wait3A_367 : memref<1050624xf32, #tpu.memory_space<vmem_shared>>)
    %dma_wait3A_368 = arith.constant 19 : i32
    %dma_wait3A_369 = arith.constant 0 : i32
    %dma_wait3A_370 = tpu.memref_slice %arg7[%dma_wait3A_368, %dma_wait3A_369] : memref<33x128xi32, #tpu.memory_space<vmem>> -> memref<1x128xi32, #tpu.memory_space<vmem>>
    %dma_wait3A_371 = tpu.memref_squeeze %dma_wait3A_370 : memref<1x128xi32, #tpu.memory_space<vmem>> -> memref<128xi32, #tpu.memory_space<vmem>>
    %dma_wait3A_372 = arith.constant 0 : i32
    %dma_wait3A_373 = tpu.memref_slice %arg10[%dma_wait3A_372] : memref<1050624xf32, #tpu.memory_space<vmem_shared>> -> memref<1050624xf32, #tpu.memory_space<vmem_shared>>
    tpu.wait_indirect_dma semaphore(%arg11 : memref<!tpu.dma_semaphore, #tpu.memory_space<semaphore_mem>>) src(%arg8 : memref<128xf32, #tpu.memory_space<vmem>>) dst(%dma_wait3A_373 : memref<1050624xf32, #tpu.memory_space<vmem_shared>>)
    %dma_wait3A_374 = arith.constant 20 : i32
    %dma_wait3A_375 = arith.constant 0 : i32
    %dma_wait3A_376 = tpu.memref_slice %arg7[%dma_wait3A_374, %dma_wait3A_375] : memref<33x128xi32, #tpu.memory_space<vmem>> -> memref<1x128xi32, #tpu.memory_space<vmem>>
    %dma_wait3A_377 = tpu.memref_squeeze %dma_wait3A_376 : memref<1x128xi32, #tpu.memory_space<vmem>> -> memref<128xi32, #tpu.memory_space<vmem>>
    %dma_wait3A_378 = arith.constant 0 : i32
    %dma_wait3A_379 = tpu.memref_slice %arg10[%dma_wait3A_378] : memref<1050624xf32, #tpu.memory_space<vmem_shared>> -> memref<1050624xf32, #tpu.memory_space<vmem_shared>>
    tpu.wait_indirect_dma semaphore(%arg11 : memref<!tpu.dma_semaphore, #tpu.memory_space<semaphore_mem>>) src(%arg8 : memref<128xf32, #tpu.memory_space<vmem>>) dst(%dma_wait3A_379 : memref<1050624xf32, #tpu.memory_space<vmem_shared>>)
    %dma_wait3A_380 = arith.constant 21 : i32
    %dma_wait3A_381 = arith.constant 0 : i32
    %dma_wait3A_382 = tpu.memref_slice %arg7[%dma_wait3A_380, %dma_wait3A_381] : memref<33x128xi32, #tpu.memory_space<vmem>> -> memref<1x128xi32, #tpu.memory_space<vmem>>
    %dma_wait3A_383 = tpu.memref_squeeze %dma_wait3A_382 : memref<1x128xi32, #tpu.memory_space<vmem>> -> memref<128xi32, #tpu.memory_space<vmem>>
    %dma_wait3A_384 = arith.constant 0 : i32
    %dma_wait3A_385 = tpu.memref_slice %arg10[%dma_wait3A_384] : memref<1050624xf32, #tpu.memory_space<vmem_shared>> -> memref<1050624xf32, #tpu.memory_space<vmem_shared>>
    tpu.wait_indirect_dma semaphore(%arg11 : memref<!tpu.dma_semaphore, #tpu.memory_space<semaphore_mem>>) src(%arg8 : memref<128xf32, #tpu.memory_space<vmem>>) dst(%dma_wait3A_385 : memref<1050624xf32, #tpu.memory_space<vmem_shared>>)
    %dma_wait3A_386 = arith.constant 22 : i32
    %dma_wait3A_387 = arith.constant 0 : i32
    %dma_wait3A_388 = tpu.memref_slice %arg7[%dma_wait3A_386, %dma_wait3A_387] : memref<33x128xi32, #tpu.memory_space<vmem>> -> memref<1x128xi32, #tpu.memory_space<vmem>>
    %dma_wait3A_389 = tpu.memref_squeeze %dma_wait3A_388 : memref<1x128xi32, #tpu.memory_space<vmem>> -> memref<128xi32, #tpu.memory_space<vmem>>
    %dma_wait3A_390 = arith.constant 0 : i32
    %dma_wait3A_391 = tpu.memref_slice %arg10[%dma_wait3A_390] : memref<1050624xf32, #tpu.memory_space<vmem_shared>> -> memref<1050624xf32, #tpu.memory_space<vmem_shared>>
    tpu.wait_indirect_dma semaphore(%arg11 : memref<!tpu.dma_semaphore, #tpu.memory_space<semaphore_mem>>) src(%arg8 : memref<128xf32, #tpu.memory_space<vmem>>) dst(%dma_wait3A_391 : memref<1050624xf32, #tpu.memory_space<vmem_shared>>)
    %dma_wait3A_392 = arith.constant 23 : i32
    %dma_wait3A_393 = arith.constant 0 : i32
    %dma_wait3A_394 = tpu.memref_slice %arg7[%dma_wait3A_392, %dma_wait3A_393] : memref<33x128xi32, #tpu.memory_space<vmem>> -> memref<1x128xi32, #tpu.memory_space<vmem>>
    %dma_wait3A_395 = tpu.memref_squeeze %dma_wait3A_394 : memref<1x128xi32, #tpu.memory_space<vmem>> -> memref<128xi32, #tpu.memory_space<vmem>>
    %dma_wait3A_396 = arith.constant 0 : i32
    %dma_wait3A_397 = tpu.memref_slice %arg10[%dma_wait3A_396] : memref<1050624xf32, #tpu.memory_space<vmem_shared>> -> memref<1050624xf32, #tpu.memory_space<vmem_shared>>
    tpu.wait_indirect_dma semaphore(%arg11 : memref<!tpu.dma_semaphore, #tpu.memory_space<semaphore_mem>>) src(%arg8 : memref<128xf32, #tpu.memory_space<vmem>>) dst(%dma_wait3A_397 : memref<1050624xf32, #tpu.memory_space<vmem_shared>>)
    %dma_wait3A_398 = arith.constant 24 : i32
    %dma_wait3A_399 = arith.constant 0 : i32
    %dma_wait3A_400 = tpu.memref_slice %arg7[%dma_wait3A_398, %dma_wait3A_399] : memref<33x128xi32, #tpu.memory_space<vmem>> -> memref<1x128xi32, #tpu.memory_space<vmem>>
    %dma_wait3A_401 = tpu.memref_squeeze %dma_wait3A_400 : memref<1x128xi32, #tpu.memory_space<vmem>> -> memref<128xi32, #tpu.memory_space<vmem>>
    %dma_wait3A_402 = arith.constant 0 : i32
    %dma_wait3A_403 = tpu.memref_slice %arg10[%dma_wait3A_402] : memref<1050624xf32, #tpu.memory_space<vmem_shared>> -> memref<1050624xf32, #tpu.memory_space<vmem_shared>>
    tpu.wait_indirect_dma semaphore(%arg11 : memref<!tpu.dma_semaphore, #tpu.memory_space<semaphore_mem>>) src(%arg8 : memref<128xf32, #tpu.memory_space<vmem>>) dst(%dma_wait3A_403 : memref<1050624xf32, #tpu.memory_space<vmem_shared>>)
    %dma_wait3A_404 = arith.constant 25 : i32
    %dma_wait3A_405 = arith.constant 0 : i32
    %dma_wait3A_406 = tpu.memref_slice %arg7[%dma_wait3A_404, %dma_wait3A_405] : memref<33x128xi32, #tpu.memory_space<vmem>> -> memref<1x128xi32, #tpu.memory_space<vmem>>
    %dma_wait3A_407 = tpu.memref_squeeze %dma_wait3A_406 : memref<1x128xi32, #tpu.memory_space<vmem>> -> memref<128xi32, #tpu.memory_space<vmem>>
    %dma_wait3A_408 = arith.constant 0 : i32
    %dma_wait3A_409 = tpu.memref_slice %arg10[%dma_wait3A_408] : memref<1050624xf32, #tpu.memory_space<vmem_shared>> -> memref<1050624xf32, #tpu.memory_space<vmem_shared>>
    tpu.wait_indirect_dma semaphore(%arg11 : memref<!tpu.dma_semaphore, #tpu.memory_space<semaphore_mem>>) src(%arg8 : memref<128xf32, #tpu.memory_space<vmem>>) dst(%dma_wait3A_409 : memref<1050624xf32, #tpu.memory_space<vmem_shared>>)
    %dma_wait3A_410 = arith.constant 26 : i32
    %dma_wait3A_411 = arith.constant 0 : i32
    %dma_wait3A_412 = tpu.memref_slice %arg7[%dma_wait3A_410, %dma_wait3A_411] : memref<33x128xi32, #tpu.memory_space<vmem>> -> memref<1x128xi32, #tpu.memory_space<vmem>>
    %dma_wait3A_413 = tpu.memref_squeeze %dma_wait3A_412 : memref<1x128xi32, #tpu.memory_space<vmem>> -> memref<128xi32, #tpu.memory_space<vmem>>
    %dma_wait3A_414 = arith.constant 0 : i32
    %dma_wait3A_415 = tpu.memref_slice %arg10[%dma_wait3A_414] : memref<1050624xf32, #tpu.memory_space<vmem_shared>> -> memref<1050624xf32, #tpu.memory_space<vmem_shared>>
    tpu.wait_indirect_dma semaphore(%arg11 : memref<!tpu.dma_semaphore, #tpu.memory_space<semaphore_mem>>) src(%arg8 : memref<128xf32, #tpu.memory_space<vmem>>) dst(%dma_wait3A_415 : memref<1050624xf32, #tpu.memory_space<vmem_shared>>)
    %dma_wait3A_416 = arith.constant 27 : i32
    %dma_wait3A_417 = arith.constant 0 : i32
    %dma_wait3A_418 = tpu.memref_slice %arg7[%dma_wait3A_416, %dma_wait3A_417] : memref<33x128xi32, #tpu.memory_space<vmem>> -> memref<1x128xi32, #tpu.memory_space<vmem>>
    %dma_wait3A_419 = tpu.memref_squeeze %dma_wait3A_418 : memref<1x128xi32, #tpu.memory_space<vmem>> -> memref<128xi32, #tpu.memory_space<vmem>>
    %dma_wait3A_420 = arith.constant 0 : i32
    %dma_wait3A_421 = tpu.memref_slice %arg10[%dma_wait3A_420] : memref<1050624xf32, #tpu.memory_space<vmem_shared>> -> memref<1050624xf32, #tpu.memory_space<vmem_shared>>
    tpu.wait_indirect_dma semaphore(%arg11 : memref<!tpu.dma_semaphore, #tpu.memory_space<semaphore_mem>>) src(%arg8 : memref<128xf32, #tpu.memory_space<vmem>>) dst(%dma_wait3A_421 : memref<1050624xf32, #tpu.memory_space<vmem_shared>>)
    %dma_wait3A_422 = arith.constant 28 : i32
    %dma_wait3A_423 = arith.constant 0 : i32
    %dma_wait3A_424 = tpu.memref_slice %arg7[%dma_wait3A_422, %dma_wait3A_423] : memref<33x128xi32, #tpu.memory_space<vmem>> -> memref<1x128xi32, #tpu.memory_space<vmem>>
    %dma_wait3A_425 = tpu.memref_squeeze %dma_wait3A_424 : memref<1x128xi32, #tpu.memory_space<vmem>> -> memref<128xi32, #tpu.memory_space<vmem>>
    %dma_wait3A_426 = arith.constant 0 : i32
    %dma_wait3A_427 = tpu.memref_slice %arg10[%dma_wait3A_426] : memref<1050624xf32, #tpu.memory_space<vmem_shared>> -> memref<1050624xf32, #tpu.memory_space<vmem_shared>>
    tpu.wait_indirect_dma semaphore(%arg11 : memref<!tpu.dma_semaphore, #tpu.memory_space<semaphore_mem>>) src(%arg8 : memref<128xf32, #tpu.memory_space<vmem>>) dst(%dma_wait3A_427 : memref<1050624xf32, #tpu.memory_space<vmem_shared>>)
    %dma_wait3A_428 = arith.constant 29 : i32
    %dma_wait3A_429 = arith.constant 0 : i32
    %dma_wait3A_430 = tpu.memref_slice %arg7[%dma_wait3A_428, %dma_wait3A_429] : memref<33x128xi32, #tpu.memory_space<vmem>> -> memref<1x128xi32, #tpu.memory_space<vmem>>
    %dma_wait3A_431 = tpu.memref_squeeze %dma_wait3A_430 : memref<1x128xi32, #tpu.memory_space<vmem>> -> memref<128xi32, #tpu.memory_space<vmem>>
    %dma_wait3A_432 = arith.constant 0 : i32
    %dma_wait3A_433 = tpu.memref_slice %arg10[%dma_wait3A_432] : memref<1050624xf32, #tpu.memory_space<vmem_shared>> -> memref<1050624xf32, #tpu.memory_space<vmem_shared>>
    tpu.wait_indirect_dma semaphore(%arg11 : memref<!tpu.dma_semaphore, #tpu.memory_space<semaphore_mem>>) src(%arg8 : memref<128xf32, #tpu.memory_space<vmem>>) dst(%dma_wait3A_433 : memref<1050624xf32, #tpu.memory_space<vmem_shared>>)
    %dma_wait3A_434 = arith.constant 30 : i32
    %dma_wait3A_435 = arith.constant 0 : i32
    %dma_wait3A_436 = tpu.memref_slice %arg7[%dma_wait3A_434, %dma_wait3A_435] : memref<33x128xi32, #tpu.memory_space<vmem>> -> memref<1x128xi32, #tpu.memory_space<vmem>>
    %dma_wait3A_437 = tpu.memref_squeeze %dma_wait3A_436 : memref<1x128xi32, #tpu.memory_space<vmem>> -> memref<128xi32, #tpu.memory_space<vmem>>
    %dma_wait3A_438 = arith.constant 0 : i32
    %dma_wait3A_439 = tpu.memref_slice %arg10[%dma_wait3A_438] : memref<1050624xf32, #tpu.memory_space<vmem_shared>> -> memref<1050624xf32, #tpu.memory_space<vmem_shared>>
    tpu.wait_indirect_dma semaphore(%arg11 : memref<!tpu.dma_semaphore, #tpu.memory_space<semaphore_mem>>) src(%arg8 : memref<128xf32, #tpu.memory_space<vmem>>) dst(%dma_wait3A_439 : memref<1050624xf32, #tpu.memory_space<vmem_shared>>)
    %dma_wait3A_440 = arith.constant 31 : i32
    %dma_wait3A_441 = arith.constant 0 : i32
    %dma_wait3A_442 = tpu.memref_slice %arg7[%dma_wait3A_440, %dma_wait3A_441] : memref<33x128xi32, #tpu.memory_space<vmem>> -> memref<1x128xi32, #tpu.memory_space<vmem>>
    %dma_wait3A_443 = tpu.memref_squeeze %dma_wait3A_442 : memref<1x128xi32, #tpu.memory_space<vmem>> -> memref<128xi32, #tpu.memory_space<vmem>>
    %dma_wait3A_444 = arith.constant 0 : i32
    %dma_wait3A_445 = tpu.memref_slice %arg10[%dma_wait3A_444] : memref<1050624xf32, #tpu.memory_space<vmem_shared>> -> memref<1050624xf32, #tpu.memory_space<vmem_shared>>
    tpu.wait_indirect_dma semaphore(%arg11 : memref<!tpu.dma_semaphore, #tpu.memory_space<semaphore_mem>>) src(%arg8 : memref<128xf32, #tpu.memory_space<vmem>>) dst(%dma_wait3A_445 : memref<1050624xf32, #tpu.memory_space<vmem_shared>>)
    %dma_wait3A_446 = arith.constant 32 : i32
    %dma_wait3A_447 = arith.constant 0 : i32
    %dma_wait3A_448 = tpu.memref_slice %arg7[%dma_wait3A_446, %dma_wait3A_447] : memref<33x128xi32, #tpu.memory_space<vmem>> -> memref<1x128xi32, #tpu.memory_space<vmem>>
    %dma_wait3A_449 = tpu.memref_squeeze %dma_wait3A_448 : memref<1x128xi32, #tpu.memory_space<vmem>> -> memref<128xi32, #tpu.memory_space<vmem>>
    %dma_wait3A_450 = arith.constant 0 : i32
    %dma_wait3A_451 = tpu.memref_slice %arg10[%dma_wait3A_450] : memref<1050624xf32, #tpu.memory_space<vmem_shared>> -> memref<1050624xf32, #tpu.memory_space<vmem_shared>>
    tpu.wait_indirect_dma semaphore(%arg11 : memref<!tpu.dma_semaphore, #tpu.memory_space<semaphore_mem>>) src(%arg8 : memref<128xf32, #tpu.memory_space<vmem>>) dst(%dma_wait3A_451 : memref<1050624xf32, #tpu.memory_space<vmem_shared>>)
    %barrier3A_452 = arith.constant 0 : index
    tpu.barrier barrier_id(%barrier3A_452)
    %mul3A_453 = arith.constant 65536 : i32
    %mul3A_454 = arith.muli %arg1, %mul3A_453 : i32
    %mul3A_455 = arith.constant 2048 : i32
    %mul3A_456 = arith.muli %add3A_18, %mul3A_455 : i32
    %mul3A_457 = arith.constant 65536 : i32
    %mul3A_458 = arith.muli %arg1, %mul3A_457 : i32
    %add3A_459 = arith.addi %mul3A_456, %mul3A_458 : i32
    "tpu.region"() ({
      %run_scoped3A = tpu.sem_alloc : memref<!tpu.dma_semaphore, #tpu.memory_space<semaphore_mem>>
      %dma_start3A_910 = tpu.memref_slice %arg4[%add3A_459] : memref<4194304xf32, #tpu.memory_space<hbm>> -> memref<65536xf32, #tpu.memory_space<hbm>>
      %dma_start3A_911 = tpu.memref_slice %arg10[%mul3A_454] : memref<1050624xf32, #tpu.memory_space<vmem_shared>> -> memref<65536xf32, #tpu.memory_space<vmem_shared>>
      tpu.enqueue_dma source(%dma_start3A_911 : memref<65536xf32, #tpu.memory_space<vmem_shared>>) target(%dma_start3A_910 : memref<65536xf32, #tpu.memory_space<hbm>>) target_semaphore(%run_scoped3A : memref<!tpu.dma_semaphore, #tpu.memory_space<semaphore_mem>>)
      %dma_wait3A_912 = tpu.memref_slice %arg4[%add3A_459] : memref<4194304xf32, #tpu.memory_space<hbm>> -> memref<65536xf32, #tpu.memory_space<hbm>>
      %dma_wait3A_913 = tpu.memref_slice %arg10[%mul3A_454] : memref<1050624xf32, #tpu.memory_space<vmem_shared>> -> memref<65536xf32, #tpu.memory_space<vmem_shared>>
      tpu.wait_dma2 semaphore(%run_scoped3A : memref<!tpu.dma_semaphore, #tpu.memory_space<semaphore_mem>>) src(%dma_wait3A_913 : memref<65536xf32, #tpu.memory_space<vmem_shared>>) dst(%dma_wait3A_912 : memref<65536xf32, #tpu.memory_space<hbm>>)
      tpu.yield
    }) : () -> ()
    %barrier3A_460 = arith.constant 0 : index
    tpu.barrier barrier_id(%barrier3A_460)
    %mul3A_461 = arith.constant 512 : i32
    %mul3A_462 = arith.muli %arg0, %mul3A_461 : i32
    %add3A_463 = arith.constant 1024 : i32
    %add3A_464 = arith.addi %add3A_463, %mul3A_462 : i32
    %mul3A_465 = arith.constant 65536 : i32
    %mul3A_466 = arith.muli %arg1, %mul3A_465 : i32
    %add3A_467 = arith.constant 0 : i32
    %add3A_468 = arith.addi %mul3A_466, %add3A_467 : i32
    %dma_start3A_469 = tpu.memref_slice %arg10[%add3A_468] : memref<1050624xf32, #tpu.memory_space<vmem_shared>> -> memref<16384xf32, #tpu.memory_space<vmem_shared>>
    %dma_start3A_470 = tpu.memref_slice %arg10[%add3A_468] : memref<1050624xf32, #tpu.memory_space<vmem_shared>> -> memref<16384xf32, #tpu.memory_space<vmem_shared>>
    tpu.enqueue_dma source(%arg9 : memref<16384xf32, #tpu.memory_space<vmem>>) target(%dma_start3A_470 : memref<16384xf32, #tpu.memory_space<vmem_shared>>) target_semaphore(%arg11 : memref<!tpu.dma_semaphore, #tpu.memory_space<semaphore_mem>>)
    %mul3A_471 = arith.constant 65536 : i32
    %mul3A_472 = arith.muli %arg1, %mul3A_471 : i32
    %add3A_473 = arith.constant 16384 : i32
    %add3A_474 = arith.addi %mul3A_472, %add3A_473 : i32
    %dma_start3A_475 = tpu.memref_slice %arg10[%add3A_474] : memref<1050624xf32, #tpu.memory_space<vmem_shared>> -> memref<16384xf32, #tpu.memory_space<vmem_shared>>
    %dma_start3A_476 = tpu.memref_slice %arg10[%add3A_474] : memref<1050624xf32, #tpu.memory_space<vmem_shared>> -> memref<16384xf32, #tpu.memory_space<vmem_shared>>
    tpu.enqueue_dma source(%arg9 : memref<16384xf32, #tpu.memory_space<vmem>>) target(%dma_start3A_476 : memref<16384xf32, #tpu.memory_space<vmem_shared>>) target_semaphore(%arg11 : memref<!tpu.dma_semaphore, #tpu.memory_space<semaphore_mem>>)
    %mul3A_477 = arith.constant 65536 : i32
    %mul3A_478 = arith.muli %arg1, %mul3A_477 : i32
    %add3A_479 = arith.constant 32768 : i32
    %add3A_480 = arith.addi %mul3A_478, %add3A_479 : i32
    %dma_start3A_481 = tpu.memref_slice %arg10[%add3A_480] : memref<1050624xf32, #tpu.memory_space<vmem_shared>> -> memref<16384xf32, #tpu.memory_space<vmem_shared>>
    %dma_start3A_482 = tpu.memref_slice %arg10[%add3A_480] : memref<1050624xf32, #tpu.memory_space<vmem_shared>> -> memref<16384xf32, #tpu.memory_space<vmem_shared>>
    tpu.enqueue_dma source(%arg9 : memref<16384xf32, #tpu.memory_space<vmem>>) target(%dma_start3A_482 : memref<16384xf32, #tpu.memory_space<vmem_shared>>) target_semaphore(%arg11 : memref<!tpu.dma_semaphore, #tpu.memory_space<semaphore_mem>>)
    %mul3A_483 = arith.constant 65536 : i32
    %mul3A_484 = arith.muli %arg1, %mul3A_483 : i32
    %add3A_485 = arith.constant 49152 : i32
    %add3A_486 = arith.addi %mul3A_484, %add3A_485 : i32
    %dma_start3A_487 = tpu.memref_slice %arg10[%add3A_486] : memref<1050624xf32, #tpu.memory_space<vmem_shared>> -> memref<16384xf32, #tpu.memory_space<vmem_shared>>
    %dma_start3A_488 = tpu.memref_slice %arg10[%add3A_486] : memref<1050624xf32, #tpu.memory_space<vmem_shared>> -> memref<16384xf32, #tpu.memory_space<vmem_shared>>
    tpu.enqueue_dma source(%arg9 : memref<16384xf32, #tpu.memory_space<vmem>>) target(%dma_start3A_488 : memref<16384xf32, #tpu.memory_space<vmem_shared>>) target_semaphore(%arg11 : memref<!tpu.dma_semaphore, #tpu.memory_space<semaphore_mem>>)
    %scan3A_489 = arith.constant 0 : i32
    %scan3A_490 = arith.constant 0 : i32
    %scan3A_491 = arith.constant 264 : i32
    %scan3A_492 = arith.addi %scan3A_490, %scan3A_491 : i32
    %scan3A_493 = arith.constant 1 : i32
    %scan3A_494 = scf.for %scan3A_910 = %scan3A_490 to %scan3A_492 step %scan3A_493 iter_args(%scan3A_911 = %scan3A_489) -> (i32)  : i32 {
      %mul3A_912 = arith.constant 16 : i32
      %mul3A_913 = arith.muli %scan3A_910, %mul3A_912 : i32
      %get3A = arith.index_cast %mul3A_913 : i32 to index
      %get3A_914 = tpu.vector_load %arg6[%get3A] {strides = array<i32>} : memref<4224xi32, #tpu.memory_space<vmem>>, vector<16xi32>,
      %get3A_915 = vector.shape_cast %get3A_914 : vector<16xi32> to vector<16xi32>
      %get3A_916 = arith.index_cast %mul3A_913 : i32 to index
      %get3A_917 = tpu.vector_load %arg5[%get3A_916] {strides = array<i32>} : memref<4224xi32, #tpu.memory_space<vmem>>, vector<16xi32>,
      %get3A_918 = vector.shape_cast %get3A_917 : vector<16xi32> to vector<16xi32>
      %sub3A = vector.broadcast %add3A_464 : i32 to vector<16xi32>
      %sub3A_919 = arith.subi %get3A_915, %sub3A : vector<16xi32>
      %ge3A = arith.constant 0 : i32
      %ge3A_920 = vector.broadcast %ge3A : i32 to vector<16xi32>
      %ge3A_921 = arith.cmpi sge, %sub3A_919, %ge3A_920 : vector<16xi32>
      %lt3A = arith.constant 512 : i32
      %lt3A_922 = vector.broadcast %lt3A : i32 to vector<16xi32>
      %lt3A_923 = arith.cmpi slt, %sub3A_919, %lt3A_922 : vector<16xi32>
      %and3A = arith.andi %ge3A_921, %lt3A_923 : vector<16xi1>
      %mul3A_924 = arith.constant 2048 : i32
      %mul3A_925 = vector.broadcast %mul3A_924 : i32 to vector<16xi32>
      %mul3A_926 = arith.muli %sub3A_919, %mul3A_925 : vector<16xi32>
      %add3A_927 = arith.addi %mul3A_926, %get3A_918 : vector<16xi32>
      %and3A_928 = arith.constant 1023 : i32
      %and3A_929 = vector.broadcast %and3A_928 : i32 to vector<16xi32>
      %and3A_930 = arith.andi %get3A_918, %and3A_929 : vector<16xi32>
      %add3A_931 = arith.constant 1048576 : i32
      %add3A_932 = vector.broadcast %add3A_931 : i32 to vector<16xi32>
      %add3A_933 = arith.addi %add3A_932, %and3A_930 : vector<16xi32>
      %select_n3A = arith.select %and3A, %add3A_927, %add3A_933 : vector<16xi1>, vector<16xi32>
      %jit3A = arith.constant 128 : i32
      %div3A = arith.divsi %mul3A_913, %jit3A : i32
      %sign3A = arith.constant 0 : i32
      %sign3A_934 = arith.cmpi sgt, %mul3A_913, %sign3A : i32
      %sign3A_935 = arith.extui %sign3A_934 : i1 to i32
      %sign3A_936 = arith.constant 0 : i32
      %sign3A_937 = arith.cmpi slt, %mul3A_913, %sign3A_936 : i32
      %sign3A_938 = arith.extui %sign3A_937 : i1 to i32
      %sign3A_939 = arith.subi %sign3A_935, %sign3A_938 : i32
      %sign3A_940 = arith.constant 0 : i32
      %sign3A_941 = arith.cmpi sgt, %jit3A, %sign3A_940 : i32
      %sign3A_942 = arith.extui %sign3A_941 : i1 to i32
      %sign3A_943 = arith.constant 0 : i32
      %sign3A_944 = arith.cmpi slt, %jit3A, %sign3A_943 : i32
      %sign3A_945 = arith.extui %sign3A_944 : i1 to i32
      %sign3A_946 = arith.subi %sign3A_942, %sign3A_945 : i32
      %ne3A = arith.cmpi ne, %sign3A_939, %sign3A_946 : i32
      %rem3A = arith.remsi %mul3A_913, %jit3A : i32
      %ne3A_947 = arith.constant 0 : i32
      %ne3A_948 = arith.cmpi ne, %rem3A, %ne3A_947 : i32
      %and3A_949 = arith.andi %ne3A, %ne3A_948 : i1
      %sub3A_950 = arith.constant 1 : i32
      %sub3A_951 = arith.subi %div3A, %sub3A_950 : i32
      %select_n3A_952 = arith.select %and3A_949, %sub3A_951, %div3A : i32
      %jit3A_953 = arith.constant 128 : i32
      %eq3A = arith.constant 0 : i32
      %eq3A_954 = arith.cmpi eq, %jit3A_953, %eq3A : i32
      %jit3A_955 = arith.constant 1 : i32
      %select_n3A_956 = arith.select %eq3A_954, %jit3A_955, %jit3A_953 : i32
      %rem3A_957 = arith.remsi %mul3A_913, %select_n3A_956 : i32
      %ne3A_958 = arith.constant 0 : i32
      %ne3A_959 = arith.cmpi ne, %rem3A_957, %ne3A_958 : i32
      %lt3A_960 = arith.constant 0 : i32
      %lt3A_961 = arith.cmpi slt, %rem3A_957, %lt3A_960 : i32
      %lt3A_962 = arith.constant 0 : i32
      %lt3A_963 = arith.cmpi slt, %select_n3A_956, %lt3A_962 : i32
      %ne3A_964 = arith.xori %lt3A_961, %lt3A_963 : i1
      %and3A_965 = arith.andi %ne3A_964, %ne3A_959 : i1
      %add3A_966 = arith.addi %rem3A_957, %select_n3A_956 : i32
      %select_n3A_967 = arith.select %and3A_965, %add3A_966, %rem3A_957 : i32
      %swap3A = arith.index_cast %select_n3A_952 : i32 to index
      %swap3A_968 = arith.index_cast %select_n3A_967 : i32 to index
      %swap3A_969 = tpu.vector_load %arg7[%swap3A, %swap3A_968] {strides = array<i32>} : memref<33x128xi32, #tpu.memory_space<vmem>>, vector<1x16xi32>,
      %swap3A_970 = vector.shape_cast %swap3A_969 : vector<1x16xi32> to vector<16xi32>
      %swap3A_971 = vector.shape_cast %select_n3A : vector<16xi32> to vector<1x16xi32>
      tpu.vector_store %arg7[%swap3A, %swap3A_968], %swap3A_971 {strides = array<i32>} : memref<33x128xi32, #tpu.memory_space<vmem>>, vector<1x16xi32>,
      %scan3A_972 = arith.constant 0 : i32
      scf.yield %scan3A_972 : i32
    }
    %scan3A_495 = arith.constant 264 : i32
    %dma_wait3A_496 = tpu.memref_slice %arg10[%add3A_468] : memref<1050624xf32, #tpu.memory_space<vmem_shared>> -> memref<16384xf32, #tpu.memory_space<vmem_shared>>
    %dma_wait3A_497 = tpu.memref_slice %arg10[%add3A_468] : memref<1050624xf32, #tpu.memory_space<vmem_shared>> -> memref<16384xf32, #tpu.memory_space<vmem_shared>>
    tpu.wait_dma2 semaphore(%arg11 : memref<!tpu.dma_semaphore, #tpu.memory_space<semaphore_mem>>) src(%arg9 : memref<16384xf32, #tpu.memory_space<vmem>>) dst(%dma_wait3A_497 : memref<16384xf32, #tpu.memory_space<vmem_shared>>)
    %dma_wait3A_498 = tpu.memref_slice %arg10[%add3A_474] : memref<1050624xf32, #tpu.memory_space<vmem_shared>> -> memref<16384xf32, #tpu.memory_space<vmem_shared>>
    %dma_wait3A_499 = tpu.memref_slice %arg10[%add3A_474] : memref<1050624xf32, #tpu.memory_space<vmem_shared>> -> memref<16384xf32, #tpu.memory_space<vmem_shared>>
    tpu.wait_dma2 semaphore(%arg11 : memref<!tpu.dma_semaphore, #tpu.memory_space<semaphore_mem>>) src(%arg9 : memref<16384xf32, #tpu.memory_space<vmem>>) dst(%dma_wait3A_499 : memref<16384xf32, #tpu.memory_space<vmem_shared>>)
    %dma_wait3A_500 = tpu.memref_slice %arg10[%add3A_480] : memref<1050624xf32, #tpu.memory_space<vmem_shared>> -> memref<16384xf32, #tpu.memory_space<vmem_shared>>
    %dma_wait3A_501 = tpu.memref_slice %arg10[%add3A_480] : memref<1050624xf32, #tpu.memory_space<vmem_shared>> -> memref<16384xf32, #tpu.memory_space<vmem_shared>>
    tpu.wait_dma2 semaphore(%arg11 : memref<!tpu.dma_semaphore, #tpu.memory_space<semaphore_mem>>) src(%arg9 : memref<16384xf32, #tpu.memory_space<vmem>>) dst(%dma_wait3A_501 : memref<16384xf32, #tpu.memory_space<vmem_shared>>)
    %dma_wait3A_502 = tpu.memref_slice %arg10[%add3A_486] : memref<1050624xf32, #tpu.memory_space<vmem_shared>> -> memref<16384xf32, #tpu.memory_space<vmem_shared>>
    %dma_wait3A_503 = tpu.memref_slice %arg10[%add3A_486] : memref<1050624xf32, #tpu.memory_space<vmem_shared>> -> memref<16384xf32, #tpu.memory_space<vmem_shared>>
    tpu.wait_dma2 semaphore(%arg11 : memref<!tpu.dma_semaphore, #tpu.memory_space<semaphore_mem>>) src(%arg9 : memref<16384xf32, #tpu.memory_space<vmem>>) dst(%dma_wait3A_503 : memref<16384xf32, #tpu.memory_space<vmem_shared>>)
    %barrier3A_504 = arith.constant 0 : index
    tpu.barrier barrier_id(%barrier3A_504)
    %dma_start3A_505 = arith.constant 0 : i32
    %dma_start3A_506 = arith.constant 0 : i32
    %dma_start3A_507 = tpu.memref_slice %arg7[%dma_start3A_505, %dma_start3A_506] : memref<33x128xi32, #tpu.memory_space<vmem>> -> memref<1x128xi32, #tpu.memory_space<vmem>>
    %dma_start3A_508 = tpu.memref_squeeze %dma_start3A_507 : memref<1x128xi32, #tpu.memory_space<vmem>> -> memref<128xi32, #tpu.memory_space<vmem>>
    %dma_start3A_509 = arith.constant 0 : i32
    %dma_start3A_510 = tpu.memref_slice %arg10[%dma_start3A_509] : memref<1050624xf32, #tpu.memory_space<vmem_shared>> -> memref<1050624xf32, #tpu.memory_space<vmem_shared>>
    tpu.enqueue_indirect_dma source(%arg8 : memref<128xf32, #tpu.memory_space<vmem>>) target(%dma_start3A_510 : memref<1050624xf32, #tpu.memory_space<vmem_shared>>) offsets(%dma_start3A_508 : memref<128xi32, #tpu.memory_space<vmem>>) semaphore(%arg11 : memref<!tpu.dma_semaphore, #tpu.memory_space<semaphore_mem>>) {add = true}
    %dma_start3A_511 = arith.constant 1 : i32
    %dma_start3A_512 = arith.constant 0 : i32
    %dma_start3A_513 = tpu.memref_slice %arg7[%dma_start3A_511, %dma_start3A_512] : memref<33x128xi32, #tpu.memory_space<vmem>> -> memref<1x128xi32, #tpu.memory_space<vmem>>
    %dma_start3A_514 = tpu.memref_squeeze %dma_start3A_513 : memref<1x128xi32, #tpu.memory_space<vmem>> -> memref<128xi32, #tpu.memory_space<vmem>>
    %dma_start3A_515 = arith.constant 0 : i32
    %dma_start3A_516 = tpu.memref_slice %arg10[%dma_start3A_515] : memref<1050624xf32, #tpu.memory_space<vmem_shared>> -> memref<1050624xf32, #tpu.memory_space<vmem_shared>>
    tpu.enqueue_indirect_dma source(%arg8 : memref<128xf32, #tpu.memory_space<vmem>>) target(%dma_start3A_516 : memref<1050624xf32, #tpu.memory_space<vmem_shared>>) offsets(%dma_start3A_514 : memref<128xi32, #tpu.memory_space<vmem>>) semaphore(%arg11 : memref<!tpu.dma_semaphore, #tpu.memory_space<semaphore_mem>>) {add = true}
    %dma_start3A_517 = arith.constant 2 : i32
    %dma_start3A_518 = arith.constant 0 : i32
    %dma_start3A_519 = tpu.memref_slice %arg7[%dma_start3A_517, %dma_start3A_518] : memref<33x128xi32, #tpu.memory_space<vmem>> -> memref<1x128xi32, #tpu.memory_space<vmem>>
    %dma_start3A_520 = tpu.memref_squeeze %dma_start3A_519 : memref<1x128xi32, #tpu.memory_space<vmem>> -> memref<128xi32, #tpu.memory_space<vmem>>
    %dma_start3A_521 = arith.constant 0 : i32
    %dma_start3A_522 = tpu.memref_slice %arg10[%dma_start3A_521] : memref<1050624xf32, #tpu.memory_space<vmem_shared>> -> memref<1050624xf32, #tpu.memory_space<vmem_shared>>
    tpu.enqueue_indirect_dma source(%arg8 : memref<128xf32, #tpu.memory_space<vmem>>) target(%dma_start3A_522 : memref<1050624xf32, #tpu.memory_space<vmem_shared>>) offsets(%dma_start3A_520 : memref<128xi32, #tpu.memory_space<vmem>>) semaphore(%arg11 : memref<!tpu.dma_semaphore, #tpu.memory_space<semaphore_mem>>) {add = true}
    %dma_start3A_523 = arith.constant 3 : i32
    %dma_start3A_524 = arith.constant 0 : i32
    %dma_start3A_525 = tpu.memref_slice %arg7[%dma_start3A_523, %dma_start3A_524] : memref<33x128xi32, #tpu.memory_space<vmem>> -> memref<1x128xi32, #tpu.memory_space<vmem>>
    %dma_start3A_526 = tpu.memref_squeeze %dma_start3A_525 : memref<1x128xi32, #tpu.memory_space<vmem>> -> memref<128xi32, #tpu.memory_space<vmem>>
    %dma_start3A_527 = arith.constant 0 : i32
    %dma_start3A_528 = tpu.memref_slice %arg10[%dma_start3A_527] : memref<1050624xf32, #tpu.memory_space<vmem_shared>> -> memref<1050624xf32, #tpu.memory_space<vmem_shared>>
    tpu.enqueue_indirect_dma source(%arg8 : memref<128xf32, #tpu.memory_space<vmem>>) target(%dma_start3A_528 : memref<1050624xf32, #tpu.memory_space<vmem_shared>>) offsets(%dma_start3A_526 : memref<128xi32, #tpu.memory_space<vmem>>) semaphore(%arg11 : memref<!tpu.dma_semaphore, #tpu.memory_space<semaphore_mem>>) {add = true}
    %dma_start3A_529 = arith.constant 4 : i32
    %dma_start3A_530 = arith.constant 0 : i32
    %dma_start3A_531 = tpu.memref_slice %arg7[%dma_start3A_529, %dma_start3A_530] : memref<33x128xi32, #tpu.memory_space<vmem>> -> memref<1x128xi32, #tpu.memory_space<vmem>>
    %dma_start3A_532 = tpu.memref_squeeze %dma_start3A_531 : memref<1x128xi32, #tpu.memory_space<vmem>> -> memref<128xi32, #tpu.memory_space<vmem>>
    %dma_start3A_533 = arith.constant 0 : i32
    %dma_start3A_534 = tpu.memref_slice %arg10[%dma_start3A_533] : memref<1050624xf32, #tpu.memory_space<vmem_shared>> -> memref<1050624xf32, #tpu.memory_space<vmem_shared>>
    tpu.enqueue_indirect_dma source(%arg8 : memref<128xf32, #tpu.memory_space<vmem>>) target(%dma_start3A_534 : memref<1050624xf32, #tpu.memory_space<vmem_shared>>) offsets(%dma_start3A_532 : memref<128xi32, #tpu.memory_space<vmem>>) semaphore(%arg11 : memref<!tpu.dma_semaphore, #tpu.memory_space<semaphore_mem>>) {add = true}
    %dma_start3A_535 = arith.constant 5 : i32
    %dma_start3A_536 = arith.constant 0 : i32
    %dma_start3A_537 = tpu.memref_slice %arg7[%dma_start3A_535, %dma_start3A_536] : memref<33x128xi32, #tpu.memory_space<vmem>> -> memref<1x128xi32, #tpu.memory_space<vmem>>
    %dma_start3A_538 = tpu.memref_squeeze %dma_start3A_537 : memref<1x128xi32, #tpu.memory_space<vmem>> -> memref<128xi32, #tpu.memory_space<vmem>>
    %dma_start3A_539 = arith.constant 0 : i32
    %dma_start3A_540 = tpu.memref_slice %arg10[%dma_start3A_539] : memref<1050624xf32, #tpu.memory_space<vmem_shared>> -> memref<1050624xf32, #tpu.memory_space<vmem_shared>>
    tpu.enqueue_indirect_dma source(%arg8 : memref<128xf32, #tpu.memory_space<vmem>>) target(%dma_start3A_540 : memref<1050624xf32, #tpu.memory_space<vmem_shared>>) offsets(%dma_start3A_538 : memref<128xi32, #tpu.memory_space<vmem>>) semaphore(%arg11 : memref<!tpu.dma_semaphore, #tpu.memory_space<semaphore_mem>>) {add = true}
    %dma_start3A_541 = arith.constant 6 : i32
    %dma_start3A_542 = arith.constant 0 : i32
    %dma_start3A_543 = tpu.memref_slice %arg7[%dma_start3A_541, %dma_start3A_542] : memref<33x128xi32, #tpu.memory_space<vmem>> -> memref<1x128xi32, #tpu.memory_space<vmem>>
    %dma_start3A_544 = tpu.memref_squeeze %dma_start3A_543 : memref<1x128xi32, #tpu.memory_space<vmem>> -> memref<128xi32, #tpu.memory_space<vmem>>
    %dma_start3A_545 = arith.constant 0 : i32
    %dma_start3A_546 = tpu.memref_slice %arg10[%dma_start3A_545] : memref<1050624xf32, #tpu.memory_space<vmem_shared>> -> memref<1050624xf32, #tpu.memory_space<vmem_shared>>
    tpu.enqueue_indirect_dma source(%arg8 : memref<128xf32, #tpu.memory_space<vmem>>) target(%dma_start3A_546 : memref<1050624xf32, #tpu.memory_space<vmem_shared>>) offsets(%dma_start3A_544 : memref<128xi32, #tpu.memory_space<vmem>>) semaphore(%arg11 : memref<!tpu.dma_semaphore, #tpu.memory_space<semaphore_mem>>) {add = true}
    %dma_start3A_547 = arith.constant 7 : i32
    %dma_start3A_548 = arith.constant 0 : i32
    %dma_start3A_549 = tpu.memref_slice %arg7[%dma_start3A_547, %dma_start3A_548] : memref<33x128xi32, #tpu.memory_space<vmem>> -> memref<1x128xi32, #tpu.memory_space<vmem>>
    %dma_start3A_550 = tpu.memref_squeeze %dma_start3A_549 : memref<1x128xi32, #tpu.memory_space<vmem>> -> memref<128xi32, #tpu.memory_space<vmem>>
    %dma_start3A_551 = arith.constant 0 : i32
    %dma_start3A_552 = tpu.memref_slice %arg10[%dma_start3A_551] : memref<1050624xf32, #tpu.memory_space<vmem_shared>> -> memref<1050624xf32, #tpu.memory_space<vmem_shared>>
    tpu.enqueue_indirect_dma source(%arg8 : memref<128xf32, #tpu.memory_space<vmem>>) target(%dma_start3A_552 : memref<1050624xf32, #tpu.memory_space<vmem_shared>>) offsets(%dma_start3A_550 : memref<128xi32, #tpu.memory_space<vmem>>) semaphore(%arg11 : memref<!tpu.dma_semaphore, #tpu.memory_space<semaphore_mem>>) {add = true}
    %dma_start3A_553 = arith.constant 8 : i32
    %dma_start3A_554 = arith.constant 0 : i32
    %dma_start3A_555 = tpu.memref_slice %arg7[%dma_start3A_553, %dma_start3A_554] : memref<33x128xi32, #tpu.memory_space<vmem>> -> memref<1x128xi32, #tpu.memory_space<vmem>>
    %dma_start3A_556 = tpu.memref_squeeze %dma_start3A_555 : memref<1x128xi32, #tpu.memory_space<vmem>> -> memref<128xi32, #tpu.memory_space<vmem>>
    %dma_start3A_557 = arith.constant 0 : i32
    %dma_start3A_558 = tpu.memref_slice %arg10[%dma_start3A_557] : memref<1050624xf32, #tpu.memory_space<vmem_shared>> -> memref<1050624xf32, #tpu.memory_space<vmem_shared>>
    tpu.enqueue_indirect_dma source(%arg8 : memref<128xf32, #tpu.memory_space<vmem>>) target(%dma_start3A_558 : memref<1050624xf32, #tpu.memory_space<vmem_shared>>) offsets(%dma_start3A_556 : memref<128xi32, #tpu.memory_space<vmem>>) semaphore(%arg11 : memref<!tpu.dma_semaphore, #tpu.memory_space<semaphore_mem>>) {add = true}
    %dma_start3A_559 = arith.constant 9 : i32
    %dma_start3A_560 = arith.constant 0 : i32
    %dma_start3A_561 = tpu.memref_slice %arg7[%dma_start3A_559, %dma_start3A_560] : memref<33x128xi32, #tpu.memory_space<vmem>> -> memref<1x128xi32, #tpu.memory_space<vmem>>
    %dma_start3A_562 = tpu.memref_squeeze %dma_start3A_561 : memref<1x128xi32, #tpu.memory_space<vmem>> -> memref<128xi32, #tpu.memory_space<vmem>>
    %dma_start3A_563 = arith.constant 0 : i32
    %dma_start3A_564 = tpu.memref_slice %arg10[%dma_start3A_563] : memref<1050624xf32, #tpu.memory_space<vmem_shared>> -> memref<1050624xf32, #tpu.memory_space<vmem_shared>>
    tpu.enqueue_indirect_dma source(%arg8 : memref<128xf32, #tpu.memory_space<vmem>>) target(%dma_start3A_564 : memref<1050624xf32, #tpu.memory_space<vmem_shared>>) offsets(%dma_start3A_562 : memref<128xi32, #tpu.memory_space<vmem>>) semaphore(%arg11 : memref<!tpu.dma_semaphore, #tpu.memory_space<semaphore_mem>>) {add = true}
    %dma_start3A_565 = arith.constant 10 : i32
    %dma_start3A_566 = arith.constant 0 : i32
    %dma_start3A_567 = tpu.memref_slice %arg7[%dma_start3A_565, %dma_start3A_566] : memref<33x128xi32, #tpu.memory_space<vmem>> -> memref<1x128xi32, #tpu.memory_space<vmem>>
    %dma_start3A_568 = tpu.memref_squeeze %dma_start3A_567 : memref<1x128xi32, #tpu.memory_space<vmem>> -> memref<128xi32, #tpu.memory_space<vmem>>
    %dma_start3A_569 = arith.constant 0 : i32
    %dma_start3A_570 = tpu.memref_slice %arg10[%dma_start3A_569] : memref<1050624xf32, #tpu.memory_space<vmem_shared>> -> memref<1050624xf32, #tpu.memory_space<vmem_shared>>
    tpu.enqueue_indirect_dma source(%arg8 : memref<128xf32, #tpu.memory_space<vmem>>) target(%dma_start3A_570 : memref<1050624xf32, #tpu.memory_space<vmem_shared>>) offsets(%dma_start3A_568 : memref<128xi32, #tpu.memory_space<vmem>>) semaphore(%arg11 : memref<!tpu.dma_semaphore, #tpu.memory_space<semaphore_mem>>) {add = true}
    %dma_start3A_571 = arith.constant 11 : i32
    %dma_start3A_572 = arith.constant 0 : i32
    %dma_start3A_573 = tpu.memref_slice %arg7[%dma_start3A_571, %dma_start3A_572] : memref<33x128xi32, #tpu.memory_space<vmem>> -> memref<1x128xi32, #tpu.memory_space<vmem>>
    %dma_start3A_574 = tpu.memref_squeeze %dma_start3A_573 : memref<1x128xi32, #tpu.memory_space<vmem>> -> memref<128xi32, #tpu.memory_space<vmem>>
    %dma_start3A_575 = arith.constant 0 : i32
    %dma_start3A_576 = tpu.memref_slice %arg10[%dma_start3A_575] : memref<1050624xf32, #tpu.memory_space<vmem_shared>> -> memref<1050624xf32, #tpu.memory_space<vmem_shared>>
    tpu.enqueue_indirect_dma source(%arg8 : memref<128xf32, #tpu.memory_space<vmem>>) target(%dma_start3A_576 : memref<1050624xf32, #tpu.memory_space<vmem_shared>>) offsets(%dma_start3A_574 : memref<128xi32, #tpu.memory_space<vmem>>) semaphore(%arg11 : memref<!tpu.dma_semaphore, #tpu.memory_space<semaphore_mem>>) {add = true}
    %dma_start3A_577 = arith.constant 12 : i32
    %dma_start3A_578 = arith.constant 0 : i32
    %dma_start3A_579 = tpu.memref_slice %arg7[%dma_start3A_577, %dma_start3A_578] : memref<33x128xi32, #tpu.memory_space<vmem>> -> memref<1x128xi32, #tpu.memory_space<vmem>>
    %dma_start3A_580 = tpu.memref_squeeze %dma_start3A_579 : memref<1x128xi32, #tpu.memory_space<vmem>> -> memref<128xi32, #tpu.memory_space<vmem>>
    %dma_start3A_581 = arith.constant 0 : i32
    %dma_start3A_582 = tpu.memref_slice %arg10[%dma_start3A_581] : memref<1050624xf32, #tpu.memory_space<vmem_shared>> -> memref<1050624xf32, #tpu.memory_space<vmem_shared>>
    tpu.enqueue_indirect_dma source(%arg8 : memref<128xf32, #tpu.memory_space<vmem>>) target(%dma_start3A_582 : memref<1050624xf32, #tpu.memory_space<vmem_shared>>) offsets(%dma_start3A_580 : memref<128xi32, #tpu.memory_space<vmem>>) semaphore(%arg11 : memref<!tpu.dma_semaphore, #tpu.memory_space<semaphore_mem>>) {add = true}
    %dma_start3A_583 = arith.constant 13 : i32
    %dma_start3A_584 = arith.constant 0 : i32
    %dma_start3A_585 = tpu.memref_slice %arg7[%dma_start3A_583, %dma_start3A_584] : memref<33x128xi32, #tpu.memory_space<vmem>> -> memref<1x128xi32, #tpu.memory_space<vmem>>
    %dma_start3A_586 = tpu.memref_squeeze %dma_start3A_585 : memref<1x128xi32, #tpu.memory_space<vmem>> -> memref<128xi32, #tpu.memory_space<vmem>>
    %dma_start3A_587 = arith.constant 0 : i32
    %dma_start3A_588 = tpu.memref_slice %arg10[%dma_start3A_587] : memref<1050624xf32, #tpu.memory_space<vmem_shared>> -> memref<1050624xf32, #tpu.memory_space<vmem_shared>>
    tpu.enqueue_indirect_dma source(%arg8 : memref<128xf32, #tpu.memory_space<vmem>>) target(%dma_start3A_588 : memref<1050624xf32, #tpu.memory_space<vmem_shared>>) offsets(%dma_start3A_586 : memref<128xi32, #tpu.memory_space<vmem>>) semaphore(%arg11 : memref<!tpu.dma_semaphore, #tpu.memory_space<semaphore_mem>>) {add = true}
    %dma_start3A_589 = arith.constant 14 : i32
    %dma_start3A_590 = arith.constant 0 : i32
    %dma_start3A_591 = tpu.memref_slice %arg7[%dma_start3A_589, %dma_start3A_590] : memref<33x128xi32, #tpu.memory_space<vmem>> -> memref<1x128xi32, #tpu.memory_space<vmem>>
    %dma_start3A_592 = tpu.memref_squeeze %dma_start3A_591 : memref<1x128xi32, #tpu.memory_space<vmem>> -> memref<128xi32, #tpu.memory_space<vmem>>
    %dma_start3A_593 = arith.constant 0 : i32
    %dma_start3A_594 = tpu.memref_slice %arg10[%dma_start3A_593] : memref<1050624xf32, #tpu.memory_space<vmem_shared>> -> memref<1050624xf32, #tpu.memory_space<vmem_shared>>
    tpu.enqueue_indirect_dma source(%arg8 : memref<128xf32, #tpu.memory_space<vmem>>) target(%dma_start3A_594 : memref<1050624xf32, #tpu.memory_space<vmem_shared>>) offsets(%dma_start3A_592 : memref<128xi32, #tpu.memory_space<vmem>>) semaphore(%arg11 : memref<!tpu.dma_semaphore, #tpu.memory_space<semaphore_mem>>) {add = true}
    %dma_start3A_595 = arith.constant 15 : i32
    %dma_start3A_596 = arith.constant 0 : i32
    %dma_start3A_597 = tpu.memref_slice %arg7[%dma_start3A_595, %dma_start3A_596] : memref<33x128xi32, #tpu.memory_space<vmem>> -> memref<1x128xi32, #tpu.memory_space<vmem>>
    %dma_start3A_598 = tpu.memref_squeeze %dma_start3A_597 : memref<1x128xi32, #tpu.memory_space<vmem>> -> memref<128xi32, #tpu.memory_space<vmem>>
    %dma_start3A_599 = arith.constant 0 : i32
    %dma_start3A_600 = tpu.memref_slice %arg10[%dma_start3A_599] : memref<1050624xf32, #tpu.memory_space<vmem_shared>> -> memref<1050624xf32, #tpu.memory_space<vmem_shared>>
    tpu.enqueue_indirect_dma source(%arg8 : memref<128xf32, #tpu.memory_space<vmem>>) target(%dma_start3A_600 : memref<1050624xf32, #tpu.memory_space<vmem_shared>>) offsets(%dma_start3A_598 : memref<128xi32, #tpu.memory_space<vmem>>) semaphore(%arg11 : memref<!tpu.dma_semaphore, #tpu.memory_space<semaphore_mem>>) {add = true}
    %dma_start3A_601 = arith.constant 16 : i32
    %dma_start3A_602 = arith.constant 0 : i32
    %dma_start3A_603 = tpu.memref_slice %arg7[%dma_start3A_601, %dma_start3A_602] : memref<33x128xi32, #tpu.memory_space<vmem>> -> memref<1x128xi32, #tpu.memory_space<vmem>>
    %dma_start3A_604 = tpu.memref_squeeze %dma_start3A_603 : memref<1x128xi32, #tpu.memory_space<vmem>> -> memref<128xi32, #tpu.memory_space<vmem>>
    %dma_start3A_605 = arith.constant 0 : i32
    %dma_start3A_606 = tpu.memref_slice %arg10[%dma_start3A_605] : memref<1050624xf32, #tpu.memory_space<vmem_shared>> -> memref<1050624xf32, #tpu.memory_space<vmem_shared>>
    tpu.enqueue_indirect_dma source(%arg8 : memref<128xf32, #tpu.memory_space<vmem>>) target(%dma_start3A_606 : memref<1050624xf32, #tpu.memory_space<vmem_shared>>) offsets(%dma_start3A_604 : memref<128xi32, #tpu.memory_space<vmem>>) semaphore(%arg11 : memref<!tpu.dma_semaphore, #tpu.memory_space<semaphore_mem>>) {add = true}
    %dma_start3A_607 = arith.constant 17 : i32
    %dma_start3A_608 = arith.constant 0 : i32
    %dma_start3A_609 = tpu.memref_slice %arg7[%dma_start3A_607, %dma_start3A_608] : memref<33x128xi32, #tpu.memory_space<vmem>> -> memref<1x128xi32, #tpu.memory_space<vmem>>
    %dma_start3A_610 = tpu.memref_squeeze %dma_start3A_609 : memref<1x128xi32, #tpu.memory_space<vmem>> -> memref<128xi32, #tpu.memory_space<vmem>>
    %dma_start3A_611 = arith.constant 0 : i32
    %dma_start3A_612 = tpu.memref_slice %arg10[%dma_start3A_611] : memref<1050624xf32, #tpu.memory_space<vmem_shared>> -> memref<1050624xf32, #tpu.memory_space<vmem_shared>>
    tpu.enqueue_indirect_dma source(%arg8 : memref<128xf32, #tpu.memory_space<vmem>>) target(%dma_start3A_612 : memref<1050624xf32, #tpu.memory_space<vmem_shared>>) offsets(%dma_start3A_610 : memref<128xi32, #tpu.memory_space<vmem>>) semaphore(%arg11 : memref<!tpu.dma_semaphore, #tpu.memory_space<semaphore_mem>>) {add = true}
    %dma_start3A_613 = arith.constant 18 : i32
    %dma_start3A_614 = arith.constant 0 : i32
    %dma_start3A_615 = tpu.memref_slice %arg7[%dma_start3A_613, %dma_start3A_614] : memref<33x128xi32, #tpu.memory_space<vmem>> -> memref<1x128xi32, #tpu.memory_space<vmem>>
    %dma_start3A_616 = tpu.memref_squeeze %dma_start3A_615 : memref<1x128xi32, #tpu.memory_space<vmem>> -> memref<128xi32, #tpu.memory_space<vmem>>
    %dma_start3A_617 = arith.constant 0 : i32
    %dma_start3A_618 = tpu.memref_slice %arg10[%dma_start3A_617] : memref<1050624xf32, #tpu.memory_space<vmem_shared>> -> memref<1050624xf32, #tpu.memory_space<vmem_shared>>
    tpu.enqueue_indirect_dma source(%arg8 : memref<128xf32, #tpu.memory_space<vmem>>) target(%dma_start3A_618 : memref<1050624xf32, #tpu.memory_space<vmem_shared>>) offsets(%dma_start3A_616 : memref<128xi32, #tpu.memory_space<vmem>>) semaphore(%arg11 : memref<!tpu.dma_semaphore, #tpu.memory_space<semaphore_mem>>) {add = true}
    %dma_start3A_619 = arith.constant 19 : i32
    %dma_start3A_620 = arith.constant 0 : i32
    %dma_start3A_621 = tpu.memref_slice %arg7[%dma_start3A_619, %dma_start3A_620] : memref<33x128xi32, #tpu.memory_space<vmem>> -> memref<1x128xi32, #tpu.memory_space<vmem>>
    %dma_start3A_622 = tpu.memref_squeeze %dma_start3A_621 : memref<1x128xi32, #tpu.memory_space<vmem>> -> memref<128xi32, #tpu.memory_space<vmem>>
    %dma_start3A_623 = arith.constant 0 : i32
    %dma_start3A_624 = tpu.memref_slice %arg10[%dma_start3A_623] : memref<1050624xf32, #tpu.memory_space<vmem_shared>> -> memref<1050624xf32, #tpu.memory_space<vmem_shared>>
    tpu.enqueue_indirect_dma source(%arg8 : memref<128xf32, #tpu.memory_space<vmem>>) target(%dma_start3A_624 : memref<1050624xf32, #tpu.memory_space<vmem_shared>>) offsets(%dma_start3A_622 : memref<128xi32, #tpu.memory_space<vmem>>) semaphore(%arg11 : memref<!tpu.dma_semaphore, #tpu.memory_space<semaphore_mem>>) {add = true}
    %dma_start3A_625 = arith.constant 20 : i32
    %dma_start3A_626 = arith.constant 0 : i32
    %dma_start3A_627 = tpu.memref_slice %arg7[%dma_start3A_625, %dma_start3A_626] : memref<33x128xi32, #tpu.memory_space<vmem>> -> memref<1x128xi32, #tpu.memory_space<vmem>>
    %dma_start3A_628 = tpu.memref_squeeze %dma_start3A_627 : memref<1x128xi32, #tpu.memory_space<vmem>> -> memref<128xi32, #tpu.memory_space<vmem>>
    %dma_start3A_629 = arith.constant 0 : i32
    %dma_start3A_630 = tpu.memref_slice %arg10[%dma_start3A_629] : memref<1050624xf32, #tpu.memory_space<vmem_shared>> -> memref<1050624xf32, #tpu.memory_space<vmem_shared>>
    tpu.enqueue_indirect_dma source(%arg8 : memref<128xf32, #tpu.memory_space<vmem>>) target(%dma_start3A_630 : memref<1050624xf32, #tpu.memory_space<vmem_shared>>) offsets(%dma_start3A_628 : memref<128xi32, #tpu.memory_space<vmem>>) semaphore(%arg11 : memref<!tpu.dma_semaphore, #tpu.memory_space<semaphore_mem>>) {add = true}
    %dma_start3A_631 = arith.constant 21 : i32
    %dma_start3A_632 = arith.constant 0 : i32
    %dma_start3A_633 = tpu.memref_slice %arg7[%dma_start3A_631, %dma_start3A_632] : memref<33x128xi32, #tpu.memory_space<vmem>> -> memref<1x128xi32, #tpu.memory_space<vmem>>
    %dma_start3A_634 = tpu.memref_squeeze %dma_start3A_633 : memref<1x128xi32, #tpu.memory_space<vmem>> -> memref<128xi32, #tpu.memory_space<vmem>>
    %dma_start3A_635 = arith.constant 0 : i32
    %dma_start3A_636 = tpu.memref_slice %arg10[%dma_start3A_635] : memref<1050624xf32, #tpu.memory_space<vmem_shared>> -> memref<1050624xf32, #tpu.memory_space<vmem_shared>>
    tpu.enqueue_indirect_dma source(%arg8 : memref<128xf32, #tpu.memory_space<vmem>>) target(%dma_start3A_636 : memref<1050624xf32, #tpu.memory_space<vmem_shared>>) offsets(%dma_start3A_634 : memref<128xi32, #tpu.memory_space<vmem>>) semaphore(%arg11 : memref<!tpu.dma_semaphore, #tpu.memory_space<semaphore_mem>>) {add = true}
    %dma_start3A_637 = arith.constant 22 : i32
    %dma_start3A_638 = arith.constant 0 : i32
    %dma_start3A_639 = tpu.memref_slice %arg7[%dma_start3A_637, %dma_start3A_638] : memref<33x128xi32, #tpu.memory_space<vmem>> -> memref<1x128xi32, #tpu.memory_space<vmem>>
    %dma_start3A_640 = tpu.memref_squeeze %dma_start3A_639 : memref<1x128xi32, #tpu.memory_space<vmem>> -> memref<128xi32, #tpu.memory_space<vmem>>
    %dma_start3A_641 = arith.constant 0 : i32
    %dma_start3A_642 = tpu.memref_slice %arg10[%dma_start3A_641] : memref<1050624xf32, #tpu.memory_space<vmem_shared>> -> memref<1050624xf32, #tpu.memory_space<vmem_shared>>
    tpu.enqueue_indirect_dma source(%arg8 : memref<128xf32, #tpu.memory_space<vmem>>) target(%dma_start3A_642 : memref<1050624xf32, #tpu.memory_space<vmem_shared>>) offsets(%dma_start3A_640 : memref<128xi32, #tpu.memory_space<vmem>>) semaphore(%arg11 : memref<!tpu.dma_semaphore, #tpu.memory_space<semaphore_mem>>) {add = true}
    %dma_start3A_643 = arith.constant 23 : i32
    %dma_start3A_644 = arith.constant 0 : i32
    %dma_start3A_645 = tpu.memref_slice %arg7[%dma_start3A_643, %dma_start3A_644] : memref<33x128xi32, #tpu.memory_space<vmem>> -> memref<1x128xi32, #tpu.memory_space<vmem>>
    %dma_start3A_646 = tpu.memref_squeeze %dma_start3A_645 : memref<1x128xi32, #tpu.memory_space<vmem>> -> memref<128xi32, #tpu.memory_space<vmem>>
    %dma_start3A_647 = arith.constant 0 : i32
    %dma_start3A_648 = tpu.memref_slice %arg10[%dma_start3A_647] : memref<1050624xf32, #tpu.memory_space<vmem_shared>> -> memref<1050624xf32, #tpu.memory_space<vmem_shared>>
    tpu.enqueue_indirect_dma source(%arg8 : memref<128xf32, #tpu.memory_space<vmem>>) target(%dma_start3A_648 : memref<1050624xf32, #tpu.memory_space<vmem_shared>>) offsets(%dma_start3A_646 : memref<128xi32, #tpu.memory_space<vmem>>) semaphore(%arg11 : memref<!tpu.dma_semaphore, #tpu.memory_space<semaphore_mem>>) {add = true}
    %dma_start3A_649 = arith.constant 24 : i32
    %dma_start3A_650 = arith.constant 0 : i32
    %dma_start3A_651 = tpu.memref_slice %arg7[%dma_start3A_649, %dma_start3A_650] : memref<33x128xi32, #tpu.memory_space<vmem>> -> memref<1x128xi32, #tpu.memory_space<vmem>>
    %dma_start3A_652 = tpu.memref_squeeze %dma_start3A_651 : memref<1x128xi32, #tpu.memory_space<vmem>> -> memref<128xi32, #tpu.memory_space<vmem>>
    %dma_start3A_653 = arith.constant 0 : i32
    %dma_start3A_654 = tpu.memref_slice %arg10[%dma_start3A_653] : memref<1050624xf32, #tpu.memory_space<vmem_shared>> -> memref<1050624xf32, #tpu.memory_space<vmem_shared>>
    tpu.enqueue_indirect_dma source(%arg8 : memref<128xf32, #tpu.memory_space<vmem>>) target(%dma_start3A_654 : memref<1050624xf32, #tpu.memory_space<vmem_shared>>) offsets(%dma_start3A_652 : memref<128xi32, #tpu.memory_space<vmem>>) semaphore(%arg11 : memref<!tpu.dma_semaphore, #tpu.memory_space<semaphore_mem>>) {add = true}
    %dma_start3A_655 = arith.constant 25 : i32
    %dma_start3A_656 = arith.constant 0 : i32
    %dma_start3A_657 = tpu.memref_slice %arg7[%dma_start3A_655, %dma_start3A_656] : memref<33x128xi32, #tpu.memory_space<vmem>> -> memref<1x128xi32, #tpu.memory_space<vmem>>
    %dma_start3A_658 = tpu.memref_squeeze %dma_start3A_657 : memref<1x128xi32, #tpu.memory_space<vmem>> -> memref<128xi32, #tpu.memory_space<vmem>>
    %dma_start3A_659 = arith.constant 0 : i32
    %dma_start3A_660 = tpu.memref_slice %arg10[%dma_start3A_659] : memref<1050624xf32, #tpu.memory_space<vmem_shared>> -> memref<1050624xf32, #tpu.memory_space<vmem_shared>>
    tpu.enqueue_indirect_dma source(%arg8 : memref<128xf32, #tpu.memory_space<vmem>>) target(%dma_start3A_660 : memref<1050624xf32, #tpu.memory_space<vmem_shared>>) offsets(%dma_start3A_658 : memref<128xi32, #tpu.memory_space<vmem>>) semaphore(%arg11 : memref<!tpu.dma_semaphore, #tpu.memory_space<semaphore_mem>>) {add = true}
    %dma_start3A_661 = arith.constant 26 : i32
    %dma_start3A_662 = arith.constant 0 : i32
    %dma_start3A_663 = tpu.memref_slice %arg7[%dma_start3A_661, %dma_start3A_662] : memref<33x128xi32, #tpu.memory_space<vmem>> -> memref<1x128xi32, #tpu.memory_space<vmem>>
    %dma_start3A_664 = tpu.memref_squeeze %dma_start3A_663 : memref<1x128xi32, #tpu.memory_space<vmem>> -> memref<128xi32, #tpu.memory_space<vmem>>
    %dma_start3A_665 = arith.constant 0 : i32
    %dma_start3A_666 = tpu.memref_slice %arg10[%dma_start3A_665] : memref<1050624xf32, #tpu.memory_space<vmem_shared>> -> memref<1050624xf32, #tpu.memory_space<vmem_shared>>
    tpu.enqueue_indirect_dma source(%arg8 : memref<128xf32, #tpu.memory_space<vmem>>) target(%dma_start3A_666 : memref<1050624xf32, #tpu.memory_space<vmem_shared>>) offsets(%dma_start3A_664 : memref<128xi32, #tpu.memory_space<vmem>>) semaphore(%arg11 : memref<!tpu.dma_semaphore, #tpu.memory_space<semaphore_mem>>) {add = true}
    %dma_start3A_667 = arith.constant 27 : i32
    %dma_start3A_668 = arith.constant 0 : i32
    %dma_start3A_669 = tpu.memref_slice %arg7[%dma_start3A_667, %dma_start3A_668] : memref<33x128xi32, #tpu.memory_space<vmem>> -> memref<1x128xi32, #tpu.memory_space<vmem>>
    %dma_start3A_670 = tpu.memref_squeeze %dma_start3A_669 : memref<1x128xi32, #tpu.memory_space<vmem>> -> memref<128xi32, #tpu.memory_space<vmem>>
    %dma_start3A_671 = arith.constant 0 : i32
    %dma_start3A_672 = tpu.memref_slice %arg10[%dma_start3A_671] : memref<1050624xf32, #tpu.memory_space<vmem_shared>> -> memref<1050624xf32, #tpu.memory_space<vmem_shared>>
    tpu.enqueue_indirect_dma source(%arg8 : memref<128xf32, #tpu.memory_space<vmem>>) target(%dma_start3A_672 : memref<1050624xf32, #tpu.memory_space<vmem_shared>>) offsets(%dma_start3A_670 : memref<128xi32, #tpu.memory_space<vmem>>) semaphore(%arg11 : memref<!tpu.dma_semaphore, #tpu.memory_space<semaphore_mem>>) {add = true}
    %dma_start3A_673 = arith.constant 28 : i32
    %dma_start3A_674 = arith.constant 0 : i32
    %dma_start3A_675 = tpu.memref_slice %arg7[%dma_start3A_673, %dma_start3A_674] : memref<33x128xi32, #tpu.memory_space<vmem>> -> memref<1x128xi32, #tpu.memory_space<vmem>>
    %dma_start3A_676 = tpu.memref_squeeze %dma_start3A_675 : memref<1x128xi32, #tpu.memory_space<vmem>> -> memref<128xi32, #tpu.memory_space<vmem>>
    %dma_start3A_677 = arith.constant 0 : i32
    %dma_start3A_678 = tpu.memref_slice %arg10[%dma_start3A_677] : memref<1050624xf32, #tpu.memory_space<vmem_shared>> -> memref<1050624xf32, #tpu.memory_space<vmem_shared>>
    tpu.enqueue_indirect_dma source(%arg8 : memref<128xf32, #tpu.memory_space<vmem>>) target(%dma_start3A_678 : memref<1050624xf32, #tpu.memory_space<vmem_shared>>) offsets(%dma_start3A_676 : memref<128xi32, #tpu.memory_space<vmem>>) semaphore(%arg11 : memref<!tpu.dma_semaphore, #tpu.memory_space<semaphore_mem>>) {add = true}
    %dma_start3A_679 = arith.constant 29 : i32
    %dma_start3A_680 = arith.constant 0 : i32
    %dma_start3A_681 = tpu.memref_slice %arg7[%dma_start3A_679, %dma_start3A_680] : memref<33x128xi32, #tpu.memory_space<vmem>> -> memref<1x128xi32, #tpu.memory_space<vmem>>
    %dma_start3A_682 = tpu.memref_squeeze %dma_start3A_681 : memref<1x128xi32, #tpu.memory_space<vmem>> -> memref<128xi32, #tpu.memory_space<vmem>>
    %dma_start3A_683 = arith.constant 0 : i32
    %dma_start3A_684 = tpu.memref_slice %arg10[%dma_start3A_683] : memref<1050624xf32, #tpu.memory_space<vmem_shared>> -> memref<1050624xf32, #tpu.memory_space<vmem_shared>>
    tpu.enqueue_indirect_dma source(%arg8 : memref<128xf32, #tpu.memory_space<vmem>>) target(%dma_start3A_684 : memref<1050624xf32, #tpu.memory_space<vmem_shared>>) offsets(%dma_start3A_682 : memref<128xi32, #tpu.memory_space<vmem>>) semaphore(%arg11 : memref<!tpu.dma_semaphore, #tpu.memory_space<semaphore_mem>>) {add = true}
    %dma_start3A_685 = arith.constant 30 : i32
    %dma_start3A_686 = arith.constant 0 : i32
    %dma_start3A_687 = tpu.memref_slice %arg7[%dma_start3A_685, %dma_start3A_686] : memref<33x128xi32, #tpu.memory_space<vmem>> -> memref<1x128xi32, #tpu.memory_space<vmem>>
    %dma_start3A_688 = tpu.memref_squeeze %dma_start3A_687 : memref<1x128xi32, #tpu.memory_space<vmem>> -> memref<128xi32, #tpu.memory_space<vmem>>
    %dma_start3A_689 = arith.constant 0 : i32
    %dma_start3A_690 = tpu.memref_slice %arg10[%dma_start3A_689] : memref<1050624xf32, #tpu.memory_space<vmem_shared>> -> memref<1050624xf32, #tpu.memory_space<vmem_shared>>
    tpu.enqueue_indirect_dma source(%arg8 : memref<128xf32, #tpu.memory_space<vmem>>) target(%dma_start3A_690 : memref<1050624xf32, #tpu.memory_space<vmem_shared>>) offsets(%dma_start3A_688 : memref<128xi32, #tpu.memory_space<vmem>>) semaphore(%arg11 : memref<!tpu.dma_semaphore, #tpu.memory_space<semaphore_mem>>) {add = true}
    %dma_start3A_691 = arith.constant 31 : i32
    %dma_start3A_692 = arith.constant 0 : i32
    %dma_start3A_693 = tpu.memref_slice %arg7[%dma_start3A_691, %dma_start3A_692] : memref<33x128xi32, #tpu.memory_space<vmem>> -> memref<1x128xi32, #tpu.memory_space<vmem>>
    %dma_start3A_694 = tpu.memref_squeeze %dma_start3A_693 : memref<1x128xi32, #tpu.memory_space<vmem>> -> memref<128xi32, #tpu.memory_space<vmem>>
    %dma_start3A_695 = arith.constant 0 : i32
    %dma_start3A_696 = tpu.memref_slice %arg10[%dma_start3A_695] : memref<1050624xf32, #tpu.memory_space<vmem_shared>> -> memref<1050624xf32, #tpu.memory_space<vmem_shared>>
    tpu.enqueue_indirect_dma source(%arg8 : memref<128xf32, #tpu.memory_space<vmem>>) target(%dma_start3A_696 : memref<1050624xf32, #tpu.memory_space<vmem_shared>>) offsets(%dma_start3A_694 : memref<128xi32, #tpu.memory_space<vmem>>) semaphore(%arg11 : memref<!tpu.dma_semaphore, #tpu.memory_space<semaphore_mem>>) {add = true}
    %dma_start3A_697 = arith.constant 32 : i32
    %dma_start3A_698 = arith.constant 0 : i32
    %dma_start3A_699 = tpu.memref_slice %arg7[%dma_start3A_697, %dma_start3A_698] : memref<33x128xi32, #tpu.memory_space<vmem>> -> memref<1x128xi32, #tpu.memory_space<vmem>>
    %dma_start3A_700 = tpu.memref_squeeze %dma_start3A_699 : memref<1x128xi32, #tpu.memory_space<vmem>> -> memref<128xi32, #tpu.memory_space<vmem>>
    %dma_start3A_701 = arith.constant 0 : i32
    %dma_start3A_702 = tpu.memref_slice %arg10[%dma_start3A_701] : memref<1050624xf32, #tpu.memory_space<vmem_shared>> -> memref<1050624xf32, #tpu.memory_space<vmem_shared>>
    tpu.enqueue_indirect_dma source(%arg8 : memref<128xf32, #tpu.memory_space<vmem>>) target(%dma_start3A_702 : memref<1050624xf32, #tpu.memory_space<vmem_shared>>) offsets(%dma_start3A_700 : memref<128xi32, #tpu.memory_space<vmem>>) semaphore(%arg11 : memref<!tpu.dma_semaphore, #tpu.memory_space<semaphore_mem>>) {add = true}
    %dma_wait3A_703 = arith.constant 0 : i32
    %dma_wait3A_704 = arith.constant 0 : i32
    %dma_wait3A_705 = tpu.memref_slice %arg7[%dma_wait3A_703, %dma_wait3A_704] : memref<33x128xi32, #tpu.memory_space<vmem>> -> memref<1x128xi32, #tpu.memory_space<vmem>>
    %dma_wait3A_706 = tpu.memref_squeeze %dma_wait3A_705 : memref<1x128xi32, #tpu.memory_space<vmem>> -> memref<128xi32, #tpu.memory_space<vmem>>
    %dma_wait3A_707 = arith.constant 0 : i32
    %dma_wait3A_708 = tpu.memref_slice %arg10[%dma_wait3A_707] : memref<1050624xf32, #tpu.memory_space<vmem_shared>> -> memref<1050624xf32, #tpu.memory_space<vmem_shared>>
    tpu.wait_indirect_dma semaphore(%arg11 : memref<!tpu.dma_semaphore, #tpu.memory_space<semaphore_mem>>) src(%arg8 : memref<128xf32, #tpu.memory_space<vmem>>) dst(%dma_wait3A_708 : memref<1050624xf32, #tpu.memory_space<vmem_shared>>)
    %dma_wait3A_709 = arith.constant 1 : i32
    %dma_wait3A_710 = arith.constant 0 : i32
    %dma_wait3A_711 = tpu.memref_slice %arg7[%dma_wait3A_709, %dma_wait3A_710] : memref<33x128xi32, #tpu.memory_space<vmem>> -> memref<1x128xi32, #tpu.memory_space<vmem>>
    %dma_wait3A_712 = tpu.memref_squeeze %dma_wait3A_711 : memref<1x128xi32, #tpu.memory_space<vmem>> -> memref<128xi32, #tpu.memory_space<vmem>>
    %dma_wait3A_713 = arith.constant 0 : i32
    %dma_wait3A_714 = tpu.memref_slice %arg10[%dma_wait3A_713] : memref<1050624xf32, #tpu.memory_space<vmem_shared>> -> memref<1050624xf32, #tpu.memory_space<vmem_shared>>
    tpu.wait_indirect_dma semaphore(%arg11 : memref<!tpu.dma_semaphore, #tpu.memory_space<semaphore_mem>>) src(%arg8 : memref<128xf32, #tpu.memory_space<vmem>>) dst(%dma_wait3A_714 : memref<1050624xf32, #tpu.memory_space<vmem_shared>>)
    %dma_wait3A_715 = arith.constant 2 : i32
    %dma_wait3A_716 = arith.constant 0 : i32
    %dma_wait3A_717 = tpu.memref_slice %arg7[%dma_wait3A_715, %dma_wait3A_716] : memref<33x128xi32, #tpu.memory_space<vmem>> -> memref<1x128xi32, #tpu.memory_space<vmem>>
    %dma_wait3A_718 = tpu.memref_squeeze %dma_wait3A_717 : memref<1x128xi32, #tpu.memory_space<vmem>> -> memref<128xi32, #tpu.memory_space<vmem>>
    %dma_wait3A_719 = arith.constant 0 : i32
    %dma_wait3A_720 = tpu.memref_slice %arg10[%dma_wait3A_719] : memref<1050624xf32, #tpu.memory_space<vmem_shared>> -> memref<1050624xf32, #tpu.memory_space<vmem_shared>>
    tpu.wait_indirect_dma semaphore(%arg11 : memref<!tpu.dma_semaphore, #tpu.memory_space<semaphore_mem>>) src(%arg8 : memref<128xf32, #tpu.memory_space<vmem>>) dst(%dma_wait3A_720 : memref<1050624xf32, #tpu.memory_space<vmem_shared>>)
    %dma_wait3A_721 = arith.constant 3 : i32
    %dma_wait3A_722 = arith.constant 0 : i32
    %dma_wait3A_723 = tpu.memref_slice %arg7[%dma_wait3A_721, %dma_wait3A_722] : memref<33x128xi32, #tpu.memory_space<vmem>> -> memref<1x128xi32, #tpu.memory_space<vmem>>
    %dma_wait3A_724 = tpu.memref_squeeze %dma_wait3A_723 : memref<1x128xi32, #tpu.memory_space<vmem>> -> memref<128xi32, #tpu.memory_space<vmem>>
    %dma_wait3A_725 = arith.constant 0 : i32
    %dma_wait3A_726 = tpu.memref_slice %arg10[%dma_wait3A_725] : memref<1050624xf32, #tpu.memory_space<vmem_shared>> -> memref<1050624xf32, #tpu.memory_space<vmem_shared>>
    tpu.wait_indirect_dma semaphore(%arg11 : memref<!tpu.dma_semaphore, #tpu.memory_space<semaphore_mem>>) src(%arg8 : memref<128xf32, #tpu.memory_space<vmem>>) dst(%dma_wait3A_726 : memref<1050624xf32, #tpu.memory_space<vmem_shared>>)
    %dma_wait3A_727 = arith.constant 4 : i32
    %dma_wait3A_728 = arith.constant 0 : i32
    %dma_wait3A_729 = tpu.memref_slice %arg7[%dma_wait3A_727, %dma_wait3A_728] : memref<33x128xi32, #tpu.memory_space<vmem>> -> memref<1x128xi32, #tpu.memory_space<vmem>>
    %dma_wait3A_730 = tpu.memref_squeeze %dma_wait3A_729 : memref<1x128xi32, #tpu.memory_space<vmem>> -> memref<128xi32, #tpu.memory_space<vmem>>
    %dma_wait3A_731 = arith.constant 0 : i32
    %dma_wait3A_732 = tpu.memref_slice %arg10[%dma_wait3A_731] : memref<1050624xf32, #tpu.memory_space<vmem_shared>> -> memref<1050624xf32, #tpu.memory_space<vmem_shared>>
    tpu.wait_indirect_dma semaphore(%arg11 : memref<!tpu.dma_semaphore, #tpu.memory_space<semaphore_mem>>) src(%arg8 : memref<128xf32, #tpu.memory_space<vmem>>) dst(%dma_wait3A_732 : memref<1050624xf32, #tpu.memory_space<vmem_shared>>)
    %dma_wait3A_733 = arith.constant 5 : i32
    %dma_wait3A_734 = arith.constant 0 : i32
    %dma_wait3A_735 = tpu.memref_slice %arg7[%dma_wait3A_733, %dma_wait3A_734] : memref<33x128xi32, #tpu.memory_space<vmem>> -> memref<1x128xi32, #tpu.memory_space<vmem>>
    %dma_wait3A_736 = tpu.memref_squeeze %dma_wait3A_735 : memref<1x128xi32, #tpu.memory_space<vmem>> -> memref<128xi32, #tpu.memory_space<vmem>>
    %dma_wait3A_737 = arith.constant 0 : i32
    %dma_wait3A_738 = tpu.memref_slice %arg10[%dma_wait3A_737] : memref<1050624xf32, #tpu.memory_space<vmem_shared>> -> memref<1050624xf32, #tpu.memory_space<vmem_shared>>
    tpu.wait_indirect_dma semaphore(%arg11 : memref<!tpu.dma_semaphore, #tpu.memory_space<semaphore_mem>>) src(%arg8 : memref<128xf32, #tpu.memory_space<vmem>>) dst(%dma_wait3A_738 : memref<1050624xf32, #tpu.memory_space<vmem_shared>>)
    %dma_wait3A_739 = arith.constant 6 : i32
    %dma_wait3A_740 = arith.constant 0 : i32
    %dma_wait3A_741 = tpu.memref_slice %arg7[%dma_wait3A_739, %dma_wait3A_740] : memref<33x128xi32, #tpu.memory_space<vmem>> -> memref<1x128xi32, #tpu.memory_space<vmem>>
    %dma_wait3A_742 = tpu.memref_squeeze %dma_wait3A_741 : memref<1x128xi32, #tpu.memory_space<vmem>> -> memref<128xi32, #tpu.memory_space<vmem>>
    %dma_wait3A_743 = arith.constant 0 : i32
    %dma_wait3A_744 = tpu.memref_slice %arg10[%dma_wait3A_743] : memref<1050624xf32, #tpu.memory_space<vmem_shared>> -> memref<1050624xf32, #tpu.memory_space<vmem_shared>>
    tpu.wait_indirect_dma semaphore(%arg11 : memref<!tpu.dma_semaphore, #tpu.memory_space<semaphore_mem>>) src(%arg8 : memref<128xf32, #tpu.memory_space<vmem>>) dst(%dma_wait3A_744 : memref<1050624xf32, #tpu.memory_space<vmem_shared>>)
    %dma_wait3A_745 = arith.constant 7 : i32
    %dma_wait3A_746 = arith.constant 0 : i32
    %dma_wait3A_747 = tpu.memref_slice %arg7[%dma_wait3A_745, %dma_wait3A_746] : memref<33x128xi32, #tpu.memory_space<vmem>> -> memref<1x128xi32, #tpu.memory_space<vmem>>
    %dma_wait3A_748 = tpu.memref_squeeze %dma_wait3A_747 : memref<1x128xi32, #tpu.memory_space<vmem>> -> memref<128xi32, #tpu.memory_space<vmem>>
    %dma_wait3A_749 = arith.constant 0 : i32
    %dma_wait3A_750 = tpu.memref_slice %arg10[%dma_wait3A_749] : memref<1050624xf32, #tpu.memory_space<vmem_shared>> -> memref<1050624xf32, #tpu.memory_space<vmem_shared>>
    tpu.wait_indirect_dma semaphore(%arg11 : memref<!tpu.dma_semaphore, #tpu.memory_space<semaphore_mem>>) src(%arg8 : memref<128xf32, #tpu.memory_space<vmem>>) dst(%dma_wait3A_750 : memref<1050624xf32, #tpu.memory_space<vmem_shared>>)
    %dma_wait3A_751 = arith.constant 8 : i32
    %dma_wait3A_752 = arith.constant 0 : i32
    %dma_wait3A_753 = tpu.memref_slice %arg7[%dma_wait3A_751, %dma_wait3A_752] : memref<33x128xi32, #tpu.memory_space<vmem>> -> memref<1x128xi32, #tpu.memory_space<vmem>>
    %dma_wait3A_754 = tpu.memref_squeeze %dma_wait3A_753 : memref<1x128xi32, #tpu.memory_space<vmem>> -> memref<128xi32, #tpu.memory_space<vmem>>
    %dma_wait3A_755 = arith.constant 0 : i32
    %dma_wait3A_756 = tpu.memref_slice %arg10[%dma_wait3A_755] : memref<1050624xf32, #tpu.memory_space<vmem_shared>> -> memref<1050624xf32, #tpu.memory_space<vmem_shared>>
    tpu.wait_indirect_dma semaphore(%arg11 : memref<!tpu.dma_semaphore, #tpu.memory_space<semaphore_mem>>) src(%arg8 : memref<128xf32, #tpu.memory_space<vmem>>) dst(%dma_wait3A_756 : memref<1050624xf32, #tpu.memory_space<vmem_shared>>)
    %dma_wait3A_757 = arith.constant 9 : i32
    %dma_wait3A_758 = arith.constant 0 : i32
    %dma_wait3A_759 = tpu.memref_slice %arg7[%dma_wait3A_757, %dma_wait3A_758] : memref<33x128xi32, #tpu.memory_space<vmem>> -> memref<1x128xi32, #tpu.memory_space<vmem>>
    %dma_wait3A_760 = tpu.memref_squeeze %dma_wait3A_759 : memref<1x128xi32, #tpu.memory_space<vmem>> -> memref<128xi32, #tpu.memory_space<vmem>>
    %dma_wait3A_761 = arith.constant 0 : i32
    %dma_wait3A_762 = tpu.memref_slice %arg10[%dma_wait3A_761] : memref<1050624xf32, #tpu.memory_space<vmem_shared>> -> memref<1050624xf32, #tpu.memory_space<vmem_shared>>
    tpu.wait_indirect_dma semaphore(%arg11 : memref<!tpu.dma_semaphore, #tpu.memory_space<semaphore_mem>>) src(%arg8 : memref<128xf32, #tpu.memory_space<vmem>>) dst(%dma_wait3A_762 : memref<1050624xf32, #tpu.memory_space<vmem_shared>>)
    %dma_wait3A_763 = arith.constant 10 : i32
    %dma_wait3A_764 = arith.constant 0 : i32
    %dma_wait3A_765 = tpu.memref_slice %arg7[%dma_wait3A_763, %dma_wait3A_764] : memref<33x128xi32, #tpu.memory_space<vmem>> -> memref<1x128xi32, #tpu.memory_space<vmem>>
    %dma_wait3A_766 = tpu.memref_squeeze %dma_wait3A_765 : memref<1x128xi32, #tpu.memory_space<vmem>> -> memref<128xi32, #tpu.memory_space<vmem>>
    %dma_wait3A_767 = arith.constant 0 : i32
    %dma_wait3A_768 = tpu.memref_slice %arg10[%dma_wait3A_767] : memref<1050624xf32, #tpu.memory_space<vmem_shared>> -> memref<1050624xf32, #tpu.memory_space<vmem_shared>>
    tpu.wait_indirect_dma semaphore(%arg11 : memref<!tpu.dma_semaphore, #tpu.memory_space<semaphore_mem>>) src(%arg8 : memref<128xf32, #tpu.memory_space<vmem>>) dst(%dma_wait3A_768 : memref<1050624xf32, #tpu.memory_space<vmem_shared>>)
    %dma_wait3A_769 = arith.constant 11 : i32
    %dma_wait3A_770 = arith.constant 0 : i32
    %dma_wait3A_771 = tpu.memref_slice %arg7[%dma_wait3A_769, %dma_wait3A_770] : memref<33x128xi32, #tpu.memory_space<vmem>> -> memref<1x128xi32, #tpu.memory_space<vmem>>
    %dma_wait3A_772 = tpu.memref_squeeze %dma_wait3A_771 : memref<1x128xi32, #tpu.memory_space<vmem>> -> memref<128xi32, #tpu.memory_space<vmem>>
    %dma_wait3A_773 = arith.constant 0 : i32
    %dma_wait3A_774 = tpu.memref_slice %arg10[%dma_wait3A_773] : memref<1050624xf32, #tpu.memory_space<vmem_shared>> -> memref<1050624xf32, #tpu.memory_space<vmem_shared>>
    tpu.wait_indirect_dma semaphore(%arg11 : memref<!tpu.dma_semaphore, #tpu.memory_space<semaphore_mem>>) src(%arg8 : memref<128xf32, #tpu.memory_space<vmem>>) dst(%dma_wait3A_774 : memref<1050624xf32, #tpu.memory_space<vmem_shared>>)
    %dma_wait3A_775 = arith.constant 12 : i32
    %dma_wait3A_776 = arith.constant 0 : i32
    %dma_wait3A_777 = tpu.memref_slice %arg7[%dma_wait3A_775, %dma_wait3A_776] : memref<33x128xi32, #tpu.memory_space<vmem>> -> memref<1x128xi32, #tpu.memory_space<vmem>>
    %dma_wait3A_778 = tpu.memref_squeeze %dma_wait3A_777 : memref<1x128xi32, #tpu.memory_space<vmem>> -> memref<128xi32, #tpu.memory_space<vmem>>
    %dma_wait3A_779 = arith.constant 0 : i32
    %dma_wait3A_780 = tpu.memref_slice %arg10[%dma_wait3A_779] : memref<1050624xf32, #tpu.memory_space<vmem_shared>> -> memref<1050624xf32, #tpu.memory_space<vmem_shared>>
    tpu.wait_indirect_dma semaphore(%arg11 : memref<!tpu.dma_semaphore, #tpu.memory_space<semaphore_mem>>) src(%arg8 : memref<128xf32, #tpu.memory_space<vmem>>) dst(%dma_wait3A_780 : memref<1050624xf32, #tpu.memory_space<vmem_shared>>)
    %dma_wait3A_781 = arith.constant 13 : i32
    %dma_wait3A_782 = arith.constant 0 : i32
    %dma_wait3A_783 = tpu.memref_slice %arg7[%dma_wait3A_781, %dma_wait3A_782] : memref<33x128xi32, #tpu.memory_space<vmem>> -> memref<1x128xi32, #tpu.memory_space<vmem>>
    %dma_wait3A_784 = tpu.memref_squeeze %dma_wait3A_783 : memref<1x128xi32, #tpu.memory_space<vmem>> -> memref<128xi32, #tpu.memory_space<vmem>>
    %dma_wait3A_785 = arith.constant 0 : i32
    %dma_wait3A_786 = tpu.memref_slice %arg10[%dma_wait3A_785] : memref<1050624xf32, #tpu.memory_space<vmem_shared>> -> memref<1050624xf32, #tpu.memory_space<vmem_shared>>
    tpu.wait_indirect_dma semaphore(%arg11 : memref<!tpu.dma_semaphore, #tpu.memory_space<semaphore_mem>>) src(%arg8 : memref<128xf32, #tpu.memory_space<vmem>>) dst(%dma_wait3A_786 : memref<1050624xf32, #tpu.memory_space<vmem_shared>>)
    %dma_wait3A_787 = arith.constant 14 : i32
    %dma_wait3A_788 = arith.constant 0 : i32
    %dma_wait3A_789 = tpu.memref_slice %arg7[%dma_wait3A_787, %dma_wait3A_788] : memref<33x128xi32, #tpu.memory_space<vmem>> -> memref<1x128xi32, #tpu.memory_space<vmem>>
    %dma_wait3A_790 = tpu.memref_squeeze %dma_wait3A_789 : memref<1x128xi32, #tpu.memory_space<vmem>> -> memref<128xi32, #tpu.memory_space<vmem>>
    %dma_wait3A_791 = arith.constant 0 : i32
    %dma_wait3A_792 = tpu.memref_slice %arg10[%dma_wait3A_791] : memref<1050624xf32, #tpu.memory_space<vmem_shared>> -> memref<1050624xf32, #tpu.memory_space<vmem_shared>>
    tpu.wait_indirect_dma semaphore(%arg11 : memref<!tpu.dma_semaphore, #tpu.memory_space<semaphore_mem>>) src(%arg8 : memref<128xf32, #tpu.memory_space<vmem>>) dst(%dma_wait3A_792 : memref<1050624xf32, #tpu.memory_space<vmem_shared>>)
    %dma_wait3A_793 = arith.constant 15 : i32
    %dma_wait3A_794 = arith.constant 0 : i32
    %dma_wait3A_795 = tpu.memref_slice %arg7[%dma_wait3A_793, %dma_wait3A_794] : memref<33x128xi32, #tpu.memory_space<vmem>> -> memref<1x128xi32, #tpu.memory_space<vmem>>
    %dma_wait3A_796 = tpu.memref_squeeze %dma_wait3A_795 : memref<1x128xi32, #tpu.memory_space<vmem>> -> memref<128xi32, #tpu.memory_space<vmem>>
    %dma_wait3A_797 = arith.constant 0 : i32
    %dma_wait3A_798 = tpu.memref_slice %arg10[%dma_wait3A_797] : memref<1050624xf32, #tpu.memory_space<vmem_shared>> -> memref<1050624xf32, #tpu.memory_space<vmem_shared>>
    tpu.wait_indirect_dma semaphore(%arg11 : memref<!tpu.dma_semaphore, #tpu.memory_space<semaphore_mem>>) src(%arg8 : memref<128xf32, #tpu.memory_space<vmem>>) dst(%dma_wait3A_798 : memref<1050624xf32, #tpu.memory_space<vmem_shared>>)
    %dma_wait3A_799 = arith.constant 16 : i32
    %dma_wait3A_800 = arith.constant 0 : i32
    %dma_wait3A_801 = tpu.memref_slice %arg7[%dma_wait3A_799, %dma_wait3A_800] : memref<33x128xi32, #tpu.memory_space<vmem>> -> memref<1x128xi32, #tpu.memory_space<vmem>>
    %dma_wait3A_802 = tpu.memref_squeeze %dma_wait3A_801 : memref<1x128xi32, #tpu.memory_space<vmem>> -> memref<128xi32, #tpu.memory_space<vmem>>
    %dma_wait3A_803 = arith.constant 0 : i32
    %dma_wait3A_804 = tpu.memref_slice %arg10[%dma_wait3A_803] : memref<1050624xf32, #tpu.memory_space<vmem_shared>> -> memref<1050624xf32, #tpu.memory_space<vmem_shared>>
    tpu.wait_indirect_dma semaphore(%arg11 : memref<!tpu.dma_semaphore, #tpu.memory_space<semaphore_mem>>) src(%arg8 : memref<128xf32, #tpu.memory_space<vmem>>) dst(%dma_wait3A_804 : memref<1050624xf32, #tpu.memory_space<vmem_shared>>)
    %dma_wait3A_805 = arith.constant 17 : i32
    %dma_wait3A_806 = arith.constant 0 : i32
    %dma_wait3A_807 = tpu.memref_slice %arg7[%dma_wait3A_805, %dma_wait3A_806] : memref<33x128xi32, #tpu.memory_space<vmem>> -> memref<1x128xi32, #tpu.memory_space<vmem>>
    %dma_wait3A_808 = tpu.memref_squeeze %dma_wait3A_807 : memref<1x128xi32, #tpu.memory_space<vmem>> -> memref<128xi32, #tpu.memory_space<vmem>>
    %dma_wait3A_809 = arith.constant 0 : i32
    %dma_wait3A_810 = tpu.memref_slice %arg10[%dma_wait3A_809] : memref<1050624xf32, #tpu.memory_space<vmem_shared>> -> memref<1050624xf32, #tpu.memory_space<vmem_shared>>
    tpu.wait_indirect_dma semaphore(%arg11 : memref<!tpu.dma_semaphore, #tpu.memory_space<semaphore_mem>>) src(%arg8 : memref<128xf32, #tpu.memory_space<vmem>>) dst(%dma_wait3A_810 : memref<1050624xf32, #tpu.memory_space<vmem_shared>>)
    %dma_wait3A_811 = arith.constant 18 : i32
    %dma_wait3A_812 = arith.constant 0 : i32
    %dma_wait3A_813 = tpu.memref_slice %arg7[%dma_wait3A_811, %dma_wait3A_812] : memref<33x128xi32, #tpu.memory_space<vmem>> -> memref<1x128xi32, #tpu.memory_space<vmem>>
    %dma_wait3A_814 = tpu.memref_squeeze %dma_wait3A_813 : memref<1x128xi32, #tpu.memory_space<vmem>> -> memref<128xi32, #tpu.memory_space<vmem>>
    %dma_wait3A_815 = arith.constant 0 : i32
    %dma_wait3A_816 = tpu.memref_slice %arg10[%dma_wait3A_815] : memref<1050624xf32, #tpu.memory_space<vmem_shared>> -> memref<1050624xf32, #tpu.memory_space<vmem_shared>>
    tpu.wait_indirect_dma semaphore(%arg11 : memref<!tpu.dma_semaphore, #tpu.memory_space<semaphore_mem>>) src(%arg8 : memref<128xf32, #tpu.memory_space<vmem>>) dst(%dma_wait3A_816 : memref<1050624xf32, #tpu.memory_space<vmem_shared>>)
    %dma_wait3A_817 = arith.constant 19 : i32
    %dma_wait3A_818 = arith.constant 0 : i32
    %dma_wait3A_819 = tpu.memref_slice %arg7[%dma_wait3A_817, %dma_wait3A_818] : memref<33x128xi32, #tpu.memory_space<vmem>> -> memref<1x128xi32, #tpu.memory_space<vmem>>
    %dma_wait3A_820 = tpu.memref_squeeze %dma_wait3A_819 : memref<1x128xi32, #tpu.memory_space<vmem>> -> memref<128xi32, #tpu.memory_space<vmem>>
    %dma_wait3A_821 = arith.constant 0 : i32
    %dma_wait3A_822 = tpu.memref_slice %arg10[%dma_wait3A_821] : memref<1050624xf32, #tpu.memory_space<vmem_shared>> -> memref<1050624xf32, #tpu.memory_space<vmem_shared>>
    tpu.wait_indirect_dma semaphore(%arg11 : memref<!tpu.dma_semaphore, #tpu.memory_space<semaphore_mem>>) src(%arg8 : memref<128xf32, #tpu.memory_space<vmem>>) dst(%dma_wait3A_822 : memref<1050624xf32, #tpu.memory_space<vmem_shared>>)
    %dma_wait3A_823 = arith.constant 20 : i32
    %dma_wait3A_824 = arith.constant 0 : i32
    %dma_wait3A_825 = tpu.memref_slice %arg7[%dma_wait3A_823, %dma_wait3A_824] : memref<33x128xi32, #tpu.memory_space<vmem>> -> memref<1x128xi32, #tpu.memory_space<vmem>>
    %dma_wait3A_826 = tpu.memref_squeeze %dma_wait3A_825 : memref<1x128xi32, #tpu.memory_space<vmem>> -> memref<128xi32, #tpu.memory_space<vmem>>
    %dma_wait3A_827 = arith.constant 0 : i32
    %dma_wait3A_828 = tpu.memref_slice %arg10[%dma_wait3A_827] : memref<1050624xf32, #tpu.memory_space<vmem_shared>> -> memref<1050624xf32, #tpu.memory_space<vmem_shared>>
    tpu.wait_indirect_dma semaphore(%arg11 : memref<!tpu.dma_semaphore, #tpu.memory_space<semaphore_mem>>) src(%arg8 : memref<128xf32, #tpu.memory_space<vmem>>) dst(%dma_wait3A_828 : memref<1050624xf32, #tpu.memory_space<vmem_shared>>)
    %dma_wait3A_829 = arith.constant 21 : i32
    %dma_wait3A_830 = arith.constant 0 : i32
    %dma_wait3A_831 = tpu.memref_slice %arg7[%dma_wait3A_829, %dma_wait3A_830] : memref<33x128xi32, #tpu.memory_space<vmem>> -> memref<1x128xi32, #tpu.memory_space<vmem>>
    %dma_wait3A_832 = tpu.memref_squeeze %dma_wait3A_831 : memref<1x128xi32, #tpu.memory_space<vmem>> -> memref<128xi32, #tpu.memory_space<vmem>>
    %dma_wait3A_833 = arith.constant 0 : i32
    %dma_wait3A_834 = tpu.memref_slice %arg10[%dma_wait3A_833] : memref<1050624xf32, #tpu.memory_space<vmem_shared>> -> memref<1050624xf32, #tpu.memory_space<vmem_shared>>
    tpu.wait_indirect_dma semaphore(%arg11 : memref<!tpu.dma_semaphore, #tpu.memory_space<semaphore_mem>>) src(%arg8 : memref<128xf32, #tpu.memory_space<vmem>>) dst(%dma_wait3A_834 : memref<1050624xf32, #tpu.memory_space<vmem_shared>>)
    %dma_wait3A_835 = arith.constant 22 : i32
    %dma_wait3A_836 = arith.constant 0 : i32
    %dma_wait3A_837 = tpu.memref_slice %arg7[%dma_wait3A_835, %dma_wait3A_836] : memref<33x128xi32, #tpu.memory_space<vmem>> -> memref<1x128xi32, #tpu.memory_space<vmem>>
    %dma_wait3A_838 = tpu.memref_squeeze %dma_wait3A_837 : memref<1x128xi32, #tpu.memory_space<vmem>> -> memref<128xi32, #tpu.memory_space<vmem>>
    %dma_wait3A_839 = arith.constant 0 : i32
    %dma_wait3A_840 = tpu.memref_slice %arg10[%dma_wait3A_839] : memref<1050624xf32, #tpu.memory_space<vmem_shared>> -> memref<1050624xf32, #tpu.memory_space<vmem_shared>>
    tpu.wait_indirect_dma semaphore(%arg11 : memref<!tpu.dma_semaphore, #tpu.memory_space<semaphore_mem>>) src(%arg8 : memref<128xf32, #tpu.memory_space<vmem>>) dst(%dma_wait3A_840 : memref<1050624xf32, #tpu.memory_space<vmem_shared>>)
    %dma_wait3A_841 = arith.constant 23 : i32
    %dma_wait3A_842 = arith.constant 0 : i32
    %dma_wait3A_843 = tpu.memref_slice %arg7[%dma_wait3A_841, %dma_wait3A_842] : memref<33x128xi32, #tpu.memory_space<vmem>> -> memref<1x128xi32, #tpu.memory_space<vmem>>
    %dma_wait3A_844 = tpu.memref_squeeze %dma_wait3A_843 : memref<1x128xi32, #tpu.memory_space<vmem>> -> memref<128xi32, #tpu.memory_space<vmem>>
    %dma_wait3A_845 = arith.constant 0 : i32
    %dma_wait3A_846 = tpu.memref_slice %arg10[%dma_wait3A_845] : memref<1050624xf32, #tpu.memory_space<vmem_shared>> -> memref<1050624xf32, #tpu.memory_space<vmem_shared>>
    tpu.wait_indirect_dma semaphore(%arg11 : memref<!tpu.dma_semaphore, #tpu.memory_space<semaphore_mem>>) src(%arg8 : memref<128xf32, #tpu.memory_space<vmem>>) dst(%dma_wait3A_846 : memref<1050624xf32, #tpu.memory_space<vmem_shared>>)
    %dma_wait3A_847 = arith.constant 24 : i32
    %dma_wait3A_848 = arith.constant 0 : i32
    %dma_wait3A_849 = tpu.memref_slice %arg7[%dma_wait3A_847, %dma_wait3A_848] : memref<33x128xi32, #tpu.memory_space<vmem>> -> memref<1x128xi32, #tpu.memory_space<vmem>>
    %dma_wait3A_850 = tpu.memref_squeeze %dma_wait3A_849 : memref<1x128xi32, #tpu.memory_space<vmem>> -> memref<128xi32, #tpu.memory_space<vmem>>
    %dma_wait3A_851 = arith.constant 0 : i32
    %dma_wait3A_852 = tpu.memref_slice %arg10[%dma_wait3A_851] : memref<1050624xf32, #tpu.memory_space<vmem_shared>> -> memref<1050624xf32, #tpu.memory_space<vmem_shared>>
    tpu.wait_indirect_dma semaphore(%arg11 : memref<!tpu.dma_semaphore, #tpu.memory_space<semaphore_mem>>) src(%arg8 : memref<128xf32, #tpu.memory_space<vmem>>) dst(%dma_wait3A_852 : memref<1050624xf32, #tpu.memory_space<vmem_shared>>)
    %dma_wait3A_853 = arith.constant 25 : i32
    %dma_wait3A_854 = arith.constant 0 : i32
    %dma_wait3A_855 = tpu.memref_slice %arg7[%dma_wait3A_853, %dma_wait3A_854] : memref<33x128xi32, #tpu.memory_space<vmem>> -> memref<1x128xi32, #tpu.memory_space<vmem>>
    %dma_wait3A_856 = tpu.memref_squeeze %dma_wait3A_855 : memref<1x128xi32, #tpu.memory_space<vmem>> -> memref<128xi32, #tpu.memory_space<vmem>>
    %dma_wait3A_857 = arith.constant 0 : i32
    %dma_wait3A_858 = tpu.memref_slice %arg10[%dma_wait3A_857] : memref<1050624xf32, #tpu.memory_space<vmem_shared>> -> memref<1050624xf32, #tpu.memory_space<vmem_shared>>
    tpu.wait_indirect_dma semaphore(%arg11 : memref<!tpu.dma_semaphore, #tpu.memory_space<semaphore_mem>>) src(%arg8 : memref<128xf32, #tpu.memory_space<vmem>>) dst(%dma_wait3A_858 : memref<1050624xf32, #tpu.memory_space<vmem_shared>>)
    %dma_wait3A_859 = arith.constant 26 : i32
    %dma_wait3A_860 = arith.constant 0 : i32
    %dma_wait3A_861 = tpu.memref_slice %arg7[%dma_wait3A_859, %dma_wait3A_860] : memref<33x128xi32, #tpu.memory_space<vmem>> -> memref<1x128xi32, #tpu.memory_space<vmem>>
    %dma_wait3A_862 = tpu.memref_squeeze %dma_wait3A_861 : memref<1x128xi32, #tpu.memory_space<vmem>> -> memref<128xi32, #tpu.memory_space<vmem>>
    %dma_wait3A_863 = arith.constant 0 : i32
    %dma_wait3A_864 = tpu.memref_slice %arg10[%dma_wait3A_863] : memref<1050624xf32, #tpu.memory_space<vmem_shared>> -> memref<1050624xf32, #tpu.memory_space<vmem_shared>>
    tpu.wait_indirect_dma semaphore(%arg11 : memref<!tpu.dma_semaphore, #tpu.memory_space<semaphore_mem>>) src(%arg8 : memref<128xf32, #tpu.memory_space<vmem>>) dst(%dma_wait3A_864 : memref<1050624xf32, #tpu.memory_space<vmem_shared>>)
    %dma_wait3A_865 = arith.constant 27 : i32
    %dma_wait3A_866 = arith.constant 0 : i32
    %dma_wait3A_867 = tpu.memref_slice %arg7[%dma_wait3A_865, %dma_wait3A_866] : memref<33x128xi32, #tpu.memory_space<vmem>> -> memref<1x128xi32, #tpu.memory_space<vmem>>
    %dma_wait3A_868 = tpu.memref_squeeze %dma_wait3A_867 : memref<1x128xi32, #tpu.memory_space<vmem>> -> memref<128xi32, #tpu.memory_space<vmem>>
    %dma_wait3A_869 = arith.constant 0 : i32
    %dma_wait3A_870 = tpu.memref_slice %arg10[%dma_wait3A_869] : memref<1050624xf32, #tpu.memory_space<vmem_shared>> -> memref<1050624xf32, #tpu.memory_space<vmem_shared>>
    tpu.wait_indirect_dma semaphore(%arg11 : memref<!tpu.dma_semaphore, #tpu.memory_space<semaphore_mem>>) src(%arg8 : memref<128xf32, #tpu.memory_space<vmem>>) dst(%dma_wait3A_870 : memref<1050624xf32, #tpu.memory_space<vmem_shared>>)
    %dma_wait3A_871 = arith.constant 28 : i32
    %dma_wait3A_872 = arith.constant 0 : i32
    %dma_wait3A_873 = tpu.memref_slice %arg7[%dma_wait3A_871, %dma_wait3A_872] : memref<33x128xi32, #tpu.memory_space<vmem>> -> memref<1x128xi32, #tpu.memory_space<vmem>>
    %dma_wait3A_874 = tpu.memref_squeeze %dma_wait3A_873 : memref<1x128xi32, #tpu.memory_space<vmem>> -> memref<128xi32, #tpu.memory_space<vmem>>
    %dma_wait3A_875 = arith.constant 0 : i32
    %dma_wait3A_876 = tpu.memref_slice %arg10[%dma_wait3A_875] : memref<1050624xf32, #tpu.memory_space<vmem_shared>> -> memref<1050624xf32, #tpu.memory_space<vmem_shared>>
    tpu.wait_indirect_dma semaphore(%arg11 : memref<!tpu.dma_semaphore, #tpu.memory_space<semaphore_mem>>) src(%arg8 : memref<128xf32, #tpu.memory_space<vmem>>) dst(%dma_wait3A_876 : memref<1050624xf32, #tpu.memory_space<vmem_shared>>)
    %dma_wait3A_877 = arith.constant 29 : i32
    %dma_wait3A_878 = arith.constant 0 : i32
    %dma_wait3A_879 = tpu.memref_slice %arg7[%dma_wait3A_877, %dma_wait3A_878] : memref<33x128xi32, #tpu.memory_space<vmem>> -> memref<1x128xi32, #tpu.memory_space<vmem>>
    %dma_wait3A_880 = tpu.memref_squeeze %dma_wait3A_879 : memref<1x128xi32, #tpu.memory_space<vmem>> -> memref<128xi32, #tpu.memory_space<vmem>>
    %dma_wait3A_881 = arith.constant 0 : i32
    %dma_wait3A_882 = tpu.memref_slice %arg10[%dma_wait3A_881] : memref<1050624xf32, #tpu.memory_space<vmem_shared>> -> memref<1050624xf32, #tpu.memory_space<vmem_shared>>
    tpu.wait_indirect_dma semaphore(%arg11 : memref<!tpu.dma_semaphore, #tpu.memory_space<semaphore_mem>>) src(%arg8 : memref<128xf32, #tpu.memory_space<vmem>>) dst(%dma_wait3A_882 : memref<1050624xf32, #tpu.memory_space<vmem_shared>>)
    %dma_wait3A_883 = arith.constant 30 : i32
    %dma_wait3A_884 = arith.constant 0 : i32
    %dma_wait3A_885 = tpu.memref_slice %arg7[%dma_wait3A_883, %dma_wait3A_884] : memref<33x128xi32, #tpu.memory_space<vmem>> -> memref<1x128xi32, #tpu.memory_space<vmem>>
    %dma_wait3A_886 = tpu.memref_squeeze %dma_wait3A_885 : memref<1x128xi32, #tpu.memory_space<vmem>> -> memref<128xi32, #tpu.memory_space<vmem>>
    %dma_wait3A_887 = arith.constant 0 : i32
    %dma_wait3A_888 = tpu.memref_slice %arg10[%dma_wait3A_887] : memref<1050624xf32, #tpu.memory_space<vmem_shared>> -> memref<1050624xf32, #tpu.memory_space<vmem_shared>>
    tpu.wait_indirect_dma semaphore(%arg11 : memref<!tpu.dma_semaphore, #tpu.memory_space<semaphore_mem>>) src(%arg8 : memref<128xf32, #tpu.memory_space<vmem>>) dst(%dma_wait3A_888 : memref<1050624xf32, #tpu.memory_space<vmem_shared>>)
    %dma_wait3A_889 = arith.constant 31 : i32
    %dma_wait3A_890 = arith.constant 0 : i32
    %dma_wait3A_891 = tpu.memref_slice %arg7[%dma_wait3A_889, %dma_wait3A_890] : memref<33x128xi32, #tpu.memory_space<vmem>> -> memref<1x128xi32, #tpu.memory_space<vmem>>
    %dma_wait3A_892 = tpu.memref_squeeze %dma_wait3A_891 : memref<1x128xi32, #tpu.memory_space<vmem>> -> memref<128xi32, #tpu.memory_space<vmem>>
    %dma_wait3A_893 = arith.constant 0 : i32
    %dma_wait3A_894 = tpu.memref_slice %arg10[%dma_wait3A_893] : memref<1050624xf32, #tpu.memory_space<vmem_shared>> -> memref<1050624xf32, #tpu.memory_space<vmem_shared>>
    tpu.wait_indirect_dma semaphore(%arg11 : memref<!tpu.dma_semaphore, #tpu.memory_space<semaphore_mem>>) src(%arg8 : memref<128xf32, #tpu.memory_space<vmem>>) dst(%dma_wait3A_894 : memref<1050624xf32, #tpu.memory_space<vmem_shared>>)
    %dma_wait3A_895 = arith.constant 32 : i32
    %dma_wait3A_896 = arith.constant 0 : i32
    %dma_wait3A_897 = tpu.memref_slice %arg7[%dma_wait3A_895, %dma_wait3A_896] : memref<33x128xi32, #tpu.memory_space<vmem>> -> memref<1x128xi32, #tpu.memory_space<vmem>>
    %dma_wait3A_898 = tpu.memref_squeeze %dma_wait3A_897 : memref<1x128xi32, #tpu.memory_space<vmem>> -> memref<128xi32, #tpu.memory_space<vmem>>
    %dma_wait3A_899 = arith.constant 0 : i32
    %dma_wait3A_900 = tpu.memref_slice %arg10[%dma_wait3A_899] : memref<1050624xf32, #tpu.memory_space<vmem_shared>> -> memref<1050624xf32, #tpu.memory_space<vmem_shared>>
    tpu.wait_indirect_dma semaphore(%arg11 : memref<!tpu.dma_semaphore, #tpu.memory_space<semaphore_mem>>) src(%arg8 : memref<128xf32, #tpu.memory_space<vmem>>) dst(%dma_wait3A_900 : memref<1050624xf32, #tpu.memory_space<vmem_shared>>)
    %barrier3A_901 = arith.constant 0 : index
    tpu.barrier barrier_id(%barrier3A_901)
    %mul3A_902 = arith.constant 65536 : i32
    %mul3A_903 = arith.muli %arg1, %mul3A_902 : i32
    %mul3A_904 = arith.constant 2048 : i32
    %mul3A_905 = arith.muli %add3A_464, %mul3A_904 : i32
    %mul3A_906 = arith.constant 65536 : i32
    %mul3A_907 = arith.muli %arg1, %mul3A_906 : i32
    %add3A_908 = arith.addi %mul3A_905, %mul3A_907 : i32
    "tpu.region"() ({
      %run_scoped3A = tpu.sem_alloc : memref<!tpu.dma_semaphore, #tpu.memory_space<semaphore_mem>>
      %dma_start3A_910 = tpu.memref_slice %arg4[%add3A_908] : memref<4194304xf32, #tpu.memory_space<hbm>> -> memref<65536xf32, #tpu.memory_space<hbm>>
      %dma_start3A_911 = tpu.memref_slice %arg10[%mul3A_903] : memref<1050624xf32, #tpu.memory_space<vmem_shared>> -> memref<65536xf32, #tpu.memory_space<vmem_shared>>
      tpu.enqueue_dma source(%dma_start3A_911 : memref<65536xf32, #tpu.memory_space<vmem_shared>>) target(%dma_start3A_910 : memref<65536xf32, #tpu.memory_space<hbm>>) target_semaphore(%run_scoped3A : memref<!tpu.dma_semaphore, #tpu.memory_space<semaphore_mem>>)
      %dma_wait3A_912 = tpu.memref_slice %arg4[%add3A_908] : memref<4194304xf32, #tpu.memory_space<hbm>> -> memref<65536xf32, #tpu.memory_space<hbm>>
      %dma_wait3A_913 = tpu.memref_slice %arg10[%mul3A_903] : memref<1050624xf32, #tpu.memory_space<vmem_shared>> -> memref<65536xf32, #tpu.memory_space<vmem_shared>>
      tpu.wait_dma2 semaphore(%run_scoped3A : memref<!tpu.dma_semaphore, #tpu.memory_space<semaphore_mem>>) src(%dma_wait3A_913 : memref<65536xf32, #tpu.memory_space<vmem_shared>>) dst(%dma_wait3A_912 : memref<65536xf32, #tpu.memory_space<hbm>>)
      tpu.yield
    }) : () -> ()
    %barrier3A_909 = arith.constant 0 : index
    tpu.barrier barrier_id(%barrier3A_909)
    return
  }
}

module attributes {stable_mosaic.version = 14 : i64} {
  func.func @_proj1_body(%arg0: i32, %arg1: memref<256x256xf32, #tpu.memory_space<vmem>>, %arg2: memref<256x256xf32, #tpu.memory_space<vmem>>, %arg3: memref<4x256xf32, #tpu.memory_space<vmem>>, %arg4: memref<256x4xf32, #tpu.memory_space<vmem>>, %arg5: memref<256x256xf32, #tpu.memory_space<vmem>>, %arg6: memref<4x256xf32, #tpu.memory_space<vmem>>, %arg7: memref<256x4xf32, #tpu.memory_space<vmem>>) attributes {dimension_semantics = [#tpu.dimension_semantics<arbitrary>], iteration_bounds = array<i64: 8>, scalar_prefetch = 0 : i64, scratch_operands = 0 : i64, tpu.core_type = #tpu.core_type<tc>, window_params = [{transform_indices = @transform_0, window_bounds = array<i64: 256, 256>}, {pipeline_mode = #tpu.pipeline_mode<synchronous>, transform_indices = @transform_1, window_bounds = array<i64: 256, 256>}, {pipeline_mode = #tpu.pipeline_mode<synchronous>, transform_indices = @transform_2, window_bounds = array<i64: 4, 256>}, {pipeline_mode = #tpu.pipeline_mode<synchronous>, transform_indices = @transform_3, window_bounds = array<i64: 256, 4>}, {transform_indices = @transform_4, window_bounds = array<i64: 256, 256>}, {transform_indices = @transform_5, window_bounds = array<i64: 4, 256>}, {transform_indices = @transform_6, window_bounds = array<i64: 256, 4>}]} {
    %get3A = arith.constant 0 : index
    %get3A_0 = arith.constant 0 : index
    %get3A_1 = vector.load %arg1[%get3A, %get3A_0] : memref<256x256xf32, #tpu.memory_space<vmem>>, vector<256x256xf32>
    %get3A_2 = arith.constant 0 : index
    %get3A_3 = arith.constant 0 : index
    %get3A_4 = vector.load %arg2[%get3A_2, %get3A_3] : memref<256x256xf32, #tpu.memory_space<vmem>>, vector<256x256xf32>
    %dot_general3A = arith.constant dense<0.000000e+00> : vector<256x256xf32>
    %dot_general3A_5 = tpu.matmul %get3A_1, %get3A_4, %dot_general3A {dimension_numbers = #tpu.dot_dimension_numbers<[1], [0], [0], [1], [0, 0, 1, 1], [], []>, transpose_lhs_hint = false} : vector<256x256xf32>, vector<256x256xf32>, vector<256x256xf32> -> vector<256x256xf32>
    %swap3A = arith.constant 0 : index
    %swap3A_6 = arith.constant 0 : index
    %swap3A_7 = vector.load %arg5[%swap3A, %swap3A_6] : memref<256x256xf32, #tpu.memory_space<vmem>>, vector<256x256xf32>
    tpu.vector_store %arg5[%swap3A, %swap3A_6], %dot_general3A_5 {strides = array<i32>} : memref<256x256xf32, #tpu.memory_space<vmem>>, vector<256x256xf32>,
    %get3A_8 = arith.constant 0 : index
    %get3A_9 = arith.constant 0 : index
    %get3A_10 = vector.load %arg3[%get3A_8, %get3A_9] : memref<4x256xf32, #tpu.memory_space<vmem>>, vector<4x256xf32>
    %dot_general3A_11 = arith.constant dense<0.000000e+00> : vector<4x256xf32>
    %dot_general3A_12 = tpu.matmul %get3A_10, %dot_general3A_5, %dot_general3A_11 {dimension_numbers = #tpu.dot_dimension_numbers<[1], [1], [0], [0], [0, 0, 1, 0], [], []>, transpose_lhs_hint = false} : vector<4x256xf32>, vector<256x256xf32>, vector<4x256xf32> -> vector<4x256xf32>
    %swap3A_13 = arith.constant 0 : index
    %swap3A_14 = arith.constant 0 : index
    %swap3A_15 = vector.load %arg6[%swap3A_13, %swap3A_14] : memref<4x256xf32, #tpu.memory_space<vmem>>, vector<4x256xf32>
    tpu.vector_store %arg6[%swap3A_13, %swap3A_14], %dot_general3A_12 {strides = array<i32>} : memref<4x256xf32, #tpu.memory_space<vmem>>, vector<4x256xf32>,
    %get3A_16 = arith.constant 0 : index
    %get3A_17 = arith.constant 0 : index
    %get3A_18 = vector.load %arg4[%get3A_16, %get3A_17] : memref<256x4xf32, #tpu.memory_space<vmem>>, vector<256x4xf32>
    %dot_general3A_19 = arith.constant dense<0.000000e+00> : vector<256x4xf32>
    %dot_general3A_20 = tpu.matmul %dot_general3A_5, %get3A_18, %dot_general3A_19 {dimension_numbers = #tpu.dot_dimension_numbers<[1], [0], [0], [1], [0, 0, 1, 1], [], []>, transpose_lhs_hint = false} : vector<256x256xf32>, vector<256x4xf32>, vector<256x4xf32> -> vector<256x4xf32>
    %swap3A_21 = arith.constant 0 : index
    %swap3A_22 = arith.constant 0 : index
    %swap3A_23 = vector.load %arg7[%swap3A_21, %swap3A_22] : memref<256x4xf32, #tpu.memory_space<vmem>>, vector<256x4xf32>
    tpu.vector_store %arg7[%swap3A_21, %swap3A_22], %dot_general3A_20 {strides = array<i32>} : memref<256x4xf32, #tpu.memory_space<vmem>>, vector<256x4xf32>,
    return
  }
  func.func @transform_0(%arg0: i32) -> (i32, i32) {
    %c0_i32 = arith.constant 0 : i32
    %c0_i32_0 = arith.constant 0 : i32
    return %arg0, %c0_i32 : i32, i32
  }
  func.func @transform_1(%arg0: i32) -> (i32, i32) {
    %c0_i32 = arith.constant 0 : i32
    %c0_i32_0 = arith.constant 0 : i32
    %c0_i32_1 = arith.constant 0 : i32
    return %c0_i32, %c0_i32_0 : i32, i32
  }
  func.func @transform_2(%arg0: i32) -> (i32, i32) {
    %c0_i32 = arith.constant 0 : i32
    %c0_i32_0 = arith.constant 0 : i32
    %c0_i32_1 = arith.constant 0 : i32
    return %c0_i32, %c0_i32_0 : i32, i32
  }
  func.func @transform_3(%arg0: i32) -> (i32, i32) {
    %c0_i32 = arith.constant 0 : i32
    %c0_i32_0 = arith.constant 0 : i32
    %c0_i32_1 = arith.constant 0 : i32
    return %c0_i32, %c0_i32_0 : i32, i32
  }
  func.func @transform_4(%arg0: i32) -> (i32, i32) {
    %c0_i32 = arith.constant 0 : i32
    %c0_i32_0 = arith.constant 0 : i32
    return %arg0, %c0_i32 : i32, i32
  }
  func.func @transform_5(%arg0: i32) -> (i32, i32) {
    %c0_i32 = arith.constant 0 : i32
    %c0_i32_0 = arith.constant 0 : i32
    return %c0_i32, %arg0 : i32, i32
  }
  func.func @transform_6(%arg0: i32) -> (i32, i32) {
    %c0_i32 = arith.constant 0 : i32
    %c0_i32_0 = arith.constant 0 : i32
    return %arg0, %c0_i32 : i32, i32
  }
}

module attributes {stable_mosaic.version = 14 : i64} {
  func.func @_layer1_body(%arg0: i32, %arg1: memref<256x2048xf32, #tpu.memory_space<vmem>>, %arg2: memref<4x2048xf32, #tpu.memory_space<vmem>>, %arg3: memref<2048x4xf32, #tpu.memory_space<vmem>>, %arg4: memref<2048x256xf32, #tpu.memory_space<vmem>>, %arg5: memref<256x16xf32, #tpu.memory_space<vmem>>, %arg6: memref<1x16xf32, #tpu.memory_space<vmem>>, %arg7: memref<16x1xf32, #tpu.memory_space<vmem>>, %arg8: memref<1x256xf32, #tpu.memory_space<vmem>>, %arg9: memref<256x16xf32, #tpu.memory_space<vmem>>, %arg10: memref<1x256xf32, #tpu.memory_space<vmem>>, %arg11: memref<256x1xf32, #tpu.memory_space<vmem>>) attributes {dimension_semantics = [#tpu.dimension_semantics<arbitrary>], iteration_bounds = array<i64: 8>, scalar_prefetch = 0 : i64, scratch_operands = 0 : i64, tpu.core_type = #tpu.core_type<tc>, window_params = [{transform_indices = @transform_0, window_bounds = array<i64: 256, 2048>}, {pipeline_mode = #tpu.pipeline_mode<synchronous>, transform_indices = @transform_1, window_bounds = array<i64: 4, 2048>}, {pipeline_mode = #tpu.pipeline_mode<synchronous>, transform_indices = @transform_2, window_bounds = array<i64: 2048, 4>}, {pipeline_mode = #tpu.pipeline_mode<synchronous>, transform_indices = @transform_3, window_bounds = array<i64: 2048, 256>}, {pipeline_mode = #tpu.pipeline_mode<synchronous>, transform_indices = @transform_4, window_bounds = array<i64: 256, 16>}, {pipeline_mode = #tpu.pipeline_mode<synchronous>, transform_indices = @transform_5, window_bounds = array<i64: 1, 16>}, {pipeline_mode = #tpu.pipeline_mode<synchronous>, transform_indices = @transform_6, window_bounds = array<i64: 16, 1>}, {pipeline_mode = #tpu.pipeline_mode<synchronous>, transform_indices = @transform_7, window_bounds = array<i64: 1, 256>}, {transform_indices = @transform_8, window_bounds = array<i64: 256, 16>}, {transform_indices = @transform_9, window_bounds = array<i64: 1, 256>}, {transform_indices = @transform_10, window_bounds = array<i64: 256, 1>}]} {
    %get3A = arith.constant 0 : index
    %get3A_0 = arith.constant 0 : index
    %get3A_1 = vector.load %arg2[%get3A, %get3A_0] : memref<4x2048xf32, #tpu.memory_space<vmem>>, vector<4x2048xf32>
    %reduce_max3A = arith.constant dense<0xFF800000> : vector<4xf32>
    %reduce_max3A_2 = vector.multi_reduction <maximumf>, %get3A_1, %reduce_max3A [1] : vector<4x2048xf32> to vector<4xf32>
    %get3A_3 = arith.constant 0 : index
    %get3A_4 = arith.constant 0 : index
    %get3A_5 = vector.load %arg3[%get3A_3, %get3A_4] : memref<2048x4xf32, #tpu.memory_space<vmem>>, vector<2048x4xf32>
    %reduce_max3A_6 = arith.constant dense<0xFF800000> : vector<4xf32>
    %reduce_max3A_7 = vector.multi_reduction <maximumf>, %get3A_5, %reduce_max3A_6 [0] : vector<2048x4xf32> to vector<4xf32>
    %add3A = arith.addf %reduce_max3A_2, %reduce_max3A_7 : vector<4xf32>
    %ge3A = arith.constant 0.000000e+00 : f32
    %ge3A_8 = vector.broadcast %ge3A : f32 to vector<4xf32>
    %ge3A_9 = arith.cmpf oge, %add3A, %ge3A_8 : vector<4xf32>
    %mul3A = arith.constant 2.000000e-01 : f32
    %mul3A_10 = vector.broadcast %mul3A : f32 to vector<4xf32>
    %mul3A_11 = arith.mulf %mul3A_10, %add3A : vector<4xf32>
    %select_n3A = arith.select %ge3A_9, %add3A, %mul3A_11 : vector<4xi1>, vector<4xf32>
    %mul3A_12 = arith.constant 256 : i32
    %mul3A_13 = arith.muli %arg0, %mul3A_12 : i32
    %get3A_14 = arith.index_cast %mul3A_13 : i32 to index
    %get3A_15 = arith.constant 0 : index
    %get3A_16 = vector.load %arg3[%get3A_14, %get3A_15] : memref<2048x4xf32, #tpu.memory_space<vmem>>, vector<256x4xf32>
    %get3A_17 = arith.constant 0 : index
    %get3A_18 = arith.constant 0 : index
    %get3A_19 = vector.load %arg1[%get3A_17, %get3A_18] : memref<256x2048xf32, #tpu.memory_space<vmem>>, vector<256x2048xf32>
    %get3A_20 = arith.constant 0 : index
    %get3A_21 = arith.constant 0 : index
    %get3A_22 = vector.load %arg2[%get3A_20, %get3A_21] : memref<4x2048xf32, #tpu.memory_space<vmem>>, vector<1x2048xf32>
    %slice3A = vector.extract_strided_slice %get3A_16 {offsets = [0, 0], sizes = [256, 1], strides = [1, 1]} : vector<256x4xf32> to vector<256x1xf32>
    %add3A_23 = vector.broadcast %get3A_22 : vector<1x2048xf32> to vector<256x2048xf32>
    %add3A_24 = vector.broadcast %slice3A : vector<256x1xf32> to vector<256x2048xf32>
    %add3A_25 = arith.addf %add3A_23, %add3A_24 : vector<256x2048xf32>
    %ge3A_26 = arith.constant 0.000000e+00 : f32
    %ge3A_27 = vector.broadcast %ge3A_26 : f32 to vector<256x2048xf32>
    %ge3A_28 = arith.cmpf oge, %add3A_25, %ge3A_27 : vector<256x2048xf32>
    %mul3A_29 = arith.constant 2.000000e-01 : f32
    %mul3A_30 = vector.broadcast %mul3A_29 : f32 to vector<256x2048xf32>
    %mul3A_31 = arith.mulf %mul3A_30, %add3A_25 : vector<256x2048xf32>
    %select_n3A_32 = arith.select %ge3A_28, %add3A_25, %mul3A_31 : vector<256x2048xi1>, vector<256x2048xf32>
    %slice3A_33 = vector.extract_strided_slice %select_n3A {offsets = [0], sizes = [1], strides = [1]} : vector<4xf32> to vector<1xf32>
    %squeeze3A = vector.extract %slice3A_33[0] : f32 from vector<1xf32>
    %sub3A = vector.broadcast %squeeze3A : f32 to vector<256x2048xf32>
    %sub3A_34 = arith.subf %select_n3A_32, %sub3A : vector<256x2048xf32>
    %exp3A = math.exp %sub3A_34 : vector<256x2048xf32>
    %mul3A_35 = arith.mulf %get3A_19, %exp3A : vector<256x2048xf32>
    %reduce_sum3A = arith.constant dense<0.000000e+00> : vector<256xf32>
    %reduce_sum3A_36 = vector.multi_reduction <add>, %mul3A_35, %reduce_sum3A [1] : vector<256x2048xf32> to vector<256xf32>
    %broadcast_in_dim3A = vector.shape_cast %reduce_sum3A_36 : vector<256xf32> to vector<256x1xf32>
    %get3A_37 = arith.constant 0 : index
    %get3A_38 = arith.constant 0 : index
    %get3A_39 = vector.load %arg4[%get3A_37, %get3A_38] : memref<2048x256xf32, #tpu.memory_space<vmem>>, vector<2048x64xf32>
    %dot_general3A = arith.constant dense<0.000000e+00> : vector<256x64xf32>
    %dot_general3A_40 = tpu.matmul %mul3A_35, %get3A_39, %dot_general3A {dimension_numbers = #tpu.dot_dimension_numbers<[1], [0], [0], [1], [0, 0, 1, 1], [], []>, transpose_lhs_hint = false} : vector<256x2048xf32>, vector<2048x64xf32>, vector<256x64xf32> -> vector<256x64xf32>
    %div3A = vector.broadcast %broadcast_in_dim3A : vector<256x1xf32> to vector<256x64xf32>
    %div3A_41 = arith.divf %dot_general3A_40, %div3A : vector<256x64xf32>
    %get3A_42 = arith.constant 0 : index
    %get3A_43 = arith.constant 0 : index
    %get3A_44 = vector.load %arg8[%get3A_42, %get3A_43] : memref<1x256xf32, #tpu.memory_space<vmem>>, vector<1x64xf32>
    %add3A_45 = vector.broadcast %get3A_44 : vector<1x64xf32> to vector<256x64xf32>
    %add3A_46 = arith.addf %div3A_41, %add3A_45 : vector<256x64xf32>
    %max3A = arith.constant 0.000000e+00 : f32
    %max3A_47 = vector.broadcast %max3A : f32 to vector<256x64xf32>
    %max3A_48 = arith.maximumf %add3A_46, %max3A_47 : vector<256x64xf32>
    %get3A_49 = arith.constant 1 : index
    %get3A_50 = arith.constant 0 : index
    %get3A_51 = vector.load %arg2[%get3A_49, %get3A_50] : memref<4x2048xf32, #tpu.memory_space<vmem>>, vector<1x2048xf32>
    %slice3A_52 = vector.extract_strided_slice %get3A_16 {offsets = [0, 1], sizes = [256, 1], strides = [1, 1]} : vector<256x4xf32> to vector<256x1xf32>
    %add3A_53 = vector.broadcast %get3A_51 : vector<1x2048xf32> to vector<256x2048xf32>
    %add3A_54 = vector.broadcast %slice3A_52 : vector<256x1xf32> to vector<256x2048xf32>
    %add3A_55 = arith.addf %add3A_53, %add3A_54 : vector<256x2048xf32>
    %ge3A_56 = arith.constant 0.000000e+00 : f32
    %ge3A_57 = vector.broadcast %ge3A_56 : f32 to vector<256x2048xf32>
    %ge3A_58 = arith.cmpf oge, %add3A_55, %ge3A_57 : vector<256x2048xf32>
    %mul3A_59 = arith.constant 2.000000e-01 : f32
    %mul3A_60 = vector.broadcast %mul3A_59 : f32 to vector<256x2048xf32>
    %mul3A_61 = arith.mulf %mul3A_60, %add3A_55 : vector<256x2048xf32>
    %select_n3A_62 = arith.select %ge3A_58, %add3A_55, %mul3A_61 : vector<256x2048xi1>, vector<256x2048xf32>
    %slice3A_63 = vector.extract_strided_slice %select_n3A {offsets = [1], sizes = [1], strides = [1]} : vector<4xf32> to vector<1xf32>
    %squeeze3A_64 = vector.extract %slice3A_63[0] : f32 from vector<1xf32>
    %sub3A_65 = vector.broadcast %squeeze3A_64 : f32 to vector<256x2048xf32>
    %sub3A_66 = arith.subf %select_n3A_62, %sub3A_65 : vector<256x2048xf32>
    %exp3A_67 = math.exp %sub3A_66 : vector<256x2048xf32>
    %mul3A_68 = arith.mulf %get3A_19, %exp3A_67 : vector<256x2048xf32>
    %reduce_sum3A_69 = arith.constant dense<0.000000e+00> : vector<256xf32>
    %reduce_sum3A_70 = vector.multi_reduction <add>, %mul3A_68, %reduce_sum3A_69 [1] : vector<256x2048xf32> to vector<256xf32>
    %broadcast_in_dim3A_71 = vector.shape_cast %reduce_sum3A_70 : vector<256xf32> to vector<256x1xf32>
    %get3A_72 = arith.constant 0 : index
    %get3A_73 = arith.constant 64 : index
    %get3A_74 = vector.load %arg4[%get3A_72, %get3A_73] : memref<2048x256xf32, #tpu.memory_space<vmem>>, vector<2048x64xf32>
    %dot_general3A_75 = arith.constant dense<0.000000e+00> : vector<256x64xf32>
    %dot_general3A_76 = tpu.matmul %mul3A_68, %get3A_74, %dot_general3A_75 {dimension_numbers = #tpu.dot_dimension_numbers<[1], [0], [0], [1], [0, 0, 1, 1], [], []>, transpose_lhs_hint = false} : vector<256x2048xf32>, vector<2048x64xf32>, vector<256x64xf32> -> vector<256x64xf32>
    %div3A_77 = vector.broadcast %broadcast_in_dim3A_71 : vector<256x1xf32> to vector<256x64xf32>
    %div3A_78 = arith.divf %dot_general3A_76, %div3A_77 : vector<256x64xf32>
    %get3A_79 = arith.constant 0 : index
    %get3A_80 = arith.constant 64 : index
    %get3A_81 = vector.load %arg8[%get3A_79, %get3A_80] : memref<1x256xf32, #tpu.memory_space<vmem>>, vector<1x64xf32>
    %add3A_82 = vector.broadcast %get3A_81 : vector<1x64xf32> to vector<256x64xf32>
    %add3A_83 = arith.addf %div3A_78, %add3A_82 : vector<256x64xf32>
    %max3A_84 = arith.constant 0.000000e+00 : f32
    %max3A_85 = vector.broadcast %max3A_84 : f32 to vector<256x64xf32>
    %max3A_86 = arith.maximumf %add3A_83, %max3A_85 : vector<256x64xf32>
    %get3A_87 = arith.constant 2 : index
    %get3A_88 = arith.constant 0 : index
    %get3A_89 = vector.load %arg2[%get3A_87, %get3A_88] : memref<4x2048xf32, #tpu.memory_space<vmem>>, vector<1x2048xf32>
    %slice3A_90 = vector.extract_strided_slice %get3A_16 {offsets = [0, 2], sizes = [256, 1], strides = [1, 1]} : vector<256x4xf32> to vector<256x1xf32>
    %add3A_91 = vector.broadcast %get3A_89 : vector<1x2048xf32> to vector<256x2048xf32>
    %add3A_92 = vector.broadcast %slice3A_90 : vector<256x1xf32> to vector<256x2048xf32>
    %add3A_93 = arith.addf %add3A_91, %add3A_92 : vector<256x2048xf32>
    %ge3A_94 = arith.constant 0.000000e+00 : f32
    %ge3A_95 = vector.broadcast %ge3A_94 : f32 to vector<256x2048xf32>
    %ge3A_96 = arith.cmpf oge, %add3A_93, %ge3A_95 : vector<256x2048xf32>
    %mul3A_97 = arith.constant 2.000000e-01 : f32
    %mul3A_98 = vector.broadcast %mul3A_97 : f32 to vector<256x2048xf32>
    %mul3A_99 = arith.mulf %mul3A_98, %add3A_93 : vector<256x2048xf32>
    %select_n3A_100 = arith.select %ge3A_96, %add3A_93, %mul3A_99 : vector<256x2048xi1>, vector<256x2048xf32>
    %slice3A_101 = vector.extract_strided_slice %select_n3A {offsets = [2], sizes = [1], strides = [1]} : vector<4xf32> to vector<1xf32>
    %squeeze3A_102 = vector.extract %slice3A_101[0] : f32 from vector<1xf32>
    %sub3A_103 = vector.broadcast %squeeze3A_102 : f32 to vector<256x2048xf32>
    %sub3A_104 = arith.subf %select_n3A_100, %sub3A_103 : vector<256x2048xf32>
    %exp3A_105 = math.exp %sub3A_104 : vector<256x2048xf32>
    %mul3A_106 = arith.mulf %get3A_19, %exp3A_105 : vector<256x2048xf32>
    %reduce_sum3A_107 = arith.constant dense<0.000000e+00> : vector<256xf32>
    %reduce_sum3A_108 = vector.multi_reduction <add>, %mul3A_106, %reduce_sum3A_107 [1] : vector<256x2048xf32> to vector<256xf32>
    %broadcast_in_dim3A_109 = vector.shape_cast %reduce_sum3A_108 : vector<256xf32> to vector<256x1xf32>
    %get3A_110 = arith.constant 0 : index
    %get3A_111 = arith.constant 128 : index
    %get3A_112 = vector.load %arg4[%get3A_110, %get3A_111] : memref<2048x256xf32, #tpu.memory_space<vmem>>, vector<2048x64xf32>
    %dot_general3A_113 = arith.constant dense<0.000000e+00> : vector<256x64xf32>
    %dot_general3A_114 = tpu.matmul %mul3A_106, %get3A_112, %dot_general3A_113 {dimension_numbers = #tpu.dot_dimension_numbers<[1], [0], [0], [1], [0, 0, 1, 1], [], []>, transpose_lhs_hint = false} : vector<256x2048xf32>, vector<2048x64xf32>, vector<256x64xf32> -> vector<256x64xf32>
    %div3A_115 = vector.broadcast %broadcast_in_dim3A_109 : vector<256x1xf32> to vector<256x64xf32>
    %div3A_116 = arith.divf %dot_general3A_114, %div3A_115 : vector<256x64xf32>
    %get3A_117 = arith.constant 0 : index
    %get3A_118 = arith.constant 128 : index
    %get3A_119 = vector.load %arg8[%get3A_117, %get3A_118] : memref<1x256xf32, #tpu.memory_space<vmem>>, vector<1x64xf32>
    %add3A_120 = vector.broadcast %get3A_119 : vector<1x64xf32> to vector<256x64xf32>
    %add3A_121 = arith.addf %div3A_116, %add3A_120 : vector<256x64xf32>
    %max3A_122 = arith.constant 0.000000e+00 : f32
    %max3A_123 = vector.broadcast %max3A_122 : f32 to vector<256x64xf32>
    %max3A_124 = arith.maximumf %add3A_121, %max3A_123 : vector<256x64xf32>
    %get3A_125 = arith.constant 3 : index
    %get3A_126 = arith.constant 0 : index
    %get3A_127 = vector.load %arg2[%get3A_125, %get3A_126] : memref<4x2048xf32, #tpu.memory_space<vmem>>, vector<1x2048xf32>
    %slice3A_128 = vector.extract_strided_slice %get3A_16 {offsets = [0, 3], sizes = [256, 1], strides = [1, 1]} : vector<256x4xf32> to vector<256x1xf32>
    %add3A_129 = vector.broadcast %get3A_127 : vector<1x2048xf32> to vector<256x2048xf32>
    %add3A_130 = vector.broadcast %slice3A_128 : vector<256x1xf32> to vector<256x2048xf32>
    %add3A_131 = arith.addf %add3A_129, %add3A_130 : vector<256x2048xf32>
    %ge3A_132 = arith.constant 0.000000e+00 : f32
    %ge3A_133 = vector.broadcast %ge3A_132 : f32 to vector<256x2048xf32>
    %ge3A_134 = arith.cmpf oge, %add3A_131, %ge3A_133 : vector<256x2048xf32>
    %mul3A_135 = arith.constant 2.000000e-01 : f32
    %mul3A_136 = vector.broadcast %mul3A_135 : f32 to vector<256x2048xf32>
    %mul3A_137 = arith.mulf %mul3A_136, %add3A_131 : vector<256x2048xf32>
    %select_n3A_138 = arith.select %ge3A_134, %add3A_131, %mul3A_137 : vector<256x2048xi1>, vector<256x2048xf32>
    %slice3A_139 = vector.extract_strided_slice %select_n3A {offsets = [3], sizes = [1], strides = [1]} : vector<4xf32> to vector<1xf32>
    %squeeze3A_140 = vector.extract %slice3A_139[0] : f32 from vector<1xf32>
    %sub3A_141 = vector.broadcast %squeeze3A_140 : f32 to vector<256x2048xf32>
    %sub3A_142 = arith.subf %select_n3A_138, %sub3A_141 : vector<256x2048xf32>
    %exp3A_143 = math.exp %sub3A_142 : vector<256x2048xf32>
    %mul3A_144 = arith.mulf %get3A_19, %exp3A_143 : vector<256x2048xf32>
    %reduce_sum3A_145 = arith.constant dense<0.000000e+00> : vector<256xf32>
    %reduce_sum3A_146 = vector.multi_reduction <add>, %mul3A_144, %reduce_sum3A_145 [1] : vector<256x2048xf32> to vector<256xf32>
    %broadcast_in_dim3A_147 = vector.shape_cast %reduce_sum3A_146 : vector<256xf32> to vector<256x1xf32>
    %get3A_148 = arith.constant 0 : index
    %get3A_149 = arith.constant 192 : index
    %get3A_150 = vector.load %arg4[%get3A_148, %get3A_149] : memref<2048x256xf32, #tpu.memory_space<vmem>>, vector<2048x64xf32>
    %dot_general3A_151 = arith.constant dense<0.000000e+00> : vector<256x64xf32>
    %dot_general3A_152 = tpu.matmul %mul3A_144, %get3A_150, %dot_general3A_151 {dimension_numbers = #tpu.dot_dimension_numbers<[1], [0], [0], [1], [0, 0, 1, 1], [], []>, transpose_lhs_hint = false} : vector<256x2048xf32>, vector<2048x64xf32>, vector<256x64xf32> -> vector<256x64xf32>
    %div3A_153 = vector.broadcast %broadcast_in_dim3A_147 : vector<256x1xf32> to vector<256x64xf32>
    %div3A_154 = arith.divf %dot_general3A_152, %div3A_153 : vector<256x64xf32>
    %get3A_155 = arith.constant 0 : index
    %get3A_156 = arith.constant 192 : index
    %get3A_157 = vector.load %arg8[%get3A_155, %get3A_156] : memref<1x256xf32, #tpu.memory_space<vmem>>, vector<1x64xf32>
    %add3A_158 = vector.broadcast %get3A_157 : vector<1x64xf32> to vector<256x64xf32>
    %add3A_159 = arith.addf %div3A_154, %add3A_158 : vector<256x64xf32>
    %max3A_160 = arith.constant 0.000000e+00 : f32
    %max3A_161 = vector.broadcast %max3A_160 : f32 to vector<256x64xf32>
    %max3A_162 = arith.maximumf %add3A_159, %max3A_161 : vector<256x64xf32>
    %concatenate3A = tpu.concatenate %max3A_48, %max3A_86, %max3A_124, %max3A_162 in 1 : vector<256x64xf32>, vector<256x64xf32>, vector<256x64xf32>, vector<256x64xf32> -> vector<256x256xf32>
    %get3A_163 = arith.constant 0 : index
    %get3A_164 = arith.constant 0 : index
    %get3A_165 = vector.load %arg5[%get3A_163, %get3A_164] : memref<256x16xf32, #tpu.memory_space<vmem>>, vector<256x16xf32>
    %dot_general3A_166 = arith.constant dense<0.000000e+00> : vector<256x16xf32>
    %dot_general3A_167 = tpu.matmul %concatenate3A, %get3A_165, %dot_general3A_166 {dimension_numbers = #tpu.dot_dimension_numbers<[1], [0], [0], [1], [0, 0, 1, 1], [], []>, transpose_lhs_hint = false} : vector<256x256xf32>, vector<256x16xf32>, vector<256x16xf32> -> vector<256x16xf32>
    %swap3A = arith.constant 0 : index
    %swap3A_168 = arith.constant 0 : index
    %swap3A_169 = vector.load %arg9[%swap3A, %swap3A_168] : memref<256x16xf32, #tpu.memory_space<vmem>>, vector<256x16xf32>
    tpu.vector_store %arg9[%swap3A, %swap3A_168], %dot_general3A_167 {strides = array<i32>} : memref<256x16xf32, #tpu.memory_space<vmem>>, vector<256x16xf32>,
    %get3A_170 = arith.constant 0 : index
    %get3A_171 = arith.constant 0 : index
    %get3A_172 = vector.load %arg6[%get3A_170, %get3A_171] : memref<1x16xf32, #tpu.memory_space<vmem>>, vector<1x16xf32>
    %dot_general3A_173 = arith.constant dense<0.000000e+00> : vector<1x256xf32>
    %dot_general3A_174 = tpu.matmul %get3A_172, %dot_general3A_167, %dot_general3A_173 {dimension_numbers = #tpu.dot_dimension_numbers<[1], [1], [0], [0], [0, 0, 1, 0], [], []>, transpose_lhs_hint = false} : vector<1x16xf32>, vector<256x16xf32>, vector<1x256xf32> -> vector<1x256xf32>
    %swap3A_175 = arith.constant 0 : index
    %swap3A_176 = arith.constant 0 : index
    %swap3A_177 = vector.load %arg10[%swap3A_175, %swap3A_176] : memref<1x256xf32, #tpu.memory_space<vmem>>, vector<1x256xf32>
    tpu.vector_store %arg10[%swap3A_175, %swap3A_176], %dot_general3A_174 {strides = array<i32>} : memref<1x256xf32, #tpu.memory_space<vmem>>, vector<1x256xf32>,
    %get3A_178 = arith.constant 0 : index
    %get3A_179 = arith.constant 0 : index
    %get3A_180 = vector.load %arg7[%get3A_178, %get3A_179] : memref<16x1xf32, #tpu.memory_space<vmem>>, vector<16x1xf32>
    %dot_general3A_181 = arith.constant dense<0.000000e+00> : vector<256x1xf32>
    %dot_general3A_182 = tpu.matmul %dot_general3A_167, %get3A_180, %dot_general3A_181 {dimension_numbers = #tpu.dot_dimension_numbers<[1], [0], [0], [1], [0, 0, 1, 1], [], []>, transpose_lhs_hint = false} : vector<256x16xf32>, vector<16x1xf32>, vector<256x1xf32> -> vector<256x1xf32>
    %swap3A_183 = arith.constant 0 : index
    %swap3A_184 = arith.constant 0 : index
    %swap3A_185 = vector.load %arg11[%swap3A_183, %swap3A_184] : memref<256x1xf32, #tpu.memory_space<vmem>>, vector<256x1xf32>
    tpu.vector_store %arg11[%swap3A_183, %swap3A_184], %dot_general3A_182 {strides = array<i32>} : memref<256x1xf32, #tpu.memory_space<vmem>>, vector<256x1xf32>,
    return
  }
  func.func @transform_0(%arg0: i32) -> (i32, i32) {
    %c0_i32 = arith.constant 0 : i32
    %c0_i32_0 = arith.constant 0 : i32
    return %arg0, %c0_i32 : i32, i32
  }
  func.func @transform_1(%arg0: i32) -> (i32, i32) {
    %c0_i32 = arith.constant 0 : i32
    %c0_i32_0 = arith.constant 0 : i32
    %c0_i32_1 = arith.constant 0 : i32
    return %c0_i32, %c0_i32_0 : i32, i32
  }
  func.func @transform_2(%arg0: i32) -> (i32, i32) {
    %c0_i32 = arith.constant 0 : i32
    %c0_i32_0 = arith.constant 0 : i32
    %c0_i32_1 = arith.constant 0 : i32
    return %c0_i32, %c0_i32_0 : i32, i32
  }
  func.func @transform_3(%arg0: i32) -> (i32, i32) {
    %c0_i32 = arith.constant 0 : i32
    %c0_i32_0 = arith.constant 0 : i32
    %c0_i32_1 = arith.constant 0 : i32
    return %c0_i32, %c0_i32_0 : i32, i32
  }
  func.func @transform_4(%arg0: i32) -> (i32, i32) {
    %c0_i32 = arith.constant 0 : i32
    %c0_i32_0 = arith.constant 0 : i32
    %c0_i32_1 = arith.constant 0 : i32
    return %c0_i32, %c0_i32_0 : i32, i32
  }
  func.func @transform_5(%arg0: i32) -> (i32, i32) {
    %c0_i32 = arith.constant 0 : i32
    %c0_i32_0 = arith.constant 0 : i32
    %c0_i32_1 = arith.constant 0 : i32
    return %c0_i32, %c0_i32_0 : i32, i32
  }
  func.func @transform_6(%arg0: i32) -> (i32, i32) {
    %c0_i32 = arith.constant 0 : i32
    %c0_i32_0 = arith.constant 0 : i32
    %c0_i32_1 = arith.constant 0 : i32
    return %c0_i32, %c0_i32_0 : i32, i32
  }
  func.func @transform_7(%arg0: i32) -> (i32, i32) {
    %c0_i32 = arith.constant 0 : i32
    %c0_i32_0 = arith.constant 0 : i32
    %c0_i32_1 = arith.constant 0 : i32
    return %c0_i32, %c0_i32_0 : i32, i32
  }
  func.func @transform_8(%arg0: i32) -> (i32, i32) {
    %c0_i32 = arith.constant 0 : i32
    %c0_i32_0 = arith.constant 0 : i32
    return %arg0, %c0_i32 : i32, i32
  }
  func.func @transform_9(%arg0: i32) -> (i32, i32) {
    %c0_i32 = arith.constant 0 : i32
    %c0_i32_0 = arith.constant 0 : i32
    return %c0_i32, %arg0 : i32, i32
  }
  func.func @transform_10(%arg0: i32) -> (i32, i32) {
    %c0_i32 = arith.constant 0 : i32
    %c0_i32_0 = arith.constant 0 : i32
    return %arg0, %c0_i32 : i32, i32
  }
}

module attributes {stable_mosaic.version = 14 : i64} {
  func.func @_layer2_body(%arg0: i32, %arg1: memref<256x2048xf32, #tpu.memory_space<vmem>>, %arg2: memref<2048x16xf32, #tpu.memory_space<vmem>>, %arg3: memref<1x2048xf32, #tpu.memory_space<vmem>>, %arg4: memref<2048x1xf32, #tpu.memory_space<vmem>>, %arg5: memref<1x16xf32, #tpu.memory_space<vmem>>, %arg6: memref<256x16xf32, #tpu.memory_space<vmem>>) attributes {dimension_semantics = [#tpu.dimension_semantics<arbitrary>], iteration_bounds = array<i64: 8>, scalar_prefetch = 0 : i64, scratch_operands = 0 : i64, tpu.core_type = #tpu.core_type<tc>, window_params = [{transform_indices = @transform_0, window_bounds = array<i64: 256, 2048>}, {pipeline_mode = #tpu.pipeline_mode<synchronous>, transform_indices = @transform_1, window_bounds = array<i64: 2048, 16>}, {pipeline_mode = #tpu.pipeline_mode<synchronous>, transform_indices = @transform_2, window_bounds = array<i64: 1, 2048>}, {pipeline_mode = #tpu.pipeline_mode<synchronous>, transform_indices = @transform_3, window_bounds = array<i64: 2048, 1>}, {pipeline_mode = #tpu.pipeline_mode<synchronous>, transform_indices = @transform_4, window_bounds = array<i64: 1, 16>}, {transform_indices = @transform_5, window_bounds = array<i64: 256, 16>}]} {
    %get3A = arith.constant 0 : index
    %get3A_0 = arith.constant 0 : index
    %get3A_1 = vector.load %arg3[%get3A, %get3A_0] : memref<1x2048xf32, #tpu.memory_space<vmem>>, vector<1x2048xf32>
    %reduce_max3A = vector.shape_cast %get3A_1 : vector<1x2048xf32> to vector<1x1x2048xf32>
    %reduce_max3A_2 = arith.constant dense<0xFF800000> : vector<1xf32>
    %reduce_max3A_3 = vector.multi_reduction <maximumf>, %reduce_max3A, %reduce_max3A_2 [1, 2] : vector<1x1x2048xf32> to vector<1xf32>
    %reduce_max3A_4 = vector.shape_cast %reduce_max3A_3 : vector<1xf32> to vector<1x1x1xf32>
    %reduce_max3A_5 = vector.extract %reduce_max3A_4[0, 0, 0] : f32 from vector<1x1x1xf32>
    %get3A_6 = arith.constant 0 : index
    %get3A_7 = arith.constant 0 : index
    %get3A_8 = vector.load %arg4[%get3A_6, %get3A_7] : memref<2048x1xf32, #tpu.memory_space<vmem>>, vector<2048x1xf32>
    %reduce_max3A_9 = vector.shape_cast %get3A_8 : vector<2048x1xf32> to vector<1x2048x1xf32>
    %reduce_max3A_10 = arith.constant dense<0xFF800000> : vector<1xf32>
    %reduce_max3A_11 = vector.multi_reduction <maximumf>, %reduce_max3A_9, %reduce_max3A_10 [1, 2] : vector<1x2048x1xf32> to vector<1xf32>
    %reduce_max3A_12 = vector.shape_cast %reduce_max3A_11 : vector<1xf32> to vector<1x1x1xf32>
    %reduce_max3A_13 = vector.extract %reduce_max3A_12[0, 0, 0] : f32 from vector<1x1x1xf32>
    %add3A = arith.addf %reduce_max3A_5, %reduce_max3A_13 : f32
    %ge3A = arith.constant 0.000000e+00 : f32
    %ge3A_14 = arith.cmpf oge, %add3A, %ge3A : f32
    %mul3A = arith.constant 2.000000e-01 : f32
    %mul3A_15 = arith.mulf %mul3A, %add3A : f32
    %select_n3A = arith.select %ge3A_14, %add3A, %mul3A_15 : f32
    %get3A_16 = arith.constant 0 : index
    %get3A_17 = arith.constant 0 : index
    %get3A_18 = vector.load %arg3[%get3A_16, %get3A_17] : memref<1x2048xf32, #tpu.memory_space<vmem>>, vector<1x2048xf32>
    %mul3A_19 = arith.constant 256 : i32
    %mul3A_20 = arith.muli %arg0, %mul3A_19 : i32
    %get3A_21 = arith.index_cast %mul3A_20 : i32 to index
    %get3A_22 = arith.constant 0 : index
    %get3A_23 = vector.load %arg4[%get3A_21, %get3A_22] : memref<2048x1xf32, #tpu.memory_space<vmem>>, vector<256x1xf32>
    %add3A_24 = vector.broadcast %get3A_18 : vector<1x2048xf32> to vector<256x2048xf32>
    %add3A_25 = vector.broadcast %get3A_23 : vector<256x1xf32> to vector<256x2048xf32>
    %add3A_26 = arith.addf %add3A_24, %add3A_25 : vector<256x2048xf32>
    %get3A_27 = arith.constant 0 : index
    %get3A_28 = arith.constant 0 : index
    %get3A_29 = vector.load %arg1[%get3A_27, %get3A_28] : memref<256x2048xf32, #tpu.memory_space<vmem>>, vector<256x2048xf32>
    %ge3A_30 = arith.constant 0.000000e+00 : f32
    %ge3A_31 = vector.broadcast %ge3A_30 : f32 to vector<256x2048xf32>
    %ge3A_32 = arith.cmpf oge, %add3A_26, %ge3A_31 : vector<256x2048xf32>
    %mul3A_33 = arith.constant 2.000000e-01 : f32
    %mul3A_34 = vector.broadcast %mul3A_33 : f32 to vector<256x2048xf32>
    %mul3A_35 = arith.mulf %mul3A_34, %add3A_26 : vector<256x2048xf32>
    %select_n3A_36 = arith.select %ge3A_32, %add3A_26, %mul3A_35 : vector<256x2048xi1>, vector<256x2048xf32>
    %sub3A = vector.broadcast %select_n3A : f32 to vector<256x2048xf32>
    %sub3A_37 = arith.subf %select_n3A_36, %sub3A : vector<256x2048xf32>
    %exp3A = math.exp %sub3A_37 : vector<256x2048xf32>
    %mul3A_38 = arith.mulf %get3A_29, %exp3A : vector<256x2048xf32>
    %reduce_sum3A = arith.constant dense<0.000000e+00> : vector<256xf32>
    %reduce_sum3A_39 = vector.multi_reduction <add>, %mul3A_38, %reduce_sum3A [1] : vector<256x2048xf32> to vector<256xf32>
    %broadcast_in_dim3A = vector.shape_cast %reduce_sum3A_39 : vector<256xf32> to vector<256x1xf32>
    %get3A_40 = arith.constant 0 : index
    %get3A_41 = arith.constant 0 : index
    %get3A_42 = vector.load %arg2[%get3A_40, %get3A_41] : memref<2048x16xf32, #tpu.memory_space<vmem>>, vector<2048x16xf32>
    %dot_general3A = arith.constant dense<0.000000e+00> : vector<256x16xf32>
    %dot_general3A_43 = tpu.matmul %mul3A_38, %get3A_42, %dot_general3A {dimension_numbers = #tpu.dot_dimension_numbers<[1], [0], [0], [1], [0, 0, 1, 1], [], []>, transpose_lhs_hint = false} : vector<256x2048xf32>, vector<2048x16xf32>, vector<256x16xf32> -> vector<256x16xf32>
    %div3A = vector.broadcast %broadcast_in_dim3A : vector<256x1xf32> to vector<256x16xf32>
    %div3A_44 = arith.divf %dot_general3A_43, %div3A : vector<256x16xf32>
    %get3A_45 = arith.constant 0 : index
    %get3A_46 = arith.constant 0 : index
    %get3A_47 = vector.load %arg5[%get3A_45, %get3A_46] : memref<1x16xf32, #tpu.memory_space<vmem>>, vector<1x16xf32>
    %add3A_48 = vector.broadcast %get3A_47 : vector<1x16xf32> to vector<256x16xf32>
    %add3A_49 = arith.addf %div3A_44, %add3A_48 : vector<256x16xf32>
    %swap3A = arith.constant 0 : index
    %swap3A_50 = arith.constant 0 : index
    %swap3A_51 = vector.load %arg6[%swap3A, %swap3A_50] : memref<256x16xf32, #tpu.memory_space<vmem>>, vector<256x16xf32>
    tpu.vector_store %arg6[%swap3A, %swap3A_50], %add3A_49 {strides = array<i32>} : memref<256x16xf32, #tpu.memory_space<vmem>>, vector<256x16xf32>,
    return
  }
  func.func @transform_0(%arg0: i32) -> (i32, i32) {
    %c0_i32 = arith.constant 0 : i32
    %c0_i32_0 = arith.constant 0 : i32
    return %arg0, %c0_i32 : i32, i32
  }
  func.func @transform_1(%arg0: i32) -> (i32, i32) {
    %c0_i32 = arith.constant 0 : i32
    %c0_i32_0 = arith.constant 0 : i32
    %c0_i32_1 = arith.constant 0 : i32
    return %c0_i32, %c0_i32_0 : i32, i32
  }
  func.func @transform_2(%arg0: i32) -> (i32, i32) {
    %c0_i32 = arith.constant 0 : i32
    %c0_i32_0 = arith.constant 0 : i32
    %c0_i32_1 = arith.constant 0 : i32
    return %c0_i32, %c0_i32_0 : i32, i32
  }
  func.func @transform_3(%arg0: i32) -> (i32, i32) {
    %c0_i32 = arith.constant 0 : i32
    %c0_i32_0 = arith.constant 0 : i32
    %c0_i32_1 = arith.constant 0 : i32
    return %c0_i32, %c0_i32_0 : i32, i32
  }
  func.func @transform_4(%arg0: i32) -> (i32, i32) {
    %c0_i32 = arith.constant 0 : i32
    %c0_i32_0 = arith.constant 0 : i32
    %c0_i32_1 = arith.constant 0 : i32
    return %c0_i32, %c0_i32_0 : i32, i32
  }
  func.func @transform_5(%arg0: i32) -> (i32, i32) {
    %c0_i32 = arith.constant 0 : i32
    %c0_i32_0 = arith.constant 0 : i32
    return %arg0, %c0_i32 : i32, i32
  }
}

module attributes {stable_mosaic.version = 14 : i64} {
  func.func @_vae_body(%arg0: memref<2048x16xf32, #tpu.memory_space<vmem>>, %arg1: memref<16x16xf32, #tpu.memory_space<vmem>>, %arg2: memref<1x16xf32, #tpu.memory_space<vmem>>, %arg3: memref<16x16xf32, #tpu.memory_space<vmem>>, %arg4: memref<1x16xf32, #tpu.memory_space<vmem>>, %arg5: memref<2048x16xf32, #tpu.memory_space<vmem>>, %arg6: memref<1x16xf32, #tpu.memory_space<vmem>>) attributes {dimension_semantics = [], scalar_prefetch = 0 : i64, scratch_operands = 0 : i64, tpu.core_type = #tpu.core_type<tc>} {
    %get3A = arith.constant 0 : index
    %get3A_0 = arith.constant 0 : index
    %get3A_1 = vector.load %arg0[%get3A, %get3A_0] : memref<2048x16xf32, #tpu.memory_space<vmem>>, vector<2048x16xf32>
    %get3A_2 = arith.constant 0 : index
    %get3A_3 = arith.constant 0 : index
    %get3A_4 = vector.load %arg1[%get3A_2, %get3A_3] : memref<16x16xf32, #tpu.memory_space<vmem>>, vector<16x16xf32>
    %dot_general3A = arith.constant dense<0.000000e+00> : vector<2048x16xf32>
    %dot_general3A_5 = tpu.matmul %get3A_1, %get3A_4, %dot_general3A {dimension_numbers = #tpu.dot_dimension_numbers<[1], [0], [0], [1], [0, 0, 1, 1], [], []>, transpose_lhs_hint = false} : vector<2048x16xf32>, vector<16x16xf32>, vector<2048x16xf32> -> vector<2048x16xf32>
    %get3A_6 = arith.constant 0 : index
    %get3A_7 = arith.constant 0 : index
    %get3A_8 = vector.load %arg2[%get3A_6, %get3A_7] : memref<1x16xf32, #tpu.memory_space<vmem>>, vector<1x16xf32>
    %add3A = vector.broadcast %get3A_8 : vector<1x16xf32> to vector<2048x16xf32>
    %add3A_9 = arith.addf %dot_general3A_5, %add3A : vector<2048x16xf32>
    %get3A_10 = arith.constant 0 : index
    %get3A_11 = arith.constant 0 : index
    %get3A_12 = vector.load %arg3[%get3A_10, %get3A_11] : memref<16x16xf32, #tpu.memory_space<vmem>>, vector<16x16xf32>
    %dot_general3A_13 = arith.constant dense<0.000000e+00> : vector<2048x16xf32>
    %dot_general3A_14 = tpu.matmul %get3A_1, %get3A_12, %dot_general3A_13 {dimension_numbers = #tpu.dot_dimension_numbers<[1], [0], [0], [1], [0, 0, 1, 1], [], []>, transpose_lhs_hint = false} : vector<2048x16xf32>, vector<16x16xf32>, vector<2048x16xf32> -> vector<2048x16xf32>
    %get3A_15 = arith.constant 0 : index
    %get3A_16 = arith.constant 0 : index
    %get3A_17 = vector.load %arg4[%get3A_15, %get3A_16] : memref<1x16xf32, #tpu.memory_space<vmem>>, vector<1x16xf32>
    %add3A_18 = vector.broadcast %get3A_17 : vector<1x16xf32> to vector<2048x16xf32>
    %add3A_19 = arith.addf %dot_general3A_14, %add3A_18 : vector<2048x16xf32>
    %get3A_20 = arith.constant 0 : index
    %get3A_21 = arith.constant 0 : index
    %get3A_22 = vector.load %arg5[%get3A_20, %get3A_21] : memref<2048x16xf32, #tpu.memory_space<vmem>>, vector<2048x16xf32>
    %mul3A = arith.constant 5.000000e-01 : f32
    %mul3A_23 = vector.broadcast %mul3A : f32 to vector<2048x16xf32>
    %mul3A_24 = arith.mulf %mul3A_23, %add3A_19 : vector<2048x16xf32>
    %exp3A = math.exp %mul3A_24 : vector<2048x16xf32>
    %mul3A_25 = arith.mulf %get3A_22, %exp3A : vector<2048x16xf32>
    %add3A_26 = arith.addf %add3A_9, %mul3A_25 : vector<2048x16xf32>
    %reduce_sum3A = arith.constant dense<0.000000e+00> : vector<16xf32>
    %reduce_sum3A_27 = vector.multi_reduction <add>, %add3A_26, %reduce_sum3A [0] : vector<2048x16xf32> to vector<16xf32>
    %broadcast_in_dim3A = vector.shape_cast %reduce_sum3A_27 : vector<16xf32> to vector<1x16xf32>
    %div3A = arith.constant 2.048000e+03 : f32
    %div3A_28 = vector.broadcast %div3A : f32 to vector<1x16xf32>
    %div3A_29 = arith.divf %broadcast_in_dim3A, %div3A_28 : vector<1x16xf32>
    %swap3A = arith.constant 0 : index
    %swap3A_30 = arith.constant 0 : index
    %swap3A_31 = vector.load %arg6[%swap3A, %swap3A_30] : memref<1x16xf32, #tpu.memory_space<vmem>>, vector<1x16xf32>
    tpu.vector_store %arg6[%swap3A, %swap3A_30], %div3A_29 {strides = array<i32>} : memref<1x16xf32, #tpu.memory_space<vmem>>, vector<1x16xf32>,
    return
  }
}

module attributes {stable_mosaic.version = 14 : i64} {
  func.func @_decode_body(%arg0: i32, %arg1: memref<1x16xf32, #tpu.memory_space<vmem>>, %arg2: memref<16x131072xf32, #tpu.memory_space<vmem>>, %arg3: memref<64x2048xf32, #tpu.memory_space<vmem>>, %arg4: memref<64x2048xf32, #tpu.memory_space<vmem>>) attributes {dimension_semantics = [#tpu.dimension_semantics<arbitrary>], iteration_bounds = array<i64: 32>, scalar_prefetch = 0 : i64, scratch_operands = 0 : i64, tpu.core_type = #tpu.core_type<tc>, window_params = [{pipeline_mode = #tpu.pipeline_mode<synchronous>, transform_indices = @transform_0, window_bounds = array<i64: 1, 16>}, {transform_indices = @transform_1, window_bounds = array<i64: 16, 131072>}, {transform_indices = @transform_2, window_bounds = array<i64: 64, 2048>}, {transform_indices = @transform_3, window_bounds = array<i64: 64, 2048>}]} {
    %get3A = arith.constant 0 : index
    %get3A_0 = arith.constant 0 : index
    %get3A_1 = vector.load %arg1[%get3A, %get3A_0] : memref<1x16xf32, #tpu.memory_space<vmem>>, vector<1x16xf32>
    %get3A_2 = arith.constant 0 : index
    %get3A_3 = arith.constant 0 : index
    %get3A_4 = vector.load %arg2[%get3A_2, %get3A_3] : memref<16x131072xf32, #tpu.memory_space<vmem>>, vector<16x131072xf32>
    %dot_general3A = arith.constant dense<0.000000e+00> : vector<1x131072xf32>
    %dot_general3A_5 = tpu.matmul %get3A_1, %get3A_4, %dot_general3A {dimension_numbers = #tpu.dot_dimension_numbers<[1], [0], [0], [1], [0, 0, 1, 1], [], []>, transpose_lhs_hint = false} : vector<1x16xf32>, vector<16x131072xf32>, vector<1x131072xf32> -> vector<1x131072xf32>
    %reshape3A = vector.shape_cast %dot_general3A_5 : vector<1x131072xf32> to vector<64x2048xf32>
    %get3A_6 = arith.constant 0 : index
    %get3A_7 = arith.constant 0 : index
    %get3A_8 = vector.load %arg3[%get3A_6, %get3A_7] : memref<64x2048xf32, #tpu.memory_space<vmem>>, vector<64x2048xf32>
    %add3A = arith.addf %reshape3A, %get3A_8 : vector<64x2048xf32>
    %neg3A = arith.constant 0.000000e+00 : f32
    %neg3A_9 = vector.broadcast %neg3A : f32 to vector<64x2048xf32>
    %neg3A_10 = arith.subf %neg3A_9, %add3A : vector<64x2048xf32>
    %exp3A = math.exp %neg3A_10 : vector<64x2048xf32>
    %add3A_11 = arith.constant 1.000000e+00 : f32
    %add3A_12 = vector.broadcast %add3A_11 : f32 to vector<64x2048xf32>
    %add3A_13 = arith.addf %add3A_12, %exp3A : vector<64x2048xf32>
    %div3A = arith.constant 1.000000e+00 : f32
    %div3A_14 = vector.broadcast %div3A : f32 to vector<64x2048xf32>
    %div3A_15 = arith.divf %div3A_14, %add3A_13 : vector<64x2048xf32>
    %swap3A = arith.constant 0 : index
    %swap3A_16 = arith.constant 0 : index
    %swap3A_17 = vector.load %arg4[%swap3A, %swap3A_16] : memref<64x2048xf32, #tpu.memory_space<vmem>>, vector<64x2048xf32>
    tpu.vector_store %arg4[%swap3A, %swap3A_16], %div3A_15 {strides = array<i32>} : memref<64x2048xf32, #tpu.memory_space<vmem>>, vector<64x2048xf32>,
    return
  }
  func.func @transform_0(%arg0: i32) -> (i32, i32) {
    %c0_i32 = arith.constant 0 : i32
    %c0_i32_0 = arith.constant 0 : i32
    %c0_i32_1 = arith.constant 0 : i32
    return %c0_i32, %c0_i32_0 : i32, i32
  }
  func.func @transform_1(%arg0: i32) -> (i32, i32) {
    %c0_i32 = arith.constant 0 : i32
    %c0_i32_0 = arith.constant 0 : i32
    return %c0_i32, %arg0 : i32, i32
  }
  func.func @transform_2(%arg0: i32) -> (i32, i32) {
    %c0_i32 = arith.constant 0 : i32
    %c0_i32_0 = arith.constant 0 : i32
    return %arg0, %c0_i32 : i32, i32
  }
  func.func @transform_3(%arg0: i32) -> (i32, i32) {
    %c0_i32 = arith.constant 0 : i32
    %c0_i32_0 = arith.constant 0 : i32
    return %arg0, %c0_i32 : i32, i32
  }
}

</mosaic_0001>

<sc_bundles>
// kernel: kernel.8.cloned.1.call-start
scs
__scs_entry_jumppad:
0x0: {  	(pc) =	sbr.rel $0x88, $3  }
0x1: {  	(tag) =	ssettag $0x0;
	lr =	simm.s32 $0x1  }
0x2: {  	[smem:$0x3F91] =	sst lr;
	_ =	strace $0xD0000000  }
0x3: {  	_ = 	snop  }
0x4: {  	_ = 	snop  }
0x5: {  	_ = 	snop  }
0x6: {  	_ = 	snop  }
0x7: {  	_ = 	snop  }
__scs_overlays_trampoline_lowered:
0x8: {  	[smem:$0x3FA0] =	sst s0  }
0x9: {  	[smem:$0x3FA1] =	sst s1  }
0xa: {  	[smem:$0x3FA2] =	sst s2  }
0xb: {  	[smem:$0x3FA3] =	sst s3  }
0xc: {  	[smem:$0x3FA4] =	sst s4  }
0xd: {  	[smem:$0x3FA5] =	sst s5  }
0xe: {  	[smem:$0x3FA6] =	sst s6  }
0xf: {  	[smem:$0x3FA7] =	sst s7  }
0x10: {  	[smem:$0x3FA8] =	sst s8  }
0x11: {  	[smem:$0x3FA9] =	sst s9;
	s0 =	simm.s32 @!p0 $0x0  }
0x12: {  	s1 =	sld [smem:$0x3F8F];
	s0 =	simm.s32 @p0 $0x1  }
0x13: {  	[smem:$0x3FAA] =	sst s0;
	s0 =	simm.s32 @!p1 $0x0  }
0x14: {  	s2 =	sld [smem:$0x3F8E];
	s0 =	simm.s32 @p1 $0x1  }
0x15: {  	[smem:$0x3FAB] =	sst s0;
	s0 =	simm.s32 @!p2 $0x0  }
0x16: {  	s3 =	sld [smem:$0x3FDB];
	s0 =	simm.s32 @p2 $0x1  }
0x17: {  	s4 =	simm.s32 $0x1BF5;
	[smem:$0x3FAD] =	sst s0  }
0x18: {  	s0 =	sld [smem:$0x3F90];
	_ =	swait.ge [sflag:s4], $0x0  }
0x19: {  	s7 =	sld [smem:$0x3F91]  }
0x1a: {  	s8 =	sadd.s32 $0xFFFFE003, lr  }
0x1b: {  	s9 =	sadd.s32 $0xFFFFFEF7, lr;
	s5 =	simm.s32 $0xFFFFFFFF;
	p2 =	slt.u32 s8, $0xFFFFF086  }
0x1c: {  	p1 =	slt.u32 s9, $0xF7A;
	s5 =	simm.s32 @!p2 $0x0  }
0x1d: {  	s5 =	simm.s32 @p1 $0x1;
	p0 =	seq.s32 s7, s2  }
0x1e: {  	s7 =	smul.u32 @!p0 $0xF7A, s2;
	p2 =	seq.s32 @!p0 s5, $0x0  }
0x1f: {  	s9 =	smul.u32 $0xF7A, s1;
	s8 =	simm.s32 @!p0 $0x1BF5;
	p2 =	por !p2, p0  }
0x20: {  	[sflag:s8] =	ssyncset.s32 @!p0 $0xFFFFF086;
	s6 =	sadd.s32 @!p0 s3, s7;
	s7 =	simm.s32 @!p0 $0x108  }
0x21: {  	s3 =	sadd.s32 s3, s9;
	s6 =	sadd.s32 @!p0 $0x88, s6;
	s7 =	simm.s32 @p2 $0x1082  }
0x22: {  	[simem:s7], [sflag:s8] =	dma.local @!p0 [hbm:s6], $0xF7A  }
0x23: {  	s9 =	sor.u32 $0xD0000000, s2;
	s6 =	simm.s32 $0x108;
	_ =	swait.ge @!p0 [sflag:s8], $0x0  }
0x24: {  	s3 =	sadd.s32 $0x88, s3;
	s6 =	simm.s32 @!p1 $0x1082;
	[sflag:s4] =	ssyncset.s32 $0xFFFFF086  }
0x25: {  	[simem:s6], [sflag:s4] =	dma.local [hbm:s3], $0xF7A  }
0x26: {  	[smem:$0x3F91] =	sst s1;
	(tag) =	ssettag s2;
	_ =	strace s9  }
0x27: {  	s1 =	sld [smem:$0x3FA1]  }
0x28: {  	s2 =	sld [smem:$0x3FA2]  }
0x29: {  	s4 =	sld [smem:$0x3FA4]  }
0x2a: {  	p0 =	seq.s32 s5, $0x0;
	s5 =	sld [smem:$0x3FA5]  }
0x2b: {  	s6 =	sld [smem:$0x3FA6]  }
0x2c: {  	s7 =	sld [smem:$0x3FA7]  }
0x2d: {  	s3 =	simm.s32 $0x108;
	s8 =	sld [smem:$0x3FA8]  }
0x2e: {  	s3 =	simm.s32 @!p0 $0x1082;
	s9 =	sld [smem:$0x3FA9]  }
0x2f: {  	lr =	sadd.s32 s0, s3;
	s0 =	sld [smem:$0x3FA0]  }
0x30: {  	s3 =	sld [smem:$0x3FA3]  }
0x31: {  	[smem:$0x3FAC] =	sst s10  }
0x32: {  	s10 =	sld [smem:$0x3FAA];
	_ =	sdelay $0x3  }
0x33: {  	p0 =	seq.s32 s10, $0x1;
	s10 =	sld [smem:$0x3FAC];
	_ =	sdelay $0x3  }
0x34: {  	[smem:$0x3FAC] =	sst s10  }
0x35: {  	s10 =	sld [smem:$0x3FAB];
	_ =	sdelay $0x3  }
0x36: {  	p1 =	seq.s32 s10, $0x1;
	s10 =	sld [smem:$0x3FAC];
	_ =	sdelay $0x3  }
0x37: {  	[smem:$0x3FAC] =	sst s10  }
0x38: {  	s10 =	sld [smem:$0x3FAD]  }
0x39: {  	_ = 	snop;
	(pc) =	sbr.ind lr, $3  }
0x3a: {  	_ = 	snop  }
0x3b: {  	_ = 	snop  }
0x3c: {  	p2 =	seq.s32 s10, $0x1;
	s10 =	sld [smem:$0x3FAC]  }
0x3d: {  	_ =	shalt  }
0x3e: {  	_ =	shalt  }
0x3f: {  	_ =	shalt  }
0x40: {  	_ =	shalt  }
0x41: {  	_ =	shalt  }
0x42: {  	_ =	shalt  }
0x43: {  	_ =	shalt  }
0x44: {  	_ =	shalt  }
0x45: {  	_ =	shalt  }
0x46: {  	_ =	shalt  }
0x47: {  	_ =	shalt  }
0x48: {  	_ =	shalt  }
0x49: {  	_ =	shalt  }
0x4a: {  	_ =	shalt  }
0x4b: {  	_ =	shalt  }
0x4c: {  	_ =	shalt  }
0x4d: {  	_ =	shalt  }
0x4e: {  	_ =	shalt  }
0x4f: {  	_ =	shalt  }
0x50: {  	_ =	shalt  }
0x51: {  	_ =	shalt  }
0x52: {  	_ =	shalt  }
0x53: {  	_ =	shalt  }
0x54: {  	_ =	shalt  }
0x55: {  	_ =	shalt  }
0x56: {  	_ =	shalt  }
0x57: {  	_ =	shalt  }
0x58: {  	_ =	shalt  }
0x59: {  	_ =	shalt  }
0x5a: {  	_ =	shalt  }
0x5b: {  	_ =	shalt  }
0x5c: {  	_ =	shalt  }
0x5d: {  	_ =	shalt  }
0x5e: {  	_ =	shalt  }
0x5f: {  	_ =	shalt  }
0x60: {  	_ =	shalt  }
0x61: {  	_ =	shalt  }
0x62: {  	_ =	shalt  }
0x63: {  	_ =	shalt  }
0x64: {  	_ =	shalt  }
0x65: {  	_ =	shalt  }
0x66: {  	_ =	shalt  }
0x67: {  	_ =	shalt  }
0x68: {  	_ =	shalt  }
0x69: {  	_ =	shalt  }
0x6a: {  	_ =	shalt  }
0x6b: {  	_ =	shalt  }
0x6c: {  	_ =	shalt  }
0x6d: {  	_ =	shalt  }
0x6e: {  	_ =	shalt  }
0x6f: {  	_ =	shalt  }
0x70: {  	_ =	shalt  }
0x71: {  	_ =	shalt  }
0x72: {  	_ =	shalt  }
0x73: {  	_ =	shalt  }
0x74: {  	_ =	shalt  }
0x75: {  	_ =	shalt  }
0x76: {  	_ =	shalt  }
0x77: {  	_ =	shalt  }
0x78: {  	_ =	shalt  }
0x79: {  	_ =	shalt  }
0x7a: {  	_ =	shalt  }
0x7b: {  	_ =	shalt  }
0x7c: {  	_ =	shalt  }
0x7d: {  	_ =	shalt  }
0x7e: {  	_ =	shalt  }
0x7f: {  	_ =	shalt  }
0x80: {  	_ =	shalt  }
0x81: {  	_ =	shalt  }
0x82: {  	_ =	shalt  }
0x83: {  	_ =	shalt  }
0x84: {  	_ =	shalt  }
0x85: {  	_ =	shalt  }
0x86: {  	_ =	shalt  }
0x87: {  	_ =	shalt  }
.Lfunc_end0:
.L_simem_size_0:
called_computation_lowered:
.L_overlay_start_0:
0x88: {  	s2 =	sld [smem:$0x3FD9]  }
0x89: {  	s3 =	sld [smem:$0x3FFE];
	_ =	sdelay $0x1  }
0x8a: {  	s1 =	srdreg.scid  }
0x8b: {  	s0 =	sand.u32 $0x1, s1  }
0x8c: {  	s17 =	sshll.u32 s0, $0xA;
	s2 =	sadd.s32 s3, s2  }
0x8d: {  	s2 =	sadd.s32 s2, s17  }
0x8e: {  	[smem:$0x3FB8] =	sst s2  }
0x8f: {  	_ = 	snop  }
0x90: {  	s2 =	sld [smem:$0x3FD0];
	(tm) =	ssettm $0x1  }
0x91: {  	s18 =	sld [smem:$0x3FFB];
	_ =	sdelay $0x3  }
0x92: {  	_ =	strace s18  }
0x93: {  	s3 =	sld [smem:$0x3FFC];
	_ =	sdelay $0x3  }
0x94: {  	_ =	strace s3  }
0x95: {  	s3 =	sld [smem:$0x3FFD];
	_ =	sdelay $0x3  }
0x96: {  	_ =	strace s3  }
0x97: {  	_ =	strace $0x8FFFFFFF  }
0x98: {  	s19 =	sld [smem:$0x3FDB];
	_ =	sdelay $0x1  }
0x99: {  	s4 =	simm.s32 $_scs_section_size  }
0x9a: {  	s5 =	simm.s32 $_size__tile_overlayer_lowered;
	s6 =	simm.s32 $_tile_overlayer_lowered  }
0x9b: {  	s22 =	simm.s32 $0x1BFF;
	s21 =	sshll.u32 s6, $0x1;
	s3 =	sadd.s32 s4, s19  }
0x9c: {  	s7 =	simm.s32 $0x0;
	s20 =	sshll.u32 s5, $0x1;
	s5 =	sadd.s32 s21, s3  }
0x9d: {  	[timem:s7], [sflag:s22] =	dma.local [hbm:s5], s20  }
0x9e: {  	_ =	swait.ge [sflag:s22], s20  }
0x9f: {  	s4 =	ssub.s32 $0x0, s20;
	[sflag:s22] =	ssyncset.done $0x0  }
0xa0: {  	[sflag:s22] =	ssyncadd.s32 s4;
	_ =	sdelay $0x1  }
0xa1: {  	s23 =	simm.s32 $0x1B8B  }
0xa2: {  	_ =	swait.ge [sflag:s23], $0x1  }
0xa3: {  	[sflag:s23] =	ssyncset.done $0x0  }
0xa4: {  	s25 =	simm.s32 $0x1B8E;
	s24 =	sld [smem:$0x3FFE];
	[sflag:s23] =	ssyncadd.s32 $0xFFFFFFFF  }
0xa5: {  	s26 =	simm.s32 $execute0_lowered;
	[smem:$0x3FD2] =	sst s25  }
0xa6: {  	s5 =	sshll.u32 s26, $0x1;
	_ =	strace $0x80000046;
	[dreg:$0x1] =	wrdreg $0xFFFFFFFF  }
0xa7: {  	s28 =	simm.s32 $_size_execute0_lowered;
	s3 =	sadd.s32 s3, s5;
	[dreg:$0x0] =	wrdreg $0x0  }
0xa8: {  	s5 =	sshll.u32 s28, $0x1;
	[dreg:$0x2] =	wrdreg s3  }
0xa9: {  	[dreg:$0x3] =	wrdreg s5  }
0xaa: {  	[dreg:$0x4] =	wrdreg $0xC0  }
0xab: {  	_ =	task [dreg:s7], $0x5FFFF  }
0xac: {  	[dreg:$0x1] =	wrdreg $0xFFFFFFFF  }
0xad: {  	[dreg:$0x0] =	wrdreg $0x60  }
0xae: {  	[dreg:$0x2] =	wrdreg s24  }
0xaf: {  	[dreg:$0x3] =	wrdreg s2  }
0xb0: {  	[dreg:$0x4] =	wrdreg $0x75800  }
0xb1: {  	[dreg:$0x5] =	wrdreg $0x9  }
0xb2: {  	_ =	task.clear_ibuf [dreg:s7], $0x6FFFF;
	_ =	strace $0x90000046  }
0xb3: {  	s29 =	simm.s32 $0x9;
	_ =	strace $0x80000048  }
0xb4: {  	_ =	swait.ge [sflag:s29], $0x1  }
0xb5: {  	[sflag:s29] =	ssyncadd.s32 $0xFFFFFFFF  }
0xb6: {  	_ =	strace $0x90000048  }
0xb7: {  	_ =	sfence  }
0xb8: {  	s30 =	sld [smem:$0x0];
	_ =	sdelay $0x2  }
0xb9: {  	s31 =	sshll.u32 s1, $0xD;
	s1 =	sshrl.u32 s1, $0x2  }
0xba: {  	s3 =	sand.u32 $0x4000, s31;
	s1 =	sadd.s32 s1, s30  }
0xbb: {  	s0 =	sor.u32 s3, s0;
	s1 =	sshll.u32 s1, $0x11  }
0xbc: {  	s0 =	sor.u32 s1, s0  }
0xbd: {  	s0 =	sadd.s32 $0x8F2B, s0  }
0xbe: {  	[sflag:s0] =	ssyncadd.remote.s32 $0x1  }
0xbf: {  	_ =	sfence.sel $0xFFFF  }
0xc0: {  	[dreg:$0x0] =	wrdreg $0xFFFFFFFF;
	(pc) =	sbr.abs _section_cstart, $3  }
0xc1: {  	[dreg:$0x1] =	wrdreg $0xFFFFFFFF  }
0xc2: {  	_ =	task.clear_ibuf [dreg:s7], $0x2FFFF;
	_ =	strace $0x9FFFFFFF  }
0xc3: {  	(tm) =	ssettm $0x7FFFFFFF  }
tec
execute0_lowered:
.L_overlay_start_1:
0x0: {  	(tag) =	ssettag $0x1  }
0x1: {  	s0 =	rddreg [dreg:$0x0]  }
0x2: {  	s1 =	rddreg [dreg:$0x1]  }
0x3: {  	s2 =	rddreg [dreg:$0x2]  }
0x4: {  	s3 =	srdreg.scid;
	s8 =	stileid.u32;
	s15 =	simm.s32 $0x3580  }
0x5: {  	s16 =	simm.s32 $0x1;
	s17 =	simm.s32 $0x80;
	s19 =	simm.s32 $0x3500  }
0x6: {  	s18 =	simm.s32 $0x2180;
	s20 =	simm.s32 $0x2B00;
	s21 =	simm.s32 $0x2C00  }
0x7: {  	s22 =	simm.s32 $0x2C80;
	s23 =	simm.s32 $0x2D00;
	s24 =	simm.s32 $0x2D80  }
0x8: {  	s25 =	simm.s32 $0x2E00;
	s28 =	simm.s32 $0x2F00;
	s29 =	simm.s32 $0x2F80  }
0x9: {  	s30 =	simm.s32 $0x3000;
	s31 =	simm.s32 $0x3080;
	s4 =	sand.u32 $0x1, s3  }
0xa: {  	s3 =	simm.s32 $0x0;
	s5 =	smul.u32 $0x210, s8;
	s9 =	sshll.u32 s8, $0x10  }
0xb: {  	s6 =	ssub.s32 $0x2, s4;
	[smem:$0x7FF] =	sst s3;
	s10 =	sshll.u32 s4, $0x9  }
0xc: {  	s4 =	sshll.u32 s4, $0x14;
	s7 =	sshrl.u32 s6, $0x1;
	_ =	strace $0x80000047  }
0xd: {  	s0 =	sadd.s32 s5, s0;
	s14 =	sor.u32 $0x400, s10;
	s4 =	sor.u32 s9, s4  }
0xe: {  	s12 =	ssub.s32 s6, s7;
	s13 =	sadd.s32 $0x6200, s0;
	s0 =	sadd.s32 $0x4000, s0  }
0xf: {  	s6 =	sadd.s32 s9, s2;
	s11 =	sshll.u32 s14, $0xB;
	[dreg:$0x4] =	wrdreg s13  }
0x10: {  	s4 =	sshrl.u32 s4, $0x3;
	[dreg:$0x5] =	wrdreg s0;
	s7 =	sadd.s32 $0x4000, s6  }
0x11: {  	s8 =	sadd.s32 $0x8000, s6;
	s11 =	sor.u32 s9, s11;
	s9 =	sadd.s32 $0xC000, s6  }
0x12: {  	s4 =	sadd.s32 s1, s4;
	s26 =	smax.u32 s12, $0x1;
	s13 =	simm.s32 $0x2  }
0x13: {  	s12 =	simm.s32 $0x2B80;
	s11 =	sshrl.u32 s11, $0x3;
	[dreg:$0x6] =	wrdreg s4  }
0x14: {  	v2 =	vimm.f32 $0.0e+00;
	s0 =	simm.s32 $0x3100;
	[dreg:$0x8] =	wrdreg s26;
	s1 =	sadd.s32 s1, s11  }
0x15: {  	v3 =	vimm.f32 $1.000000000e+00;
	v0 =	vmov s10;
	v1 =	vmov s14;
	s26 =	simm.s32 $0x2E80;
	s11 =	simm.s32 $0x2100;
	[dreg:$0x7] =	wrdreg s1  }
.LBB2_1:
0x16: {  	s1 =	simm.s32 $0x40;
	s4 =	simm.s32 $0x0  }
.LBB2_2:
0x17: {  	p0 =	sne.s32 s1, $0xFFC0;
	[tilespmem:s4+$0x3580] =	vst v2;
	s4 =	smov.u32 s1;
	s1 =	sadd.s32 $0x40, s1  }
.Ltmp0:
0x18: {  	(pc) =	sbr.rel @p0 .LBB2_2-.Ltmp0, $2  }
0x19: {  	_ =	sdelay $0x2  }
0x1a: {  	s4 =	sshra.s32 s4, $0x2  }
0x1b: {  	[tilespmem:s4+$0x3580] =	vst v2  }
0x1c: {  	[tilespmem:$0x3500] =	vst v3  }
0x1d: {  	[tilespmem:$0x3510] =	vst v3  }
0x1e: {  	[tilespmem:$0x3520] =	vst v3  }
0x1f: {  	[tilespmem:$0x3530] =	vst v3  }
0x20: {  	[tilespmem:$0x3540] =	vst v3  }
0x21: {  	[tilespmem:$0x3550] =	vst v3  }
0x22: {  	[tilespmem:$0x3560] =	vst v3  }
0x23: {  	s1 =	simm.s32 $0x0;
	s10 =	rddreg [dreg:$0x4];
	[tilespmem:$0x3570] =	vst v3  }
0x24: {  	[tilespmem:s1], [sflag:$0x2] =	stream.linear.gather [hbm4b:s10+s1], $0x1080, $0x38;
	[tilespmem:$0x17600] =	vst v63  }
0x25: {  	_ =	swait.ge [sflag:s13], $0x1080  }
0x26: {  	[sflag:s13] =	ssyncset.done $0x0  }
0x27: {  	s5 =	simm.s32 $0x1080;
	s14 =	rddreg [dreg:$0x5];
	[sflag:s13] =	ssyncadd.s32 $0xFFFFEF80  }
0x28: {  	[tilespmem:s5], [sflag:$0x2] =	stream.linear.gather [hbm4b:s14+s1], $0x1080, $0x38;
	[tilespmem:$0x17600] =	vst v63  }
0x29: {  	_ =	swait.ge [sflag:s13], $0x1080  }
0x2a: {  	[sflag:s13] =	ssyncset.done $0x0  }
0x2b: {  	[sflag:s13] =	ssyncadd.s32 $0xFFFFEF80  }
0x2c: {  	[spmem:s6] =	stream.linear.scatter [tilespmem:s15], [sflag:$0x1], $0x4000, $0x38;
	[tilespmem:$0x17600] =	vst v63  }
0x2d: {  	_ = 	snop  }
0x2e: {  	[spmem:s7] =	stream.linear.scatter [tilespmem:s15], [sflag:$0x1], $0x4000, $0x38;
	[tilespmem:$0x17600] =	vst v63  }
0x2f: {  	_ = 	snop  }
0x30: {  	[spmem:s8] =	stream.linear.scatter [tilespmem:s15], [sflag:$0x1], $0x4000, $0x38;
	[tilespmem:$0x17600] =	vst v63  }
0x31: {  	s5 =	simm.s32 $0x0  }
0x32: {  	[spmem:s9] =	stream.linear.scatter [tilespmem:s15], [sflag:$0x1], $0x4000, $0x38;
	[tilespmem:$0x17600] =	vst v63  }
0x33: {  	v4 =	vld [tilespmem:s5+$0x1080]  }
0x34: {  	v5 =	vld [tilespmem:s5+$0x0];
	_ =	sdelay $0x3  }
0x35: {  	v4 =	vsub.s32 v4, v0  }
0x36: {  	s10 =	sand.u32 $0x7E00, s1;
	v7 =	vand.u32 $0x3FF, v5;
	v6 =	vshll.u32 v4, $0xB  }
0x37: {  	s4 =	sshrl.u32 s10, $0x2;
	s14 =	sand.u32 $0x70, s1;
	vm0 =	vlt.u32 v4, $0x200;
	v4 =	vadd.s32 v5, v6;
	v5 =	vor.u32 $0x100000, v7  }
0x38: {  	s10 =	sor.u32 s14, s4;
	v4 =	vsel vm0, v4, v5  }
0x39: {  	s4 =	simm.s32 $0x40;
	s14 =	simm.s32 $0x10;
	s5 =	simm.s32 $0x80;
	[tilespmem:s10+$0x2100] =	vst v4  }
.LBB2_4:
0x3a: {  	p0 =	sne.s32 s5, $0x41C0;
	v4 =	vld [tilespmem:s14+$0x1080]  }
0x3b: {  	v5 =	vld [tilespmem:s14+$0x0];
	_ =	sdelay $0x3  }
.Ltmp1:
0x3c: {  	v4 =	vsub.s32 v4, v0;
	(pc) =	sbr.rel @p0 .LBB2_4-.Ltmp1, $4  }
0x3d: {  	s10 =	sand.u32 $0x7E00, s4;
	s1 =	sadd.s32 $0x10, s1;
	s4 =	smov.u32 s5;
	v6 =	vshll.u32 v4, $0xB;
	v7 =	vand.u32 $0x3FF, v5  }
0x3e: {  	s14 =	sand.u32 $0x70, s1;
	s10 =	sshrl.u32 s10, $0x2;
	vm0 =	vlt.u32 v4, $0x200;
	v4 =	vadd.s32 v5, v6;
	v5 =	vor.u32 $0x100000, v7  }
0x3f: {  	s10 =	sor.u32 s14, s10;
	v4 =	vsel vm0, v4, v5  }
0x40: {  	s5 =	sadd.s32 $0x40, s5;
	s14 =	sshra.s32 s4, $0x2;
	[tilespmem:s10+$0x2100] =	vst v4  }
0x41: {  	v4 =	vld [tilespmem:s14+$0x1080]  }
0x42: {  	v5 =	vld [tilespmem:s14+$0x0];
	_ =	sdelay $0x3  }
0x43: {  	v4 =	vsub.s32 v4, v0  }
0x44: {  	s4 =	sand.u32 $0x7E00, s4;
	s1 =	sadd.s32 $0x10, s1;
	v7 =	vand.u32 $0x3FF, v5;
	v6 =	vshll.u32 v4, $0xB  }
0x45: {  	s1 =	sand.u32 $0x70, s1;
	s4 =	sshrl.u32 s4, $0x2;
	vm0 =	vlt.u32 v4, $0x200;
	v4 =	vadd.s32 v5, v6;
	v5 =	vor.u32 $0x100000, v7  }
0x46: {  	s1 =	sor.u32 s1, s4;
	v4 =	vsel vm0, v4, v5  }
0x47: {  	[tilespmem:s1+$0x2100] =	vst v4  }
0x48: {  	_ =	swait.ge [sflag:s16], $0x4000  }
0x49: {  	[sflag:s16] =	ssyncset.done $0x0  }
0x4a: {  	[sflag:s16] =	ssyncadd.s32 $0xFFFFC000  }
0x4b: {  	_ =	swait.ge [sflag:s16], $0x4000  }
0x4c: {  	[sflag:s16] =	ssyncset.done $0x0  }
0x4d: {  	[sflag:s16] =	ssyncadd.s32 $0xFFFFC000  }
0x4e: {  	_ =	swait.ge [sflag:s16], $0x4000  }
0x4f: {  	[sflag:s16] =	ssyncset.done $0x0  }
0x50: {  	[sflag:s16] =	ssyncadd.s32 $0xFFFFC000  }
0x51: {  	_ =	swait.ge [sflag:s16], $0x4000  }
0x52: {  	[sflag:s16] =	ssyncset.done $0x0  }
0x53: {  	[sflag:s16] =	ssyncadd.s32 $0xFFFFC000  }
0x54: {  	[bflag:$0x0] =	sbarrier.arrive $0xFFFF  }
0x55: {  	[spmem:s2] =	stream.indirect.scatter.add.f32 [tilespmem:s19], [sflag:$0x1], $0x1, s11, s17, $0xb8;
	[tilespmem:$0x17600] =	vst v63  }
0x56: {  	_ = 	snop  }
0x57: {  	[spmem:s2] =	stream.indirect.scatter.add.f32 [tilespmem:s19], [sflag:$0x1], $0x1, s18, s17, $0xb8;
	[tilespmem:$0x17600] =	vst v63  }
0x58: {  	s4 =	simm.s32 $0x2200  }
0x59: {  	[spmem:s2] =	stream.indirect.scatter.add.f32 [tilespmem:s19], [sflag:$0x1], $0x1, s4, s17, $0xb8;
	[tilespmem:$0x17600] =	vst v63  }
0x5a: {  	s5 =	simm.s32 $0x2280  }
0x5b: {  	[spmem:s2] =	stream.indirect.scatter.add.f32 [tilespmem:s19], [sflag:$0x1], $0x1, s5, s17, $0xb8;
	[tilespmem:$0x17600] =	vst v63  }
0x5c: {  	s10 =	simm.s32 $0x2300  }
0x5d: {  	[spmem:s2] =	stream.indirect.scatter.add.f32 [tilespmem:s19], [sflag:$0x1], $0x1, s10, s17, $0xb8;
	[tilespmem:$0x17600] =	vst v63  }
0x5e: {  	s11 =	simm.s32 $0x2380  }
0x5f: {  	[spmem:s2] =	stream.indirect.scatter.add.f32 [tilespmem:s19], [sflag:$0x1], $0x1, s11, s17, $0xb8;
	[tilespmem:$0x17600] =	vst v63  }
0x60: {  	s14 =	simm.s32 $0x2400  }
0x61: {  	[spmem:s2] =	stream.indirect.scatter.add.f32 [tilespmem:s19], [sflag:$0x1], $0x1, s14, s17, $0xb8;
	[tilespmem:$0x17600] =	vst v63  }
0x62: {  	s18 =	simm.s32 $0x2480  }
0x63: {  	[spmem:s2] =	stream.indirect.scatter.add.f32 [tilespmem:s19], [sflag:$0x1], $0x1, s18, s17, $0xb8;
	[tilespmem:$0x17600] =	vst v63  }
0x64: {  	s4 =	simm.s32 $0x2500  }
0x65: {  	[spmem:s2] =	stream.indirect.scatter.add.f32 [tilespmem:s19], [sflag:$0x1], $0x1, s4, s17, $0xb8;
	[tilespmem:$0x17600] =	vst v63  }
0x66: {  	s5 =	simm.s32 $0x2580  }
0x67: {  	[spmem:s2] =	stream.indirect.scatter.add.f32 [tilespmem:s19], [sflag:$0x1], $0x1, s5, s17, $0xb8;
	[tilespmem:$0x17600] =	vst v63  }
0x68: {  	s10 =	simm.s32 $0x2600  }
0x69: {  	[spmem:s2] =	stream.indirect.scatter.add.f32 [tilespmem:s19], [sflag:$0x1], $0x1, s10, s17, $0xb8;
	[tilespmem:$0x17600] =	vst v63  }
0x6a: {  	s11 =	simm.s32 $0x2680  }
0x6b: {  	[spmem:s2] =	stream.indirect.scatter.add.f32 [tilespmem:s19], [sflag:$0x1], $0x1, s11, s17, $0xb8;
	[tilespmem:$0x17600] =	vst v63  }
0x6c: {  	s14 =	simm.s32 $0x2700  }
0x6d: {  	[spmem:s2] =	stream.indirect.scatter.add.f32 [tilespmem:s19], [sflag:$0x1], $0x1, s14, s17, $0xb8;
	[tilespmem:$0x17600] =	vst v63  }
0x6e: {  	s18 =	simm.s32 $0x2780  }
0x6f: {  	[spmem:s2] =	stream.indirect.scatter.add.f32 [tilespmem:s19], [sflag:$0x1], $0x1, s18, s17, $0xb8;
	[tilespmem:$0x17600] =	vst v63  }
0x70: {  	s4 =	simm.s32 $0x2800  }
0x71: {  	[spmem:s2] =	stream.indirect.scatter.add.f32 [tilespmem:s19], [sflag:$0x1], $0x1, s4, s17, $0xb8;
	[tilespmem:$0x17600] =	vst v63  }
0x72: {  	s5 =	simm.s32 $0x2880  }
0x73: {  	[spmem:s2] =	stream.indirect.scatter.add.f32 [tilespmem:s19], [sflag:$0x1], $0x1, s5, s17, $0xb8;
	[tilespmem:$0x17600] =	vst v63  }
0x74: {  	s10 =	simm.s32 $0x2900  }
0x75: {  	[spmem:s2] =	stream.indirect.scatter.add.f32 [tilespmem:s19], [sflag:$0x1], $0x1, s10, s17, $0xb8;
	[tilespmem:$0x17600] =	vst v63  }
0x76: {  	s11 =	simm.s32 $0x2980  }
0x77: {  	[spmem:s2] =	stream.indirect.scatter.add.f32 [tilespmem:s19], [sflag:$0x1], $0x1, s11, s17, $0xb8;
	[tilespmem:$0x17600] =	vst v63  }
0x78: {  	s14 =	simm.s32 $0x2A00  }
0x79: {  	[spmem:s2] =	stream.indirect.scatter.add.f32 [tilespmem:s19], [sflag:$0x1], $0x1, s14, s17, $0xb8;
	[tilespmem:$0x17600] =	vst v63  }
0x7a: {  	s18 =	simm.s32 $0x2A80  }
0x7b: {  	[spmem:s2] =	stream.indirect.scatter.add.f32 [tilespmem:s19], [sflag:$0x1], $0x1, s18, s17, $0xb8;
	[tilespmem:$0x17600] =	vst v63  }
0x7c: {  	_ = 	snop  }
0x7d: {  	[spmem:s2] =	stream.indirect.scatter.add.f32 [tilespmem:s19], [sflag:$0x1], $0x1, s20, s17, $0xb8;
	[tilespmem:$0x17600] =	vst v63  }
0x7e: {  	_ = 	snop  }
0x7f: {  	[spmem:s2] =	stream.indirect.scatter.add.f32 [tilespmem:s19], [sflag:$0x1], $0x1, s12, s17, $0xb8;
	[tilespmem:$0x17600] =	vst v63  }
0x80: {  	_ = 	snop  }
0x81: {  	[spmem:s2] =	stream.indirect.scatter.add.f32 [tilespmem:s19], [sflag:$0x1], $0x1, s21, s17, $0xb8;
	[tilespmem:$0x17600] =	vst v63  }
0x82: {  	_ = 	snop  }
0x83: {  	[spmem:s2] =	stream.indirect.scatter.add.f32 [tilespmem:s19], [sflag:$0x1], $0x1, s22, s17, $0xb8;
	[tilespmem:$0x17600] =	vst v63  }
0x84: {  	_ = 	snop  }
0x85: {  	[spmem:s2] =	stream.indirect.scatter.add.f32 [tilespmem:s19], [sflag:$0x1], $0x1, s23, s17, $0xb8;
	[tilespmem:$0x17600] =	vst v63  }
0x86: {  	_ = 	snop  }
0x87: {  	[spmem:s2] =	stream.indirect.scatter.add.f32 [tilespmem:s19], [sflag:$0x1], $0x1, s24, s17, $0xb8;
	[tilespmem:$0x17600] =	vst v63  }
0x88: {  	_ = 	snop  }
0x89: {  	[spmem:s2] =	stream.indirect.scatter.add.f32 [tilespmem:s19], [sflag:$0x1], $0x1, s25, s17, $0xb8;
	[tilespmem:$0x17600] =	vst v63  }
0x8a: {  	_ = 	snop  }
0x8b: {  	[spmem:s2] =	stream.indirect.scatter.add.f32 [tilespmem:s19], [sflag:$0x1], $0x1, s26, s17, $0xb8;
	[tilespmem:$0x17600] =	vst v63  }
0x8c: {  	_ = 	snop  }
0x8d: {  	[spmem:s2] =	stream.indirect.scatter.add.f32 [tilespmem:s19], [sflag:$0x1], $0x1, s28, s17, $0xb8;
	[tilespmem:$0x17600] =	vst v63  }
0x8e: {  	_ = 	snop  }
0x8f: {  	[spmem:s2] =	stream.indirect.scatter.add.f32 [tilespmem:s19], [sflag:$0x1], $0x1, s29, s17, $0xb8;
	[tilespmem:$0x17600] =	vst v63  }
0x90: {  	_ = 	snop  }
0x91: {  	[spmem:s2] =	stream.indirect.scatter.add.f32 [tilespmem:s19], [sflag:$0x1], $0x1, s30, s17, $0xb8;
	[tilespmem:$0x17600] =	vst v63  }
0x92: {  	_ = 	snop  }
0x93: {  	[spmem:s2] =	stream.indirect.scatter.add.f32 [tilespmem:s19], [sflag:$0x1], $0x1, s31, s17, $0xb8;
	[tilespmem:$0x17600] =	vst v63  }
0x94: {  	_ = 	snop  }
0x95: {  	[spmem:s2] =	stream.indirect.scatter.add.f32 [tilespmem:s19], [sflag:$0x1], $0x1, s0, s17, $0xb8;
	[tilespmem:$0x17600] =	vst v63  }
0x96: {  	_ =	swait.ge [sflag:s16], $0x80  }
0x97: {  	[sflag:s16] =	ssyncset.done $0x0  }
0x98: {  	[sflag:s16] =	ssyncadd.s32 $0xFFFFFF80  }
0x99: {  	_ =	swait.ge [sflag:s16], $0x80  }
0x9a: {  	[sflag:s16] =	ssyncset.done $0x0  }
0x9b: {  	[sflag:s16] =	ssyncadd.s32 $0xFFFFFF80  }
0x9c: {  	_ =	swait.ge [sflag:s16], $0x80  }
0x9d: {  	[sflag:s16] =	ssyncset.done $0x0  }
0x9e: {  	[sflag:s16] =	ssyncadd.s32 $0xFFFFFF80  }
0x9f: {  	_ =	swait.ge [sflag:s16], $0x80  }
0xa0: {  	[sflag:s16] =	ssyncset.done $0x0  }
0xa1: {  	[sflag:s16] =	ssyncadd.s32 $0xFFFFFF80  }
0xa2: {  	_ =	swait.ge [sflag:s16], $0x80  }
0xa3: {  	[sflag:s16] =	ssyncset.done $0x0  }
0xa4: {  	[sflag:s16] =	ssyncadd.s32 $0xFFFFFF80  }
0xa5: {  	_ =	swait.ge [sflag:s16], $0x80  }
0xa6: {  	[sflag:s16] =	ssyncset.done $0x0  }
0xa7: {  	[sflag:s16] =	ssyncadd.s32 $0xFFFFFF80  }
0xa8: {  	_ =	swait.ge [sflag:s16], $0x80  }
0xa9: {  	[sflag:s16] =	ssyncset.done $0x0  }
0xaa: {  	[sflag:s16] =	ssyncadd.s32 $0xFFFFFF80  }
0xab: {  	_ =	swait.ge [sflag:s16], $0x80  }
0xac: {  	[sflag:s16] =	ssyncset.done $0x0  }
0xad: {  	[sflag:s16] =	ssyncadd.s32 $0xFFFFFF80  }
0xae: {  	_ =	swait.ge [sflag:s16], $0x80  }
0xaf: {  	[sflag:s16] =	ssyncset.done $0x0  }
0xb0: {  	[sflag:s16] =	ssyncadd.s32 $0xFFFFFF80  }
0xb1: {  	_ =	swait.ge [sflag:s16], $0x80  }
0xb2: {  	[sflag:s16] =	ssyncset.done $0x0  }
0xb3: {  	[sflag:s16] =	ssyncadd.s32 $0xFFFFFF80  }
0xb4: {  	_ =	swait.ge [sflag:s16], $0x80  }
0xb5: {  	[sflag:s16] =	ssyncset.done $0x0  }
0xb6: {  	[sflag:s16] =	ssyncadd.s32 $0xFFFFFF80  }
0xb7: {  	_ =	swait.ge [sflag:s16], $0x80  }
0xb8: {  	[sflag:s16] =	ssyncset.done $0x0  }
0xb9: {  	[sflag:s16] =	ssyncadd.s32 $0xFFFFFF80  }
0xba: {  	_ =	swait.ge [sflag:s16], $0x80  }
0xbb: {  	[sflag:s16] =	ssyncset.done $0x0  }
0xbc: {  	[sflag:s16] =	ssyncadd.s32 $0xFFFFFF80  }
0xbd: {  	_ =	swait.ge [sflag:s16], $0x80  }
0xbe: {  	[sflag:s16] =	ssyncset.done $0x0  }
0xbf: {  	[sflag:s16] =	ssyncadd.s32 $0xFFFFFF80  }
0xc0: {  	_ =	swait.ge [sflag:s16], $0x80  }
0xc1: {  	[sflag:s16] =	ssyncset.done $0x0  }
0xc2: {  	[sflag:s16] =	ssyncadd.s32 $0xFFFFFF80  }
0xc3: {  	_ =	swait.ge [sflag:s16], $0x80  }
0xc4: {  	[sflag:s16] =	ssyncset.done $0x0  }
0xc5: {  	[sflag:s16] =	ssyncadd.s32 $0xFFFFFF80  }
0xc6: {  	_ =	swait.ge [sflag:s16], $0x80  }
0xc7: {  	[sflag:s16] =	ssyncset.done $0x0  }
0xc8: {  	[sflag:s16] =	ssyncadd.s32 $0xFFFFFF80  }
0xc9: {  	_ =	swait.ge [sflag:s16], $0x80  }
0xca: {  	[sflag:s16] =	ssyncset.done $0x0  }
0xcb: {  	[sflag:s16] =	ssyncadd.s32 $0xFFFFFF80  }
0xcc: {  	_ =	swait.ge [sflag:s16], $0x80  }
0xcd: {  	[sflag:s16] =	ssyncset.done $0x0  }
0xce: {  	[sflag:s16] =	ssyncadd.s32 $0xFFFFFF80  }
0xcf: {  	_ =	swait.ge [sflag:s16], $0x80  }
0xd0: {  	[sflag:s16] =	ssyncset.done $0x0  }
0xd1: {  	[sflag:s16] =	ssyncadd.s32 $0xFFFFFF80  }
0xd2: {  	_ =	swait.ge [sflag:s16], $0x80  }
0xd3: {  	[sflag:s16] =	ssyncset.done $0x0  }
0xd4: {  	[sflag:s16] =	ssyncadd.s32 $0xFFFFFF80  }
0xd5: {  	_ =	swait.ge [sflag:s16], $0x80  }
0xd6: {  	[sflag:s16] =	ssyncset.done $0x0  }
0xd7: {  	[sflag:s16] =	ssyncadd.s32 $0xFFFFFF80  }
0xd8: {  	_ =	swait.ge [sflag:s16], $0x80  }
0xd9: {  	[sflag:s16] =	ssyncset.done $0x0  }
0xda: {  	[sflag:s16] =	ssyncadd.s32 $0xFFFFFF80  }
0xdb: {  	_ =	swait.ge [sflag:s16], $0x80  }
0xdc: {  	[sflag:s16] =	ssyncset.done $0x0  }
0xdd: {  	[sflag:s16] =	ssyncadd.s32 $0xFFFFFF80  }
0xde: {  	_ =	swait.ge [sflag:s16], $0x80  }
0xdf: {  	[sflag:s16] =	ssyncset.done $0x0  }
0xe0: {  	[sflag:s16] =	ssyncadd.s32 $0xFFFFFF80  }
0xe1: {  	_ =	swait.ge [sflag:s16], $0x80  }
0xe2: {  	[sflag:s16] =	ssyncset.done $0x0  }
0xe3: {  	[sflag:s16] =	ssyncadd.s32 $0xFFFFFF80  }
0xe4: {  	_ =	swait.ge [sflag:s16], $0x80  }
0xe5: {  	[sflag:s16] =	ssyncset.done $0x0  }
0xe6: {  	[sflag:s16] =	ssyncadd.s32 $0xFFFFFF80  }
0xe7: {  	_ =	swait.ge [sflag:s16], $0x80  }
0xe8: {  	[sflag:s16] =	ssyncset.done $0x0  }
0xe9: {  	[sflag:s16] =	ssyncadd.s32 $0xFFFFFF80  }
0xea: {  	_ =	swait.ge [sflag:s16], $0x80  }
0xeb: {  	[sflag:s16] =	ssyncset.done $0x0  }
0xec: {  	[sflag:s16] =	ssyncadd.s32 $0xFFFFFF80  }
0xed: {  	_ =	swait.ge [sflag:s16], $0x80  }
0xee: {  	[sflag:s16] =	ssyncset.done $0x0  }
0xef: {  	[sflag:s16] =	ssyncadd.s32 $0xFFFFFF80  }
0xf0: {  	_ =	swait.ge [sflag:s16], $0x80  }
0xf1: {  	[sflag:s16] =	ssyncset.done $0x0  }
0xf2: {  	[sflag:s16] =	ssyncadd.s32 $0xFFFFFF80  }
0xf3: {  	_ =	swait.ge [sflag:s16], $0x80  }
0xf4: {  	[sflag:s16] =	ssyncset.done $0x0  }
0xf5: {  	[sflag:s16] =	ssyncadd.s32 $0xFFFFFF80  }
0xf6: {  	_ =	swait.ge [sflag:s16], $0x80  }
0xf7: {  	[sflag:s16] =	ssyncset.done $0x0  }
0xf8: {  	s4 =	stileid.u32;
	[sflag:s16] =	ssyncadd.s32 $0xFFFFFF80  }
0xf9: {  	s1 =	sshll.u32 s4, $0x6;
	[bflag:$0x0] =	sbarrier.arrive $0xFFFF  }
0xfa: {  	s14 =	sor.u32 $0x1C02, s1;
	s1 =	sshrl.u32 s6, $0x3;
	s5 =	rddreg [dreg:$0x6]  }
0xfb: {  	[hbm:s5], [sflag:s14] =	dma.local [spmem:s1], $0x2000  }
0xfc: {  	_ =	swait.ge [sflag:s13], $0x2000  }
0xfd: {  	[sflag:s13] =	ssyncset.done $0x0  }
0xfe: {  	[sflag:s13] =	ssyncadd.s32 $0xFFFFE000  }
0xff: {  	[bflag:$0x0] =	sbarrier.arrive $0xFFFF  }
0x100: {  	[spmem:s6] =	stream.linear.scatter [tilespmem:s15], [sflag:$0x1], $0x4000, $0x38;
	[tilespmem:$0x17600] =	vst v63  }
0x101: {  	_ = 	snop  }
0x102: {  	[spmem:s7] =	stream.linear.scatter [tilespmem:s15], [sflag:$0x1], $0x4000, $0x38;
	[tilespmem:$0x17600] =	vst v63  }
0x103: {  	_ = 	snop  }
0x104: {  	[spmem:s8] =	stream.linear.scatter [tilespmem:s15], [sflag:$0x1], $0x4000, $0x38;
	[tilespmem:$0x17600] =	vst v63  }
0x105: {  	s10 =	simm.s32 $0x0  }
0x106: {  	[spmem:s9] =	stream.linear.scatter [tilespmem:s15], [sflag:$0x1], $0x4000, $0x38;
	[tilespmem:$0x17600] =	vst v63  }
0x107: {  	v4 =	vld [tilespmem:s10+$0x1080]  }
0x108: {  	v5 =	vld [tilespmem:s10+$0x0];
	_ =	sdelay $0x3  }
0x109: {  	s4 =	simm.s32 $0x0;
	v4 =	vsub.s32 v4, v1  }
0x10a: {  	s5 =	sand.u32 $0x7E00, s4;
	v63 =	vand.u32 $0x3FF, v5;
	v62 =	vshll.u32 v4, $0xB  }
0x10b: {  	s5 =	sshrl.u32 s5, $0x2;
	s10 =	sand.u32 $0x70, s4;
	vm15 =	vlt.u32 v4, $0x200;
	v4 =	vadd.s32 v5, v62;
	v5 =	vor.u32 $0x100000, v63  }
0x10c: {  	s11 =	sor.u32 s10, s5;
	v4 =	vsel vm15, v4, v5  }
0x10d: {  	s18 =	simm.s32 $0x80;
	s5 =	simm.s32 $0x40;
	s10 =	simm.s32 $0x10;
	[tilespmem:s11+$0x2100] =	vst v4  }
.LBB2_6:
0x10e: {  	p0 =	sne.s32 s18, $0x41C0;
	v4 =	vld [tilespmem:s10+$0x1080]  }
0x10f: {  	v5 =	vld [tilespmem:s10+$0x0];
	_ =	sdelay $0x3  }
.Ltmp2:
0x110: {  	v4 =	vsub.s32 v4, v1;
	(pc) =	sbr.rel @p0 .LBB2_6-.Ltmp2, $4  }
0x111: {  	s4 =	sadd.s32 $0x10, s4;
	s10 =	sand.u32 $0x7E00, s5;
	s5 =	smov.u32 s18;
	v6 =	vshll.u32 v4, $0xB;
	v7 =	vand.u32 $0x3FF, v5  }
0x112: {  	s11 =	sand.u32 $0x70, s4;
	s10 =	sshrl.u32 s10, $0x2;
	vm0 =	vlt.u32 v4, $0x200;
	v4 =	vadd.s32 v5, v6;
	v5 =	vor.u32 $0x100000, v7  }
0x113: {  	s11 =	sor.u32 s11, s10;
	v4 =	vsel vm0, v4, v5  }
0x114: {  	s18 =	sadd.s32 $0x40, s18;
	s10 =	sshra.s32 s5, $0x2;
	[tilespmem:s11+$0x2100] =	vst v4  }
0x115: {  	v4 =	vld [tilespmem:s10+$0x1080]  }
0x116: {  	v5 =	vld [tilespmem:s10+$0x0];
	_ =	sdelay $0x3  }
0x117: {  	v4 =	vsub.s32 v4, v1  }
0x118: {  	s5 =	sand.u32 $0x7E00, s5;
	s4 =	sadd.s32 $0x10, s4;
	v7 =	vand.u32 $0x3FF, v5;
	v6 =	vshll.u32 v4, $0xB  }
0x119: {  	s4 =	sand.u32 $0x70, s4;
	s5 =	sshrl.u32 s5, $0x2;
	vm0 =	vlt.u32 v4, $0x200;
	v4 =	vadd.s32 v5, v6;
	v5 =	vor.u32 $0x100000, v7  }
0x11a: {  	s4 =	sor.u32 s4, s5;
	v4 =	vsel vm0, v4, v5  }
0x11b: {  	[tilespmem:s4+$0x2100] =	vst v4  }
0x11c: {  	_ =	swait.ge [sflag:s16], $0x4000  }
0x11d: {  	[sflag:s16] =	ssyncset.done $0x0  }
0x11e: {  	[sflag:s16] =	ssyncadd.s32 $0xFFFFC000  }
0x11f: {  	_ =	swait.ge [sflag:s16], $0x4000  }
0x120: {  	[sflag:s16] =	ssyncset.done $0x0  }
0x121: {  	[sflag:s16] =	ssyncadd.s32 $0xFFFFC000  }
0x122: {  	_ =	swait.ge [sflag:s16], $0x4000  }
0x123: {  	[sflag:s16] =	ssyncset.done $0x0  }
0x124: {  	[sflag:s16] =	ssyncadd.s32 $0xFFFFC000  }
0x125: {  	_ =	swait.ge [sflag:s16], $0x4000  }
0x126: {  	[sflag:s16] =	ssyncset.done $0x0  }
0x127: {  	[sflag:s16] =	ssyncadd.s32 $0xFFFFC000  }
0x128: {  	s11 =	simm.s32 $0x2100;
	[bflag:$0x0] =	sbarrier.arrive $0xFFFF  }
0x129: {  	[spmem:s2] =	stream.indirect.scatter.add.f32 [tilespmem:s19], [sflag:$0x1], $0x1, s11, s17, $0xb8;
	[tilespmem:$0x17600] =	vst v63  }
0x12a: {  	s18 =	simm.s32 $0x2180  }
0x12b: {  	[spmem:s2] =	stream.indirect.scatter.add.f32 [tilespmem:s19], [sflag:$0x1], $0x1, s18, s17, $0xb8;
	[tilespmem:$0x17600] =	vst v63  }
0x12c: {  	s10 =	simm.s32 $0x2200  }
0x12d: {  	[spmem:s2] =	stream.indirect.scatter.add.f32 [tilespmem:s19], [sflag:$0x1], $0x1, s10, s17, $0xb8;
	[tilespmem:$0x17600] =	vst v63  }
0x12e: {  	s5 =	simm.s32 $0x2280  }
0x12f: {  	[spmem:s2] =	stream.indirect.scatter.add.f32 [tilespmem:s19], [sflag:$0x1], $0x1, s5, s17, $0xb8;
	[tilespmem:$0x17600] =	vst v63  }
0x130: {  	s10 =	simm.s32 $0x2300  }
0x131: {  	[spmem:s2] =	stream.indirect.scatter.add.f32 [tilespmem:s19], [sflag:$0x1], $0x1, s10, s17, $0xb8;
	[tilespmem:$0x17600] =	vst v63  }
0x132: {  	s5 =	simm.s32 $0x2380  }
0x133: {  	[spmem:s2] =	stream.indirect.scatter.add.f32 [tilespmem:s19], [sflag:$0x1], $0x1, s5, s17, $0xb8;
	[tilespmem:$0x17600] =	vst v63  }
0x134: {  	s10 =	simm.s32 $0x2400  }
0x135: {  	[spmem:s2] =	stream.indirect.scatter.add.f32 [tilespmem:s19], [sflag:$0x1], $0x1, s10, s17, $0xb8;
	[tilespmem:$0x17600] =	vst v63  }
0x136: {  	s5 =	simm.s32 $0x2480  }
0x137: {  	[spmem:s2] =	stream.indirect.scatter.add.f32 [tilespmem:s19], [sflag:$0x1], $0x1, s5, s17, $0xb8;
	[tilespmem:$0x17600] =	vst v63  }
0x138: {  	s10 =	simm.s32 $0x2500  }
0x139: {  	[spmem:s2] =	stream.indirect.scatter.add.f32 [tilespmem:s19], [sflag:$0x1], $0x1, s10, s17, $0xb8;
	[tilespmem:$0x17600] =	vst v63  }
0x13a: {  	s5 =	simm.s32 $0x2580  }
0x13b: {  	[spmem:s2] =	stream.indirect.scatter.add.f32 [tilespmem:s19], [sflag:$0x1], $0x1, s5, s17, $0xb8;
	[tilespmem:$0x17600] =	vst v63  }
0x13c: {  	s10 =	simm.s32 $0x2600  }
0x13d: {  	[spmem:s2] =	stream.indirect.scatter.add.f32 [tilespmem:s19], [sflag:$0x1], $0x1, s10, s17, $0xb8;
	[tilespmem:$0x17600] =	vst v63  }
0x13e: {  	s5 =	simm.s32 $0x2680  }
0x13f: {  	[spmem:s2] =	stream.indirect.scatter.add.f32 [tilespmem:s19], [sflag:$0x1], $0x1, s5, s17, $0xb8;
	[tilespmem:$0x17600] =	vst v63  }
0x140: {  	s10 =	simm.s32 $0x2700  }
0x141: {  	[spmem:s2] =	stream.indirect.scatter.add.f32 [tilespmem:s19], [sflag:$0x1], $0x1, s10, s17, $0xb8;
	[tilespmem:$0x17600] =	vst v63  }
0x142: {  	s5 =	simm.s32 $0x2780  }
0x143: {  	[spmem:s2] =	stream.indirect.scatter.add.f32 [tilespmem:s19], [sflag:$0x1], $0x1, s5, s17, $0xb8;
	[tilespmem:$0x17600] =	vst v63  }
0x144: {  	s10 =	simm.s32 $0x2800  }
0x145: {  	[spmem:s2] =	stream.indirect.scatter.add.f32 [tilespmem:s19], [sflag:$0x1], $0x1, s10, s17, $0xb8;
	[tilespmem:$0x17600] =	vst v63  }
0x146: {  	s5 =	simm.s32 $0x2880  }
0x147: {  	[spmem:s2] =	stream.indirect.scatter.add.f32 [tilespmem:s19], [sflag:$0x1], $0x1, s5, s17, $0xb8;
	[tilespmem:$0x17600] =	vst v63  }
0x148: {  	s10 =	simm.s32 $0x2900  }
0x149: {  	[spmem:s2] =	stream.indirect.scatter.add.f32 [tilespmem:s19], [sflag:$0x1], $0x1, s10, s17, $0xb8;
	[tilespmem:$0x17600] =	vst v63  }
0x14a: {  	s5 =	simm.s32 $0x2980  }
0x14b: {  	[spmem:s2] =	stream.indirect.scatter.add.f32 [tilespmem:s19], [sflag:$0x1], $0x1, s5, s17, $0xb8;
	[tilespmem:$0x17600] =	vst v63  }
0x14c: {  	s10 =	simm.s32 $0x2A00  }
0x14d: {  	[spmem:s2] =	stream.indirect.scatter.add.f32 [tilespmem:s19], [sflag:$0x1], $0x1, s10, s17, $0xb8;
	[tilespmem:$0x17600] =	vst v63  }
0x14e: {  	s5 =	simm.s32 $0x2A80  }
0x14f: {  	[spmem:s2] =	stream.indirect.scatter.add.f32 [tilespmem:s19], [sflag:$0x1], $0x1, s5, s17, $0xb8;
	[tilespmem:$0x17600] =	vst v63  }
0x150: {  	_ = 	snop  }
0x151: {  	[spmem:s2] =	stream.indirect.scatter.add.f32 [tilespmem:s19], [sflag:$0x1], $0x1, s20, s17, $0xb8;
	[tilespmem:$0x17600] =	vst v63  }
0x152: {  	_ = 	snop  }
0x153: {  	[spmem:s2] =	stream.indirect.scatter.add.f32 [tilespmem:s19], [sflag:$0x1], $0x1, s12, s17, $0xb8;
	[tilespmem:$0x17600] =	vst v63  }
0x154: {  	_ = 	snop  }
0x155: {  	[spmem:s2] =	stream.indirect.scatter.add.f32 [tilespmem:s19], [sflag:$0x1], $0x1, s21, s17, $0xb8;
	[tilespmem:$0x17600] =	vst v63  }
0x156: {  	_ = 	snop  }
0x157: {  	[spmem:s2] =	stream.indirect.scatter.add.f32 [tilespmem:s19], [sflag:$0x1], $0x1, s22, s17, $0xb8;
	[tilespmem:$0x17600] =	vst v63  }
0x158: {  	_ = 	snop  }
0x159: {  	[spmem:s2] =	stream.indirect.scatter.add.f32 [tilespmem:s19], [sflag:$0x1], $0x1, s23, s17, $0xb8;
	[tilespmem:$0x17600] =	vst v63  }
0x15a: {  	_ = 	snop  }
0x15b: {  	[spmem:s2] =	stream.indirect.scatter.add.f32 [tilespmem:s19], [sflag:$0x1], $0x1, s24, s17, $0xb8;
	[tilespmem:$0x17600] =	vst v63  }
0x15c: {  	_ = 	snop  }
0x15d: {  	[spmem:s2] =	stream.indirect.scatter.add.f32 [tilespmem:s19], [sflag:$0x1], $0x1, s25, s17, $0xb8;
	[tilespmem:$0x17600] =	vst v63  }
0x15e: {  	_ = 	snop  }
0x15f: {  	[spmem:s2] =	stream.indirect.scatter.add.f32 [tilespmem:s19], [sflag:$0x1], $0x1, s26, s17, $0xb8;
	[tilespmem:$0x17600] =	vst v63  }
0x160: {  	_ = 	snop  }
0x161: {  	[spmem:s2] =	stream.indirect.scatter.add.f32 [tilespmem:s19], [sflag:$0x1], $0x1, s28, s17, $0xb8;
	[tilespmem:$0x17600] =	vst v63  }
0x162: {  	_ = 	snop  }
0x163: {  	[spmem:s2] =	stream.indirect.scatter.add.f32 [tilespmem:s19], [sflag:$0x1], $0x1, s29, s17, $0xb8;
	[tilespmem:$0x17600] =	vst v63  }
0x164: {  	_ = 	snop  }
0x165: {  	[spmem:s2] =	stream.indirect.scatter.add.f32 [tilespmem:s19], [sflag:$0x1], $0x1, s30, s17, $0xb8;
	[tilespmem:$0x17600] =	vst v63  }
0x166: {  	_ = 	snop  }
0x167: {  	[spmem:s2] =	stream.indirect.scatter.add.f32 [tilespmem:s19], [sflag:$0x1], $0x1, s31, s17, $0xb8;
	[tilespmem:$0x17600] =	vst v63  }
0x168: {  	_ = 	snop  }
0x169: {  	[spmem:s2] =	stream.indirect.scatter.add.f32 [tilespmem:s19], [sflag:$0x1], $0x1, s0, s17, $0xb8;
	[tilespmem:$0x17600] =	vst v63  }
0x16a: {  	_ =	swait.ge [sflag:s16], $0x80  }
0x16b: {  	[sflag:s16] =	ssyncset.done $0x0  }
0x16c: {  	[sflag:s16] =	ssyncadd.s32 $0xFFFFFF80  }
0x16d: {  	_ =	swait.ge [sflag:s16], $0x80  }
0x16e: {  	[sflag:s16] =	ssyncset.done $0x0  }
0x16f: {  	[sflag:s16] =	ssyncadd.s32 $0xFFFFFF80  }
0x170: {  	_ =	swait.ge [sflag:s16], $0x80  }
0x171: {  	[sflag:s16] =	ssyncset.done $0x0  }
0x172: {  	[sflag:s16] =	ssyncadd.s32 $0xFFFFFF80  }
0x173: {  	_ =	swait.ge [sflag:s16], $0x80  }
0x174: {  	[sflag:s16] =	ssyncset.done $0x0  }
0x175: {  	[sflag:s16] =	ssyncadd.s32 $0xFFFFFF80  }
0x176: {  	_ =	swait.ge [sflag:s16], $0x80  }
0x177: {  	[sflag:s16] =	ssyncset.done $0x0  }
0x178: {  	[sflag:s16] =	ssyncadd.s32 $0xFFFFFF80  }
0x179: {  	_ =	swait.ge [sflag:s16], $0x80  }
0x17a: {  	[sflag:s16] =	ssyncset.done $0x0  }
0x17b: {  	[sflag:s16] =	ssyncadd.s32 $0xFFFFFF80  }
0x17c: {  	_ =	swait.ge [sflag:s16], $0x80  }
0x17d: {  	[sflag:s16] =	ssyncset.done $0x0  }
0x17e: {  	[sflag:s16] =	ssyncadd.s32 $0xFFFFFF80  }
0x17f: {  	_ =	swait.ge [sflag:s16], $0x80  }
0x180: {  	[sflag:s16] =	ssyncset.done $0x0  }
0x181: {  	[sflag:s16] =	ssyncadd.s32 $0xFFFFFF80  }
0x182: {  	_ =	swait.ge [sflag:s16], $0x80  }
0x183: {  	[sflag:s16] =	ssyncset.done $0x0  }
0x184: {  	[sflag:s16] =	ssyncadd.s32 $0xFFFFFF80  }
0x185: {  	_ =	swait.ge [sflag:s16], $0x80  }
0x186: {  	[sflag:s16] =	ssyncset.done $0x0  }
0x187: {  	[sflag:s16] =	ssyncadd.s32 $0xFFFFFF80  }
0x188: {  	_ =	swait.ge [sflag:s16], $0x80  }
0x189: {  	[sflag:s16] =	ssyncset.done $0x0  }
0x18a: {  	[sflag:s16] =	ssyncadd.s32 $0xFFFFFF80  }
0x18b: {  	_ =	swait.ge [sflag:s16], $0x80  }
0x18c: {  	[sflag:s16] =	ssyncset.done $0x0  }
0x18d: {  	[sflag:s16] =	ssyncadd.s32 $0xFFFFFF80  }
0x18e: {  	_ =	swait.ge [sflag:s16], $0x80  }
0x18f: {  	[sflag:s16] =	ssyncset.done $0x0  }
0x190: {  	[sflag:s16] =	ssyncadd.s32 $0xFFFFFF80  }
0x191: {  	_ =	swait.ge [sflag:s16], $0x80  }
0x192: {  	[sflag:s16] =	ssyncset.done $0x0  }
0x193: {  	[sflag:s16] =	ssyncadd.s32 $0xFFFFFF80  }
0x194: {  	_ =	swait.ge [sflag:s16], $0x80  }
0x195: {  	[sflag:s16] =	ssyncset.done $0x0  }
0x196: {  	[sflag:s16] =	ssyncadd.s32 $0xFFFFFF80  }
0x197: {  	_ =	swait.ge [sflag:s16], $0x80  }
0x198: {  	[sflag:s16] =	ssyncset.done $0x0  }
0x199: {  	[sflag:s16] =	ssyncadd.s32 $0xFFFFFF80  }
0x19a: {  	_ =	swait.ge [sflag:s16], $0x80  }
0x19b: {  	[sflag:s16] =	ssyncset.done $0x0  }
0x19c: {  	[sflag:s16] =	ssyncadd.s32 $0xFFFFFF80  }
0x19d: {  	_ =	swait.ge [sflag:s16], $0x80  }
0x19e: {  	[sflag:s16] =	ssyncset.done $0x0  }
0x19f: {  	[sflag:s16] =	ssyncadd.s32 $0xFFFFFF80  }
0x1a0: {  	_ =	swait.ge [sflag:s16], $0x80  }
0x1a1: {  	[sflag:s16] =	ssyncset.done $0x0  }
0x1a2: {  	[sflag:s16] =	ssyncadd.s32 $0xFFFFFF80  }
0x1a3: {  	_ =	swait.ge [sflag:s16], $0x80  }
0x1a4: {  	[sflag:s16] =	ssyncset.done $0x0  }
0x1a5: {  	[sflag:s16] =	ssyncadd.s32 $0xFFFFFF80  }
0x1a6: {  	_ =	swait.ge [sflag:s16], $0x80  }
0x1a7: {  	[sflag:s16] =	ssyncset.done $0x0  }
0x1a8: {  	[sflag:s16] =	ssyncadd.s32 $0xFFFFFF80  }
0x1a9: {  	_ =	swait.ge [sflag:s16], $0x80  }
0x1aa: {  	[sflag:s16] =	ssyncset.done $0x0  }
0x1ab: {  	[sflag:s16] =	ssyncadd.s32 $0xFFFFFF80  }
0x1ac: {  	_ =	swait.ge [sflag:s16], $0x80  }
0x1ad: {  	[sflag:s16] =	ssyncset.done $0x0  }
0x1ae: {  	[sflag:s16] =	ssyncadd.s32 $0xFFFFFF80  }
0x1af: {  	_ =	swait.ge [sflag:s16], $0x80  }
0x1b0: {  	[sflag:s16] =	ssyncset.done $0x0  }
0x1b1: {  	[sflag:s16] =	ssyncadd.s32 $0xFFFFFF80  }
0x1b2: {  	_ =	swait.ge [sflag:s16], $0x80  }
0x1b3: {  	[sflag:s16] =	ssyncset.done $0x0  }
0x1b4: {  	[sflag:s16] =	ssyncadd.s32 $0xFFFFFF80  }
0x1b5: {  	_ =	swait.ge [sflag:s16], $0x80  }
0x1b6: {  	[sflag:s16] =	ssyncset.done $0x0  }
0x1b7: {  	[sflag:s16] =	ssyncadd.s32 $0xFFFFFF80  }
0x1b8: {  	_ =	swait.ge [sflag:s16], $0x80  }
0x1b9: {  	[sflag:s16] =	ssyncset.done $0x0  }
0x1ba: {  	[sflag:s16] =	ssyncadd.s32 $0xFFFFFF80  }
0x1bb: {  	_ =	swait.ge [sflag:s16], $0x80  }
0x1bc: {  	[sflag:s16] =	ssyncset.done $0x0  }
0x1bd: {  	[sflag:s16] =	ssyncadd.s32 $0xFFFFFF80  }
0x1be: {  	_ =	swait.ge [sflag:s16], $0x80  }
0x1bf: {  	[sflag:s16] =	ssyncset.done $0x0  }
0x1c0: {  	[sflag:s16] =	ssyncadd.s32 $0xFFFFFF80  }
0x1c1: {  	_ =	swait.ge [sflag:s16], $0x80  }
0x1c2: {  	[sflag:s16] =	ssyncset.done $0x0  }
0x1c3: {  	[sflag:s16] =	ssyncadd.s32 $0xFFFFFF80  }
0x1c4: {  	_ =	swait.ge [sflag:s16], $0x80  }
0x1c5: {  	[sflag:s16] =	ssyncset.done $0x0  }
0x1c6: {  	[sflag:s16] =	ssyncadd.s32 $0xFFFFFF80  }
0x1c7: {  	_ =	swait.ge [sflag:s16], $0x80  }
0x1c8: {  	[sflag:s16] =	ssyncset.done $0x0  }
0x1c9: {  	[sflag:s16] =	ssyncadd.s32 $0xFFFFFF80  }
0x1ca: {  	_ =	swait.ge [sflag:s16], $0x80  }
0x1cb: {  	[sflag:s16] =	ssyncset.done $0x0  }
0x1cc: {  	[sflag:s16] =	ssyncadd.s32 $0xFFFFFF80  }
0x1cd: {  	[bflag:$0x0] =	sbarrier.arrive $0xFFFF  }
0x1ce: {  	s10 =	rddreg [dreg:$0x7]  }
0x1cf: {  	[hbm:s10], [sflag:s14] =	dma.local [spmem:s1], $0x2000  }
0x1d0: {  	_ =	swait.ge [sflag:s13], $0x2000  }
0x1d1: {  	s3 =	sadd.s32 $0x1, s3;
	s14 =	rddreg [dreg:$0x8]  }
0x1d2: {  	p0 =	sne.s32 s3, s14  }
.Ltmp3:
0x1d3: {  	_ = 	snop;
	(pc) =	sbr.rel @p0 .LBB2_1-.Ltmp3, $3  }
0x1d4: {  	[sflag:s13] =	ssyncset.done $0x0  }
0x1d5: {  	[sflag:s13] =	ssyncadd.s32 $0xFFFFE000  }
0x1d6: {  	[bflag:$0x0] =	sbarrier.arrive $0xFFFF;
	_ =	sdelay $0x1  }
0x1d7: {  	_ =	sfence.sel $0x180000  }
0x1d8: {  	[bflag:$0x0] =	sbarrier.arrive $0xFFFF  }
0x1d9: {  	_ =	strace $0x90000047  }
0x1da: {  	s0 =	stileid.u32;
	[bflag:$0x2] =	sbarrier.arrive $0xFFFF  }
0x1db: {  	p0 =	sne.s32 s0, $0x0;
	s0 =	rddreg [dreg:$0x3]  }
0x1dc: {  	s0 =	sadd.s32 @!p0 $0x100000, s0  }
0x1dd: {  	[sflag:s0] =	ssyncadd.tile.s32 @!p0 $0x1;
	_ =	shalt  }
.Lfunc_end2:
_tile_overlayer_lowered:
.L_overlay_start_2:
0x1de: {  	(tag) =	ssettag $0x2  }
0x1df: {  	s0 =	rddreg [dreg:$0x0];
	s2 =	stileid.u32  }
0x1e0: {  	s1 =	rddreg [dreg:$0x1];
	p0 =	sne.s32 s2, $0x0  }
0x1e1: {  	s3 =	rddreg [dreg:$0x2];
	[bflag:$0x3] =	sbarrier.arrive $0xFFFF;
	s2 =	simm.s32 @!p0 $0x1C02  }
0x1e2: {  	[timem:s3], [sflag:s2] =	dma.local @!p0 [hbm:s0], s1  }
0x1e3: {  	s0 =	simm.s32 @!p0 $0x2  }
0x1e4: {  	_ =	swait.ge @!p0 [sflag:s0], s1  }
0x1e5: {  	s1 =	ssub.s32 @!p0 $0x0, s1;
	[sflag:s0] =	ssyncset.done @!p0 $0x0  }
0x1e6: {  	[sflag:s0] =	ssyncadd.s32 @!p0 s1  }
0x1e7: {  	[bflag:$0x3] =	sbarrier.arrive $0xFFFF  }
0x1e8: {  	_ =	shalt  }

</sc_bundles>
